<compile_context>
chip_gen: v7x
topology: tpu7x:2x2x1
jax: 0.10.2.dev20260603
libtpu: 0.0.44.dev20260713+nightly
codegen_flags: <defaults>
</compile_context>

<pallas_src>
import jax
import jax.numpy as jnp
from jax import lax
from jax.experimental import pallas as pl
from jax.experimental.pallas import tpu as pltpu
from jax.experimental.pallas import tpu_sc as plsc

NC = 2
NS = 16

N_USERS = 16384
N_GROUPS = 1024
EMB = 64
HEMB = EMB // NC
N_BEH = 819200

B = 128
BEH_PER_W = N_BEH // NS
NBATCH = BEH_PER_W // B
SB = 20
NSB = NBATCH // SB
UPT = N_USERS // NS
UB = 128
NUB = UPT // UB
GPT = N_GROUPS // NS
KV = HEMB // 16


def _lane_bcast(v, l):
  idx = jnp.full((16, 1), l, dtype=jnp.int32)
  dn = lax.GatherDimensionNumbers(
      offset_dims=(), collapsed_slice_dims=(0,), start_index_map=(0,))
  return lax.gather(v, idx, dn, slice_sizes=(1,),
                    mode=lax.GatherScatterMode.PROMISE_IN_BOUNDS)


def _p1_body(bidx_h, bcnt_h, bseg_h, it_h, ub_out,
             bidx_s, bcnt_s, bseg_s, rows, urows, ubeh, gsem):
  cid = lax.axis_index("c")
  sid = lax.axis_index("s")

  zero16 = jnp.zeros((16,), jnp.float32)

  def zrow(r, _):
    for k in range(KV):
      urows[r, pl.ds(k * 16, 16)] = zero16
    return 0
  lax.fori_loop(0, GPT, zrow, 0)

  def zcopy(j, _):
    pltpu.sync_copy(urows.at[pl.ds(0, GPT)],
                    ubeh.at[pl.ds(sid * UPT + j * GPT, GPT)])
    return 0
  lax.fori_loop(0, UPT // GPT, zcopy, 0)

  plsc.subcore_barrier()

  def superstep(s, _):
    pltpu.sync_copy(bidx_h.at[sid, pl.ds(s * SB, SB)], bidx_s)
    pltpu.sync_copy(bcnt_h.at[sid, pl.ds(s * SB, SB)], bcnt_s)
    pltpu.sync_copy(bseg_h.at[sid, pl.ds(s * SB, SB)], bseg_s)

    def btrans(i, _):
      r = i // (B // 16)
      c0 = pl.multiple_of((i % (B // 16)) * 16, 16)
      iv = bidx_s[r, pl.ds(c0, 16)]
      cv = bcnt_s[r, pl.ds(c0, 16)]
      bcnt_s[r, pl.ds(c0, 16)] = jnp.where(iv != 0, cv, 0.0)
      bidx_s[r, pl.ds(c0, 16)] = iv * NC + cid
      return 0
    lax.fori_loop(0, SB * B // 16, btrans, 0)

    pltpu.async_copy(it_h.at[bidx_s.at[0]], rows.at[0], gsem)

    def pairstep(jj, _):
      for p in range(2):
        j = jj * 2 + p
        pltpu.make_async_copy(it_h.at[bidx_s.at[j]], rows.at[p], gsem).wait()

        @pl.when(j + 1 < SB)
        def _prefetch():
          pltpu.async_copy(it_h.at[bidx_s.at[j + 1]], rows.at[1 - p], gsem)

        def blk16(i, _, p=p, j=j):
          base = pl.multiple_of(i * 16, 16)
          cvec = bcnt_s[j, pl.ds(base, 16)]
          for l in range(16):
            cl = _lane_bcast(cvec, l)
            r = i * 16 + l
            for k in range(KV):
              rows[p, r, pl.ds(k * 16, 16)] = rows[p, r, pl.ds(k * 16, 16)] * cl
          return 0
        lax.fori_loop(0, B // 16, blk16, 0)
        pltpu.sync_copy(rows.at[p], ubeh.at[bseg_s.at[j]], add=True)
      return 0
    lax.fori_loop(0, SB // 2, pairstep, 0)
    return 0
  lax.fori_loop(0, NSB, superstep, 0)

  plsc.subcore_barrier()

  def udump(j, _):
    pltpu.sync_copy(ubeh.at[pl.ds(sid * UPT + j * UB, UB)],
                    urows.at[pl.ds(0, UB)])
    pltpu.sync_copy(urows.at[pl.ds(0, UB)],
                    ub_out.at[cid, pl.ds(sid * UPT + j * UB, UB)])
    return 0
  lax.fori_loop(0, UPT // UB, udump, 0)


def _p2_body(uidx_h, gidx_h, ut_h, ubeh_h, out_h,
             uidx, gidx, umsk, ubuf, urows, gacc, gsem):
  cid = lax.axis_index("c")
  sid = lax.axis_index("s")

  zero16 = jnp.zeros((16,), jnp.float32)

  def zrow(r, _):
    for k in range(KV):
      urows[r, pl.ds(k * 16, 16)] = zero16
    return 0
  lax.fori_loop(0, GPT, zrow, 0)
  pltpu.sync_copy(urows.at[pl.ds(0, GPT)], gacc.at[pl.ds(sid * GPT, GPT)])

  plsc.subcore_barrier()

  pltpu.sync_copy(uidx_h.at[sid], uidx)
  pltpu.sync_copy(gidx_h.at[sid], gidx)

  def utrans(i, _):
    r = i // (UB // 16)
    c0 = pl.multiple_of((i % (UB // 16)) * 16, 16)
    uv = uidx[r, pl.ds(c0, 16)]
    umsk[r, pl.ds(c0, 16)] = jnp.where(
        uv != 0, jnp.ones((16,), jnp.float32), jnp.zeros((16,), jnp.float32))
    uidx[r, pl.ds(c0, 16)] = uv * NC + cid
    return 0
  lax.fori_loop(0, UPT // 16, utrans, 0)

  def ubatch(j, _):
    pltpu.async_copy(ut_h.at[uidx.at[j]], urows, gsem).wait()
    pltpu.sync_copy(ubeh_h.at[cid, pl.ds(sid * UPT + j * UB, UB)], ubuf)

    def blk16(i, _):
      base = pl.multiple_of(i * 16, 16)
      mvec = umsk[j, pl.ds(base, 16)]
      for l in range(16):
        ml = _lane_bcast(mvec, l)
        r = i * 16 + l
        for k in range(KV):
          urows[r, pl.ds(k * 16, 16)] = (
              urows[r, pl.ds(k * 16, 16)] * ubuf[r, pl.ds(k * 16, 16)] * ml)
      return 0
    lax.fori_loop(0, UB // 16, blk16, 0)
    pltpu.sync_copy(urows, gacc.at[gidx.at[j]], add=True)
    return 0
  lax.fori_loop(0, NUB, ubatch, 0)

  plsc.subcore_barrier()

  pltpu.sync_copy(gacc.at[pl.ds(sid * GPT, GPT)], urows.at[pl.ds(0, GPT)])
  pltpu.sync_copy(urows.at[pl.ds(0, GPT)],
                  out_h.at[pl.ds(sid * GPT, GPT), pl.ds(cid * HEMB, HEMB)])


def kernel(user_ids, group_segment_ids, item_ids, counts, user_segment_ids,
           user_table, item_table):
  bidx = item_ids.astype(jnp.int32).reshape(NS, NBATCH, B)
  bcnt = counts.reshape(NS, NBATCH, B)
  bseg = user_segment_ids.astype(jnp.int32).reshape(NS, NBATCH, B)
  uidx = user_ids.astype(jnp.int32).reshape(NS, NUB, UB)
  gidx = group_segment_ids.astype(jnp.int32).reshape(NS, NUB, UB)
  ut2 = user_table.reshape(-1, HEMB)
  it2 = item_table.reshape(-1, HEMB)

  mesh = plsc.VectorSubcoreMesh(
      core_axis_name="c", subcore_axis_name="s", num_cores=NC, num_subcores=NS)
  p1 = pl.kernel(
      _p1_body,
      out_type=jax.ShapeDtypeStruct((NC, N_USERS, HEMB), jnp.float32),
      mesh=mesh,
      scratch_types=[
          pltpu.VMEM((SB, B), jnp.int32),
          pltpu.VMEM((SB, B), jnp.float32),
          pltpu.VMEM((SB, B), jnp.int32),
          pltpu.VMEM((2, B, HEMB), jnp.float32),
          pltpu.VMEM((UB, HEMB), jnp.float32),
          pltpu.VMEM_SHARED((N_USERS, HEMB), jnp.float32),
          pltpu.SemaphoreType.DMA,
      ],
      compiler_params=pltpu.CompilerParams(use_tc_tiling_on_sc=False),
  )
  ubeh_hbm = p1(bidx, bcnt, bseg, it2)

  p2 = pl.kernel(
      _p2_body,
      out_type=jax.ShapeDtypeStruct((N_GROUPS, EMB), jnp.float32),
      mesh=mesh,
      scratch_types=[
          pltpu.VMEM((NUB, UB), jnp.int32),
          pltpu.VMEM((NUB, UB), jnp.int32),
          pltpu.VMEM((NUB, UB), jnp.float32),
          pltpu.VMEM((UB, HEMB), jnp.float32),
          pltpu.VMEM((UB, HEMB), jnp.float32),
          pltpu.VMEM_SHARED((N_GROUPS, HEMB), jnp.float32),
          pltpu.SemaphoreType.DMA,
      ],
      compiler_params=pltpu.CompilerParams(use_tc_tiling_on_sc=False),
  )
  return p2(uidx, gidx, ut2, ubeh_hbm)

# --- scband reference (transcript-rebuilt; emitter-appended) ---
"""Pipeline reference for scband-group-embedding-72980084294355 (READ-ONLY COPY).

The authoritative reference and input builder live on the scoring server;
editing this copy changes nothing except your own understanding.
"""

import jax, jax.numpy as jnp
import numpy as np

USER_NUM = 1_000_000
ITEM_NUM = 1_000_000
EMB = 64
N_GROUPS = 1024
TOTAL_USERS = 16384
TOTAL_BEH = 819200


def setup_inputs(seed: int = 0) -> dict:
    key = jax.random.key(seed)
    ks = jax.random.split(key, 7)
    user_ids = jax.random.randint(ks[0], (TOTAL_USERS,), 0, USER_NUM, dtype=jnp.int64 if jax.config.jax_enable_x64 else jnp.int32)
    group_segment_ids = jnp.sort(jax.random.randint(ks[1], (TOTAL_USERS,), 0, N_GROUPS))
    item_ids = jax.random.randint(ks[2], (TOTAL_BEH,), 0, ITEM_NUM)
    counts = jax.random.uniform(ks[3], (TOTAL_BEH,), dtype=jnp.float32)
    user_segment_ids = jnp.sort(jax.random.randint(ks[4], (TOTAL_BEH,), 0, TOTAL_USERS))
    user_table = jax.random.normal(ks[5], (USER_NUM, EMB), dtype=jnp.float32) * 0.02
    item_table = jax.random.normal(ks[6], (ITEM_NUM, EMB), dtype=jnp.float32) * 0.02
    return {
        "user_ids": user_ids,
        "group_segment_ids": group_segment_ids,
        "item_ids": item_ids,
        "counts": counts,
        "user_segment_ids": user_segment_ids,
        "user_table": user_table,
        "item_table": item_table,
    }


def reference(user_ids, group_segment_ids, item_ids, counts, user_segment_ids, user_table, item_table):
    # padding_idx=0 semantics: row 0 of each embedding table is zero
    ut = user_table.at[0].set(0.0)
    it = item_table.at[0].set(0.0)
    # per-behavior: item_emb[b_id] * count  (gather + scale)
    beh = jnp.take(it, item_ids, axis=0) * counts[:, None]
    # per-user: sum over that user's behaviors (ragged segment reduce)
    user_beh = jax.ops.segment_sum(beh, user_segment_ids, num_segments=TOTAL_USERS)
    # personalize: elementwise product with the user's own embedding
    pers = user_beh * jnp.take(ut, user_ids, axis=0)
    # per-group: sum personalized embeddings over group's users
    group_embedding = jax.ops.segment_sum(pers, group_segment_ids, num_segments=N_GROUPS)
    return group_embedding

if __name__ == "__main__":
    import jax
    _d = setup_inputs()
    print(jax.jit(kernel)(*tuple(_d.values())))

</pallas_src>

<mosaic_0001>
#map = affine_map<(d0, d1) -> (0, 0, 0)>
#map1 = affine_map<(d0, d1) -> (0, 0)>
module attributes {stable_mosaic.version = 14 : i64} {
  func.func @_p2_body(%arg0: i32, %arg1: i32, %arg2: memref<16x8x128xi32, #tpu.memory_space<hbm>>, %arg3: memref<16x8x128xi32, #tpu.memory_space<hbm>>, %arg4: memref<2000000x32xf32, #tpu.memory_space<hbm>>, %arg5: memref<2x16384x32xf32, #tpu.memory_space<hbm>>, %arg6: memref<1024x64xf32, #tpu.memory_space<hbm>>, %arg7: memref<8x128xi32, #tpu.memory_space<vmem>>, %arg8: memref<8x128xi32, #tpu.memory_space<vmem>>, %arg9: memref<8x128xf32, #tpu.memory_space<vmem>>, %arg10: memref<128x32xf32, #tpu.memory_space<vmem>>, %arg11: memref<128x32xf32, #tpu.memory_space<vmem>>, %arg12: memref<1024x32xf32, #tpu.memory_space<vmem_shared>>, %arg13: memref<!tpu.dma_semaphore, #tpu.memory_space<semaphore_mem>>) attributes {dimension_semantics = [#tpu.dimension_semantics<core_parallel>, #tpu.dimension_semantics<subcore_parallel>], iteration_bounds = array<i64: 2, 16>, scalar_prefetch = 0 : i64, scratch_operands = 7 : i64, tpu.core_type = #tpu.core_type<sc_vector_subcore>, window_params = [{transform_indices = #map}, {transform_indices = #map}, {transform_indices = #map1}, {transform_indices = #map}, {transform_indices = #map1}]} {
    %broadcast_in_dim3A = arith.constant 0.000000e+00 : f32
    %broadcast_in_dim3A_0 = vector.broadcast %broadcast_in_dim3A : f32 to vector<16xf32>
    %scan3A = arith.constant 0 : i32
    %scan3A_1 = arith.constant 0 : i32
    %scan3A_2 = arith.constant 64 : i32
    %scan3A_3 = arith.addi %scan3A_1, %scan3A_2 : i32
    %scan3A_4 = arith.constant 1 : i32
    %scan3A_5 = scf.for %scan3A_29 = %scan3A_1 to %scan3A_3 step %scan3A_4 iter_args(%scan3A_30 = %scan3A) -> (i32)  : i32 {
      %swap3A = arith.index_cast %scan3A_29 : i32 to index
      %swap3A_31 = arith.constant 0 : index
      %swap3A_32 = tpu.vector_load %arg11[%swap3A, %swap3A_31] {strides = array<i32>} : memref<128x32xf32, #tpu.memory_space<vmem>>, vector<1x16xf32>,
      %swap3A_33 = vector.shape_cast %swap3A_32 : vector<1x16xf32> to vector<16xf32>
      %swap3A_34 = vector.shape_cast %broadcast_in_dim3A_0 : vector<16xf32> to vector<1x16xf32>
      tpu.vector_store %arg11[%swap3A, %swap3A_31], %swap3A_34 {strides = array<i32>} : memref<128x32xf32, #tpu.memory_space<vmem>>, vector<1x16xf32>,
      %swap3A_35 = arith.index_cast %scan3A_29 : i32 to index
      %swap3A_36 = arith.constant 16 : index
      %swap3A_37 = tpu.vector_load %arg11[%swap3A_35, %swap3A_36] {strides = array<i32>} : memref<128x32xf32, #tpu.memory_space<vmem>>, vector<1x16xf32>,
      %swap3A_38 = vector.shape_cast %swap3A_37 : vector<1x16xf32> to vector<16xf32>
      %swap3A_39 = vector.shape_cast %broadcast_in_dim3A_0 : vector<16xf32> to vector<1x16xf32>
      tpu.vector_store %arg11[%swap3A_35, %swap3A_36], %swap3A_39 {strides = array<i32>} : memref<128x32xf32, #tpu.memory_space<vmem>>, vector<1x16xf32>,
      %scan3A_40 = arith.constant 0 : i32
      scf.yield %scan3A_40 : i32
    }
    %scan3A_6 = arith.constant 64 : i32
    %mul3A = arith.constant 64 : i32
    %mul3A_7 = arith.muli %arg1, %mul3A : i32
    "tpu.region"() ({
      %run_scoped3A = tpu.sem_alloc : memref<!tpu.dma_semaphore, #tpu.memory_space<semaphore_mem>>
      %dma_start3A = arith.constant 0 : i32
      %dma_start3A_29 = arith.constant 0 : i32
      %dma_start3A_30 = tpu.memref_slice %arg11[%dma_start3A, %dma_start3A_29] : memref<128x32xf32, #tpu.memory_space<vmem>> -> memref<64x32xf32, #tpu.memory_space<vmem>>
      %dma_start3A_31 = arith.constant 0 : i32
      %dma_start3A_32 = tpu.memref_slice %arg12[%mul3A_7, %dma_start3A_31] : memref<1024x32xf32, #tpu.memory_space<vmem_shared>> -> memref<64x32xf32, #tpu.memory_space<vmem_shared>>
      %dma_start3A_33 = arith.constant 0 : i32
      %dma_start3A_34 = tpu.memref_slice %arg12[%mul3A_7, %dma_start3A_33] : memref<1024x32xf32, #tpu.memory_space<vmem_shared>> -> memref<64x32xf32, #tpu.memory_space<vmem_shared>>
      %dma_start3A_35 = arith.constant 0 : i32
      %dma_start3A_36 = arith.constant 0 : i32
      %dma_start3A_37 = tpu.memref_slice %arg11[%dma_start3A_35, %dma_start3A_36] : memref<128x32xf32, #tpu.memory_space<vmem>> -> memref<64x32xf32, #tpu.memory_space<vmem>>
      tpu.enqueue_dma source(%dma_start3A_37 : memref<64x32xf32, #tpu.memory_space<vmem>>) target(%dma_start3A_34 : memref<64x32xf32, #tpu.memory_space<vmem_shared>>) target_semaphore(%run_scoped3A : memref<!tpu.dma_semaphore, #tpu.memory_space<semaphore_mem>>)
      %dma_wait3A = arith.constant 0 : i32
      %dma_wait3A_38 = arith.constant 0 : i32
      %dma_wait3A_39 = tpu.memref_slice %arg11[%dma_wait3A, %dma_wait3A_38] : memref<128x32xf32, #tpu.memory_space<vmem>> -> memref<64x32xf32, #tpu.memory_space<vmem>>
      %dma_wait3A_40 = arith.constant 0 : i32
      %dma_wait3A_41 = tpu.memref_slice %arg12[%mul3A_7, %dma_wait3A_40] : memref<1024x32xf32, #tpu.memory_space<vmem_shared>> -> memref<64x32xf32, #tpu.memory_space<vmem_shared>>
      %dma_wait3A_42 = arith.constant 0 : i32
      %dma_wait3A_43 = tpu.memref_slice %arg12[%mul3A_7, %dma_wait3A_42] : memref<1024x32xf32, #tpu.memory_space<vmem_shared>> -> memref<64x32xf32, #tpu.memory_space<vmem_shared>>
      %dma_wait3A_44 = arith.constant 0 : i32
      %dma_wait3A_45 = arith.constant 0 : i32
      %dma_wait3A_46 = tpu.memref_slice %arg11[%dma_wait3A_44, %dma_wait3A_45] : memref<128x32xf32, #tpu.memory_space<vmem>> -> memref<64x32xf32, #tpu.memory_space<vmem>>
      tpu.wait_dma2 semaphore(%run_scoped3A : memref<!tpu.dma_semaphore, #tpu.memory_space<semaphore_mem>>) src(%dma_wait3A_46 : memref<64x32xf32, #tpu.memory_space<vmem>>) dst(%dma_wait3A_43 : memref<64x32xf32, #tpu.memory_space<vmem_shared>>)
      tpu.yield
    }) : () -> ()
    %barrier3A = arith.constant 0 : index
    tpu.barrier barrier_id(%barrier3A)
    "tpu.region"() ({
      %run_scoped3A = tpu.sem_alloc : memref<!tpu.dma_semaphore, #tpu.memory_space<semaphore_mem>>
      %dma_start3A = arith.constant 0 : i32
      %dma_start3A_29 = arith.constant 0 : i32
      %dma_start3A_30 = tpu.memref_slice %arg2[%arg1, %dma_start3A, %dma_start3A_29] : memref<16x8x128xi32, #tpu.memory_space<hbm>> -> memref<1x8x128xi32, #tpu.memory_space<hbm>>
      %dma_start3A_31 = tpu.memref_squeeze %dma_start3A_30 : memref<1x8x128xi32, #tpu.memory_space<hbm>> -> memref<8x128xi32, #tpu.memory_space<hbm>>
      %dma_start3A_32 = arith.constant 0 : i32
      %dma_start3A_33 = arith.constant 0 : i32
      %dma_start3A_34 = tpu.memref_slice %arg2[%arg1, %dma_start3A_32, %dma_start3A_33] : memref<16x8x128xi32, #tpu.memory_space<hbm>> -> memref<1x8x128xi32, #tpu.memory_space<hbm>>
      %dma_start3A_35 = tpu.memref_squeeze %dma_start3A_34 : memref<1x8x128xi32, #tpu.memory_space<hbm>> -> memref<8x128xi32, #tpu.memory_space<hbm>>
      tpu.enqueue_dma source(%dma_start3A_35 : memref<8x128xi32, #tpu.memory_space<hbm>>) target(%arg7 : memref<8x128xi32, #tpu.memory_space<vmem>>) target_semaphore(%run_scoped3A : memref<!tpu.dma_semaphore, #tpu.memory_space<semaphore_mem>>)
      %dma_wait3A = arith.constant 0 : i32
      %dma_wait3A_36 = arith.constant 0 : i32
      %dma_wait3A_37 = tpu.memref_slice %arg2[%arg1, %dma_wait3A, %dma_wait3A_36] : memref<16x8x128xi32, #tpu.memory_space<hbm>> -> memref<1x8x128xi32, #tpu.memory_space<hbm>>
      %dma_wait3A_38 = tpu.memref_squeeze %dma_wait3A_37 : memref<1x8x128xi32, #tpu.memory_space<hbm>> -> memref<8x128xi32, #tpu.memory_space<hbm>>
      %dma_wait3A_39 = arith.constant 0 : i32
      %dma_wait3A_40 = arith.constant 0 : i32
      %dma_wait3A_41 = tpu.memref_slice %arg2[%arg1, %dma_wait3A_39, %dma_wait3A_40] : memref<16x8x128xi32, #tpu.memory_space<hbm>> -> memref<1x8x128xi32, #tpu.memory_space<hbm>>
      %dma_wait3A_42 = tpu.memref_squeeze %dma_wait3A_41 : memref<1x8x128xi32, #tpu.memory_space<hbm>> -> memref<8x128xi32, #tpu.memory_space<hbm>>
      tpu.wait_dma2 semaphore(%run_scoped3A : memref<!tpu.dma_semaphore, #tpu.memory_space<semaphore_mem>>) src(%dma_wait3A_42 : memref<8x128xi32, #tpu.memory_space<hbm>>) dst(%arg7 : memref<8x128xi32, #tpu.memory_space<vmem>>)
      tpu.yield
    }) : () -> ()
    "tpu.region"() ({
      %run_scoped3A = tpu.sem_alloc : memref<!tpu.dma_semaphore, #tpu.memory_space<semaphore_mem>>
      %dma_start3A = arith.constant 0 : i32
      %dma_start3A_29 = arith.constant 0 : i32
      %dma_start3A_30 = tpu.memref_slice %arg3[%arg1, %dma_start3A, %dma_start3A_29] : memref<16x8x128xi32, #tpu.memory_space<hbm>> -> memref<1x8x128xi32, #tpu.memory_space<hbm>>
      %dma_start3A_31 = tpu.memref_squeeze %dma_start3A_30 : memref<1x8x128xi32, #tpu.memory_space<hbm>> -> memref<8x128xi32, #tpu.memory_space<hbm>>
      %dma_start3A_32 = arith.constant 0 : i32
      %dma_start3A_33 = arith.constant 0 : i32
      %dma_start3A_34 = tpu.memref_slice %arg3[%arg1, %dma_start3A_32, %dma_start3A_33] : memref<16x8x128xi32, #tpu.memory_space<hbm>> -> memref<1x8x128xi32, #tpu.memory_space<hbm>>
      %dma_start3A_35 = tpu.memref_squeeze %dma_start3A_34 : memref<1x8x128xi32, #tpu.memory_space<hbm>> -> memref<8x128xi32, #tpu.memory_space<hbm>>
      tpu.enqueue_dma source(%dma_start3A_35 : memref<8x128xi32, #tpu.memory_space<hbm>>) target(%arg8 : memref<8x128xi32, #tpu.memory_space<vmem>>) target_semaphore(%run_scoped3A : memref<!tpu.dma_semaphore, #tpu.memory_space<semaphore_mem>>)
      %dma_wait3A = arith.constant 0 : i32
      %dma_wait3A_36 = arith.constant 0 : i32
      %dma_wait3A_37 = tpu.memref_slice %arg3[%arg1, %dma_wait3A, %dma_wait3A_36] : memref<16x8x128xi32, #tpu.memory_space<hbm>> -> memref<1x8x128xi32, #tpu.memory_space<hbm>>
      %dma_wait3A_38 = tpu.memref_squeeze %dma_wait3A_37 : memref<1x8x128xi32, #tpu.memory_space<hbm>> -> memref<8x128xi32, #tpu.memory_space<hbm>>
      %dma_wait3A_39 = arith.constant 0 : i32
      %dma_wait3A_40 = arith.constant 0 : i32
      %dma_wait3A_41 = tpu.memref_slice %arg3[%arg1, %dma_wait3A_39, %dma_wait3A_40] : memref<16x8x128xi32, #tpu.memory_space<hbm>> -> memref<1x8x128xi32, #tpu.memory_space<hbm>>
      %dma_wait3A_42 = tpu.memref_squeeze %dma_wait3A_41 : memref<1x8x128xi32, #tpu.memory_space<hbm>> -> memref<8x128xi32, #tpu.memory_space<hbm>>
      tpu.wait_dma2 semaphore(%run_scoped3A : memref<!tpu.dma_semaphore, #tpu.memory_space<semaphore_mem>>) src(%dma_wait3A_42 : memref<8x128xi32, #tpu.memory_space<hbm>>) dst(%arg8 : memref<8x128xi32, #tpu.memory_space<vmem>>)
      tpu.yield
    }) : () -> ()
    %scan3A_8 = arith.constant 0 : i32
    %scan3A_9 = arith.constant 0 : i32
    %scan3A_10 = arith.constant 64 : i32
    %scan3A_11 = arith.addi %scan3A_9, %scan3A_10 : i32
    %scan3A_12 = arith.constant 1 : i32
    %scan3A_13 = scf.for %scan3A_29 = %scan3A_9 to %scan3A_11 step %scan3A_12 iter_args(%scan3A_30 = %scan3A_8) -> (i32)  : i32 {
      %jit3A = arith.constant 8 : i32
      %div3A = arith.divsi %scan3A_29, %jit3A : i32
      %sign3A = arith.constant 0 : i32
      %sign3A_31 = arith.cmpi sgt, %scan3A_29, %sign3A : i32
      %sign3A_32 = arith.extui %sign3A_31 : i1 to i32
      %sign3A_33 = arith.constant 0 : i32
      %sign3A_34 = arith.cmpi slt, %scan3A_29, %sign3A_33 : i32
      %sign3A_35 = arith.extui %sign3A_34 : i1 to i32
      %sign3A_36 = arith.subi %sign3A_32, %sign3A_35 : i32
      %sign3A_37 = arith.constant 0 : i32
      %sign3A_38 = arith.cmpi sgt, %jit3A, %sign3A_37 : i32
      %sign3A_39 = arith.extui %sign3A_38 : i1 to i32
      %sign3A_40 = arith.constant 0 : i32
      %sign3A_41 = arith.cmpi slt, %jit3A, %sign3A_40 : i32
      %sign3A_42 = arith.extui %sign3A_41 : i1 to i32
      %sign3A_43 = arith.subi %sign3A_39, %sign3A_42 : i32
      %ne3A = arith.cmpi ne, %sign3A_36, %sign3A_43 : i32
      %rem3A = arith.remsi %scan3A_29, %jit3A : i32
      %ne3A_44 = arith.constant 0 : i32
      %ne3A_45 = arith.cmpi ne, %rem3A, %ne3A_44 : i32
      %and3A = arith.andi %ne3A, %ne3A_45 : i1
      %sub3A = arith.constant 1 : i32
      %sub3A_46 = arith.subi %div3A, %sub3A : i32
      %select_n3A = arith.select %and3A, %sub3A_46, %div3A : i32
      %jit3A_47 = arith.constant 8 : i32
      %eq3A = arith.constant 0 : i32
      %eq3A_48 = arith.cmpi eq, %jit3A_47, %eq3A : i32
      %jit3A_49 = arith.constant 1 : i32
      %select_n3A_50 = arith.select %eq3A_48, %jit3A_49, %jit3A_47 : i32
      %rem3A_51 = arith.remsi %scan3A_29, %select_n3A_50 : i32
      %ne3A_52 = arith.constant 0 : i32
      %ne3A_53 = arith.cmpi ne, %rem3A_51, %ne3A_52 : i32
      %lt3A = arith.constant 0 : i32
      %lt3A_54 = arith.cmpi slt, %rem3A_51, %lt3A : i32
      %lt3A_55 = arith.constant 0 : i32
      %lt3A_56 = arith.cmpi slt, %select_n3A_50, %lt3A_55 : i32
      %ne3A_57 = arith.xori %lt3A_54, %lt3A_56 : i1
      %and3A_58 = arith.andi %ne3A_57, %ne3A_53 : i1
      %add3A = arith.addi %rem3A_51, %select_n3A_50 : i32
      %select_n3A_59 = arith.select %and3A_58, %add3A, %rem3A_51 : i32
      %mul3A_60 = arith.constant 16 : i32
      %mul3A_61 = arith.muli %select_n3A_59, %mul3A_60 : i32
      %multiple_of3A = tpu.assume_multiple %mul3A_61, 16 : i32
      %get3A = arith.index_cast %select_n3A : i32 to index
      %get3A_62 = arith.index_cast %multiple_of3A : i32 to index
      %get3A_63 = tpu.vector_load %arg7[%get3A, %get3A_62] {strides = array<i32>} : memref<8x128xi32, #tpu.memory_space<vmem>>, vector<1x16xi32>,
      %get3A_64 = vector.shape_cast %get3A_63 : vector<1x16xi32> to vector<16xi32>
      %ne3A_65 = arith.constant 0 : i32
      %ne3A_66 = vector.broadcast %ne3A_65 : i32 to vector<16xi32>
      %ne3A_67 = arith.cmpi ne, %get3A_64, %ne3A_66 : vector<16xi32>
      %broadcast_in_dim3A_68 = arith.constant 1.000000e+00 : f32
      %broadcast_in_dim3A_69 = vector.broadcast %broadcast_in_dim3A_68 : f32 to vector<16xf32>
      %broadcast_in_dim3A_70 = arith.constant 0.000000e+00 : f32
      %broadcast_in_dim3A_71 = vector.broadcast %broadcast_in_dim3A_70 : f32 to vector<16xf32>
      %select_n3A_72 = arith.select %ne3A_67, %broadcast_in_dim3A_69, %broadcast_in_dim3A_71 : vector<16xi1>, vector<16xf32>
      %swap3A = arith.index_cast %select_n3A : i32 to index
      %swap3A_73 = arith.index_cast %multiple_of3A : i32 to index
      %swap3A_74 = tpu.vector_load %arg9[%swap3A, %swap3A_73] {strides = array<i32>} : memref<8x128xf32, #tpu.memory_space<vmem>>, vector<1x16xf32>,
      %swap3A_75 = vector.shape_cast %swap3A_74 : vector<1x16xf32> to vector<16xf32>
      %swap3A_76 = vector.shape_cast %select_n3A_72 : vector<16xf32> to vector<1x16xf32>
      tpu.vector_store %arg9[%swap3A, %swap3A_73], %swap3A_76 {strides = array<i32>} : memref<8x128xf32, #tpu.memory_space<vmem>>, vector<1x16xf32>,
      %mul3A_77 = arith.constant 2 : i32
      %mul3A_78 = vector.broadcast %mul3A_77 : i32 to vector<16xi32>
      %mul3A_79 = arith.muli %get3A_64, %mul3A_78 : vector<16xi32>
      %add3A_80 = vector.broadcast %arg0 : i32 to vector<16xi32>
      %add3A_81 = arith.addi %mul3A_79, %add3A_80 : vector<16xi32>
      %swap3A_82 = arith.index_cast %select_n3A : i32 to index
      %swap3A_83 = arith.index_cast %multiple_of3A : i32 to index
      %swap3A_84 = tpu.vector_load %arg7[%swap3A_82, %swap3A_83] {strides = array<i32>} : memref<8x128xi32, #tpu.memory_space<vmem>>, vector<1x16xi32>,
      %swap3A_85 = vector.shape_cast %swap3A_84 : vector<1x16xi32> to vector<16xi32>
      %swap3A_86 = vector.shape_cast %add3A_81 : vector<16xi32> to vector<1x16xi32>
      tpu.vector_store %arg7[%swap3A_82, %swap3A_83], %swap3A_86 {strides = array<i32>} : memref<8x128xi32, #tpu.memory_space<vmem>>, vector<1x16xi32>,
      %scan3A_87 = arith.constant 0 : i32
      scf.yield %scan3A_87 : i32
    }
    %scan3A_14 = arith.constant 64 : i32
    %scan3A_15 = arith.constant 0 : i32
    %scan3A_16 = arith.constant 0 : i32
    %scan3A_17 = arith.constant 8 : i32
    %scan3A_18 = arith.addi %scan3A_16, %scan3A_17 : i32
    %scan3A_19 = arith.constant 1 : i32
    %scan3A_20 = scf.for %scan3A_29 = %scan3A_16 to %scan3A_18 step %scan3A_19 iter_args(%scan3A_30 = %scan3A_15) -> (i32)  : i32 {
      %dma_start3A = arith.constant 0 : i32
      %dma_start3A_31 = tpu.memref_slice %arg7[%scan3A_29, %dma_start3A] : memref<8x128xi32, #tpu.memory_space<vmem>> -> memref<1x128xi32, #tpu.memory_space<vmem>>
      %dma_start3A_32 = tpu.memref_squeeze %dma_start3A_31 : memref<1x128xi32, #tpu.memory_space<vmem>> -> memref<128xi32, #tpu.memory_space<vmem>>
      %dma_start3A_33 = arith.constant 0 : i32
      %dma_start3A_34 = arith.constant 0 : i32
      %dma_start3A_35 = tpu.memref_slice %arg4[%dma_start3A_33, %dma_start3A_34] : memref<2000000x32xf32, #tpu.memory_space<hbm>> -> memref<2000000x32xf32, #tpu.memory_space<hbm>>
      tpu.enqueue_indirect_dma source(%dma_start3A_35 : memref<2000000x32xf32, #tpu.memory_space<hbm>>) target(%arg11 : memref<128x32xf32, #tpu.memory_space<vmem>>) offsets(%dma_start3A_32 : memref<128xi32, #tpu.memory_space<vmem>>) semaphore(%arg13 : memref<!tpu.dma_semaphore, #tpu.memory_space<semaphore_mem>>)
      %dma_wait3A = arith.constant 0 : i32
      %dma_wait3A_36 = tpu.memref_slice %arg7[%scan3A_29, %dma_wait3A] : memref<8x128xi32, #tpu.memory_space<vmem>> -> memref<1x128xi32, #tpu.memory_space<vmem>>
      %dma_wait3A_37 = tpu.memref_squeeze %dma_wait3A_36 : memref<1x128xi32, #tpu.memory_space<vmem>> -> memref<128xi32, #tpu.memory_space<vmem>>
      %dma_wait3A_38 = arith.constant 0 : i32
      %dma_wait3A_39 = arith.constant 0 : i32
      %dma_wait3A_40 = tpu.memref_slice %arg4[%dma_wait3A_38, %dma_wait3A_39] : memref<2000000x32xf32, #tpu.memory_space<hbm>> -> memref<2000000x32xf32, #tpu.memory_space<hbm>>
      tpu.wait_indirect_dma semaphore(%arg13 : memref<!tpu.dma_semaphore, #tpu.memory_space<semaphore_mem>>) src(%dma_wait3A_40 : memref<2000000x32xf32, #tpu.memory_space<hbm>>) dst(%arg11 : memref<128x32xf32, #tpu.memory_space<vmem>>)
      %mul3A_41 = arith.constant 1024 : i32
      %mul3A_42 = arith.muli %arg1, %mul3A_41 : i32
      %mul3A_43 = arith.constant 128 : i32
      %mul3A_44 = arith.muli %scan3A_29, %mul3A_43 : i32
      %add3A = arith.addi %mul3A_42, %mul3A_44 : i32
      "tpu.region"() ({
        %run_scoped3A = tpu.sem_alloc : memref<!tpu.dma_semaphore, #tpu.memory_space<semaphore_mem>>
        %dma_start3A_53 = arith.constant 0 : i32
        %dma_start3A_54 = tpu.memref_slice %arg5[%arg0, %add3A, %dma_start3A_53] : memref<2x16384x32xf32, #tpu.memory_space<hbm>> -> memref<1x128x32xf32, #tpu.memory_space<hbm>>
        %dma_start3A_55 = tpu.memref_squeeze %dma_start3A_54 : memref<1x128x32xf32, #tpu.memory_space<hbm>> -> memref<128x32xf32, #tpu.memory_space<hbm>>
        %dma_start3A_56 = arith.constant 0 : i32
        %dma_start3A_57 = tpu.memref_slice %arg5[%arg0, %add3A, %dma_start3A_56] : memref<2x16384x32xf32, #tpu.memory_space<hbm>> -> memref<1x128x32xf32, #tpu.memory_space<hbm>>
        %dma_start3A_58 = tpu.memref_squeeze %dma_start3A_57 : memref<1x128x32xf32, #tpu.memory_space<hbm>> -> memref<128x32xf32, #tpu.memory_space<hbm>>
        tpu.enqueue_dma source(%dma_start3A_58 : memref<128x32xf32, #tpu.memory_space<hbm>>) target(%arg10 : memref<128x32xf32, #tpu.memory_space<vmem>>) target_semaphore(%run_scoped3A : memref<!tpu.dma_semaphore, #tpu.memory_space<semaphore_mem>>)
        %dma_wait3A_59 = arith.constant 0 : i32
        %dma_wait3A_60 = tpu.memref_slice %arg5[%arg0, %add3A, %dma_wait3A_59] : memref<2x16384x32xf32, #tpu.memory_space<hbm>> -> memref<1x128x32xf32, #tpu.memory_space<hbm>>
        %dma_wait3A_61 = tpu.memref_squeeze %dma_wait3A_60 : memref<1x128x32xf32, #tpu.memory_space<hbm>> -> memref<128x32xf32, #tpu.memory_space<hbm>>
        %dma_wait3A_62 = arith.constant 0 : i32
        %dma_wait3A_63 = tpu.memref_slice %arg5[%arg0, %add3A, %dma_wait3A_62] : memref<2x16384x32xf32, #tpu.memory_space<hbm>> -> memref<1x128x32xf32, #tpu.memory_space<hbm>>
        %dma_wait3A_64 = tpu.memref_squeeze %dma_wait3A_63 : memref<1x128x32xf32, #tpu.memory_space<hbm>> -> memref<128x32xf32, #tpu.memory_space<hbm>>
        tpu.wait_dma2 semaphore(%run_scoped3A : memref<!tpu.dma_semaphore, #tpu.memory_space<semaphore_mem>>) src(%dma_wait3A_64 : memref<128x32xf32, #tpu.memory_space<hbm>>) dst(%arg10 : memref<128x32xf32, #tpu.memory_space<vmem>>)
        tpu.yield
      }) : () -> ()
      %scan3A_45 = arith.constant 0 : i32
      %scan3A_46 = arith.constant 0 : i32
      %scan3A_47 = arith.constant 8 : i32
      %scan3A_48 = arith.addi %scan3A_46, %scan3A_47 : i32
      %scan3A_49 = arith.constant 1 : i32
      %scan3A_50 = scf.for %scan3A_53 = %scan3A_46 to %scan3A_48 step %scan3A_49 iter_args(%scan3A_54 = %scan3A_45) -> (i32)  : i32 {
        %mul3A_55 = arith.constant 16 : i32
        %mul3A_56 = arith.muli %scan3A_53, %mul3A_55 : i32
        %multiple_of3A = tpu.assume_multiple %mul3A_56, 16 : i32
        %get3A = arith.index_cast %scan3A_29 : i32 to index
        %get3A_57 = arith.index_cast %multiple_of3A : i32 to index
        %get3A_58 = tpu.vector_load %arg9[%get3A, %get3A_57] {strides = array<i32>} : memref<8x128xf32, #tpu.memory_space<vmem>>, vector<1x16xf32>,
        %get3A_59 = vector.shape_cast %get3A_58 : vector<1x16xf32> to vector<16xf32>
        %broadcast_in_dim3A_60 = arith.constant 0 : i32
        %broadcast_in_dim3A_61 = vector.broadcast %broadcast_in_dim3A_60 : i32 to vector<16x1xi32>
        %gather3A = vector.shape_cast %broadcast_in_dim3A_61 : vector<16x1xi32> to vector<16xi32>
        %gather3A_62 = tpu.dynamic_gather %get3A_59[%gather3A] in [0] : vector<16xf32>, vector<16xi32> -> vector<16xf32>
        %mul3A_63 = arith.constant 16 : i32
        %mul3A_64 = arith.muli %scan3A_53, %mul3A_63 : i32
        %add3A_65 = arith.constant 0 : i32
        %add3A_66 = arith.addi %mul3A_64, %add3A_65 : i32
        %get3A_67 = arith.index_cast %add3A_66 : i32 to index
        %get3A_68 = arith.constant 0 : index
        %get3A_69 = tpu.vector_load %arg11[%get3A_67, %get3A_68] {strides = array<i32>} : memref<128x32xf32, #tpu.memory_space<vmem>>, vector<1x16xf32>,
        %get3A_70 = vector.shape_cast %get3A_69 : vector<1x16xf32> to vector<16xf32>
        %get3A_71 = arith.index_cast %add3A_66 : i32 to index
        %get3A_72 = arith.constant 0 : index
        %get3A_73 = tpu.vector_load %arg10[%get3A_71, %get3A_72] {strides = array<i32>} : memref<128x32xf32, #tpu.memory_space<vmem>>, vector<1x16xf32>,
        %get3A_74 = vector.shape_cast %get3A_73 : vector<1x16xf32> to vector<16xf32>
        %mul3A_75 = arith.mulf %get3A_70, %get3A_74 : vector<16xf32>
        %mul3A_76 = arith.mulf %mul3A_75, %gather3A_62 : vector<16xf32>
        %swap3A = arith.index_cast %add3A_66 : i32 to index
        %swap3A_77 = arith.constant 0 : index
        %swap3A_78 = tpu.vector_load %arg11[%swap3A, %swap3A_77] {strides = array<i32>} : memref<128x32xf32, #tpu.memory_space<vmem>>, vector<1x16xf32>,
        %swap3A_79 = vector.shape_cast %swap3A_78 : vector<1x16xf32> to vector<16xf32>
        %swap3A_80 = vector.shape_cast %mul3A_76 : vector<16xf32> to vector<1x16xf32>
        tpu.vector_store %arg11[%swap3A, %swap3A_77], %swap3A_80 {strides = array<i32>} : memref<128x32xf32, #tpu.memory_space<vmem>>, vector<1x16xf32>,
        %get3A_81 = arith.index_cast %add3A_66 : i32 to index
        %get3A_82 = arith.constant 16 : index
        %get3A_83 = tpu.vector_load %arg11[%get3A_81, %get3A_82] {strides = array<i32>} : memref<128x32xf32, #tpu.memory_space<vmem>>, vector<1x16xf32>,
        %get3A_84 = vector.shape_cast %get3A_83 : vector<1x16xf32> to vector<16xf32>
        %get3A_85 = arith.index_cast %add3A_66 : i32 to index
        %get3A_86 = arith.constant 16 : index
        %get3A_87 = tpu.vector_load %arg10[%get3A_85, %get3A_86] {strides = array<i32>} : memref<128x32xf32, #tpu.memory_space<vmem>>, vector<1x16xf32>,
        %get3A_88 = vector.shape_cast %get3A_87 : vector<1x16xf32> to vector<16xf32>
        %mul3A_89 = arith.mulf %get3A_84, %get3A_88 : vector<16xf32>
        %mul3A_90 = arith.mulf %mul3A_89, %gather3A_62 : vector<16xf32>
        %swap3A_91 = arith.index_cast %add3A_66 : i32 to index
        %swap3A_92 = arith.constant 16 : index
        %swap3A_93 = tpu.vector_load %arg11[%swap3A_91, %swap3A_92] {strides = array<i32>} : memref<128x32xf32, #tpu.memory_space<vmem>>, vector<1x16xf32>,
        %swap3A_94 = vector.shape_cast %swap3A_93 : vector<1x16xf32> to vector<16xf32>
        %swap3A_95 = vector.shape_cast %mul3A_90 : vector<16xf32> to vector<1x16xf32>
        tpu.vector_store %arg11[%swap3A_91, %swap3A_92], %swap3A_95 {strides = array<i32>} : memref<128x32xf32, #tpu.memory_space<vmem>>, vector<1x16xf32>,
        %broadcast_in_dim3A_96 = arith.constant 1 : i32
        %broadcast_in_dim3A_97 = vector.broadcast %broadcast_in_dim3A_96 : i32 to vector<16x1xi32>
        %gather3A_98 = vector.shape_cast %broadcast_in_dim3A_97 : vector<16x1xi32> to vector<16xi32>
        %gather3A_99 = tpu.dynamic_gather %get3A_59[%gather3A_98] in [0] : vector<16xf32>, vector<16xi32> -> vector<16xf32>
        %mul3A_100 = arith.constant 16 : i32
        %mul3A_101 = arith.muli %scan3A_53, %mul3A_100 : i32
        %add3A_102 = arith.constant 1 : i32
        %add3A_103 = arith.addi %mul3A_101, %add3A_102 : i32
        %get3A_104 = arith.index_cast %add3A_103 : i32 to index
        %get3A_105 = arith.constant 0 : index
        %get3A_106 = tpu.vector_load %arg11[%get3A_104, %get3A_105] {strides = array<i32>} : memref<128x32xf32, #tpu.memory_space<vmem>>, vector<1x16xf32>,
        %get3A_107 = vector.shape_cast %get3A_106 : vector<1x16xf32> to vector<16xf32>
        %get3A_108 = arith.index_cast %add3A_103 : i32 to index
        %get3A_109 = arith.constant 0 : index
        %get3A_110 = tpu.vector_load %arg10[%get3A_108, %get3A_109] {strides = array<i32>} : memref<128x32xf32, #tpu.memory_space<vmem>>, vector<1x16xf32>,
        %get3A_111 = vector.shape_cast %get3A_110 : vector<1x16xf32> to vector<16xf32>
        %mul3A_112 = arith.mulf %get3A_107, %get3A_111 : vector<16xf32>
        %mul3A_113 = arith.mulf %mul3A_112, %gather3A_99 : vector<16xf32>
        %swap3A_114 = arith.index_cast %add3A_103 : i32 to index
        %swap3A_115 = arith.constant 0 : index
        %swap3A_116 = tpu.vector_load %arg11[%swap3A_114, %swap3A_115] {strides = array<i32>} : memref<128x32xf32, #tpu.memory_space<vmem>>, vector<1x16xf32>,
        %swap3A_117 = vector.shape_cast %swap3A_116 : vector<1x16xf32> to vector<16xf32>
        %swap3A_118 = vector.shape_cast %mul3A_113 : vector<16xf32> to vector<1x16xf32>
        tpu.vector_store %arg11[%swap3A_114, %swap3A_115], %swap3A_118 {strides = array<i32>} : memref<128x32xf32, #tpu.memory_space<vmem>>, vector<1x16xf32>,
        %get3A_119 = arith.index_cast %add3A_103 : i32 to index
        %get3A_120 = arith.constant 16 : index
        %get3A_121 = tpu.vector_load %arg11[%get3A_119, %get3A_120] {strides = array<i32>} : memref<128x32xf32, #tpu.memory_space<vmem>>, vector<1x16xf32>,
        %get3A_122 = vector.shape_cast %get3A_121 : vector<1x16xf32> to vector<16xf32>
        %get3A_123 = arith.index_cast %add3A_103 : i32 to index
        %get3A_124 = arith.constant 16 : index
        %get3A_125 = tpu.vector_load %arg10[%get3A_123, %get3A_124] {strides = array<i32>} : memref<128x32xf32, #tpu.memory_space<vmem>>, vector<1x16xf32>,
        %get3A_126 = vector.shape_cast %get3A_125 : vector<1x16xf32> to vector<16xf32>
        %mul3A_127 = arith.mulf %get3A_122, %get3A_126 : vector<16xf32>
        %mul3A_128 = arith.mulf %mul3A_127, %gather3A_99 : vector<16xf32>
        %swap3A_129 = arith.index_cast %add3A_103 : i32 to index
        %swap3A_130 = arith.constant 16 : index
        %swap3A_131 = tpu.vector_load %arg11[%swap3A_129, %swap3A_130] {strides = array<i32>} : memref<128x32xf32, #tpu.memory_space<vmem>>, vector<1x16xf32>,
        %swap3A_132 = vector.shape_cast %swap3A_131 : vector<1x16xf32> to vector<16xf32>
        %swap3A_133 = vector.shape_cast %mul3A_128 : vector<16xf32> to vector<1x16xf32>
        tpu.vector_store %arg11[%swap3A_129, %swap3A_130], %swap3A_133 {strides = array<i32>} : memref<128x32xf32, #tpu.memory_space<vmem>>, vector<1x16xf32>,
        %broadcast_in_dim3A_134 = arith.constant 2 : i32
        %broadcast_in_dim3A_135 = vector.broadcast %broadcast_in_dim3A_134 : i32 to vector<16x1xi32>
        %gather3A_136 = vector.shape_cast %broadcast_in_dim3A_135 : vector<16x1xi32> to vector<16xi32>
        %gather3A_137 = tpu.dynamic_gather %get3A_59[%gather3A_136] in [0] : vector<16xf32>, vector<16xi32> -> vector<16xf32>
        %mul3A_138 = arith.constant 16 : i32
        %mul3A_139 = arith.muli %scan3A_53, %mul3A_138 : i32
        %add3A_140 = arith.constant 2 : i32
        %add3A_141 = arith.addi %mul3A_139, %add3A_140 : i32
        %get3A_142 = arith.index_cast %add3A_141 : i32 to index
        %get3A_143 = arith.constant 0 : index
        %get3A_144 = tpu.vector_load %arg11[%get3A_142, %get3A_143] {strides = array<i32>} : memref<128x32xf32, #tpu.memory_space<vmem>>, vector<1x16xf32>,
        %get3A_145 = vector.shape_cast %get3A_144 : vector<1x16xf32> to vector<16xf32>
        %get3A_146 = arith.index_cast %add3A_141 : i32 to index
        %get3A_147 = arith.constant 0 : index
        %get3A_148 = tpu.vector_load %arg10[%get3A_146, %get3A_147] {strides = array<i32>} : memref<128x32xf32, #tpu.memory_space<vmem>>, vector<1x16xf32>,
        %get3A_149 = vector.shape_cast %get3A_148 : vector<1x16xf32> to vector<16xf32>
        %mul3A_150 = arith.mulf %get3A_145, %get3A_149 : vector<16xf32>
        %mul3A_151 = arith.mulf %mul3A_150, %gather3A_137 : vector<16xf32>
        %swap3A_152 = arith.index_cast %add3A_141 : i32 to index
        %swap3A_153 = arith.constant 0 : index
        %swap3A_154 = tpu.vector_load %arg11[%swap3A_152, %swap3A_153] {strides = array<i32>} : memref<128x32xf32, #tpu.memory_space<vmem>>, vector<1x16xf32>,
        %swap3A_155 = vector.shape_cast %swap3A_154 : vector<1x16xf32> to vector<16xf32>
        %swap3A_156 = vector.shape_cast %mul3A_151 : vector<16xf32> to vector<1x16xf32>
        tpu.vector_store %arg11[%swap3A_152, %swap3A_153], %swap3A_156 {strides = array<i32>} : memref<128x32xf32, #tpu.memory_space<vmem>>, vector<1x16xf32>,
        %get3A_157 = arith.index_cast %add3A_141 : i32 to index
        %get3A_158 = arith.constant 16 : index
        %get3A_159 = tpu.vector_load %arg11[%get3A_157, %get3A_158] {strides = array<i32>} : memref<128x32xf32, #tpu.memory_space<vmem>>, vector<1x16xf32>,
        %get3A_160 = vector.shape_cast %get3A_159 : vector<1x16xf32> to vector<16xf32>
        %get3A_161 = arith.index_cast %add3A_141 : i32 to index
        %get3A_162 = arith.constant 16 : index
        %get3A_163 = tpu.vector_load %arg10[%get3A_161, %get3A_162] {strides = array<i32>} : memref<128x32xf32, #tpu.memory_space<vmem>>, vector<1x16xf32>,
        %get3A_164 = vector.shape_cast %get3A_163 : vector<1x16xf32> to vector<16xf32>
        %mul3A_165 = arith.mulf %get3A_160, %get3A_164 : vector<16xf32>
        %mul3A_166 = arith.mulf %mul3A_165, %gather3A_137 : vector<16xf32>
        %swap3A_167 = arith.index_cast %add3A_141 : i32 to index
        %swap3A_168 = arith.constant 16 : index
        %swap3A_169 = tpu.vector_load %arg11[%swap3A_167, %swap3A_168] {strides = array<i32>} : memref<128x32xf32, #tpu.memory_space<vmem>>, vector<1x16xf32>,
        %swap3A_170 = vector.shape_cast %swap3A_169 : vector<1x16xf32> to vector<16xf32>
        %swap3A_171 = vector.shape_cast %mul3A_166 : vector<16xf32> to vector<1x16xf32>
        tpu.vector_store %arg11[%swap3A_167, %swap3A_168], %swap3A_171 {strides = array<i32>} : memref<128x32xf32, #tpu.memory_space<vmem>>, vector<1x16xf32>,
        %broadcast_in_dim3A_172 = arith.constant 3 : i32
        %broadcast_in_dim3A_173 = vector.broadcast %broadcast_in_dim3A_172 : i32 to vector<16x1xi32>
        %gather3A_174 = vector.shape_cast %broadcast_in_dim3A_173 : vector<16x1xi32> to vector<16xi32>
        %gather3A_175 = tpu.dynamic_gather %get3A_59[%gather3A_174] in [0] : vector<16xf32>, vector<16xi32> -> vector<16xf32>
        %mul3A_176 = arith.constant 16 : i32
        %mul3A_177 = arith.muli %scan3A_53, %mul3A_176 : i32
        %add3A_178 = arith.constant 3 : i32
        %add3A_179 = arith.addi %mul3A_177, %add3A_178 : i32
        %get3A_180 = arith.index_cast %add3A_179 : i32 to index
        %get3A_181 = arith.constant 0 : index
        %get3A_182 = tpu.vector_load %arg11[%get3A_180, %get3A_181] {strides = array<i32>} : memref<128x32xf32, #tpu.memory_space<vmem>>, vector<1x16xf32>,
        %get3A_183 = vector.shape_cast %get3A_182 : vector<1x16xf32> to vector<16xf32>
        %get3A_184 = arith.index_cast %add3A_179 : i32 to index
        %get3A_185 = arith.constant 0 : index
        %get3A_186 = tpu.vector_load %arg10[%get3A_184, %get3A_185] {strides = array<i32>} : memref<128x32xf32, #tpu.memory_space<vmem>>, vector<1x16xf32>,
        %get3A_187 = vector.shape_cast %get3A_186 : vector<1x16xf32> to vector<16xf32>
        %mul3A_188 = arith.mulf %get3A_183, %get3A_187 : vector<16xf32>
        %mul3A_189 = arith.mulf %mul3A_188, %gather3A_175 : vector<16xf32>
        %swap3A_190 = arith.index_cast %add3A_179 : i32 to index
        %swap3A_191 = arith.constant 0 : index
        %swap3A_192 = tpu.vector_load %arg11[%swap3A_190, %swap3A_191] {strides = array<i32>} : memref<128x32xf32, #tpu.memory_space<vmem>>, vector<1x16xf32>,
        %swap3A_193 = vector.shape_cast %swap3A_192 : vector<1x16xf32> to vector<16xf32>
        %swap3A_194 = vector.shape_cast %mul3A_189 : vector<16xf32> to vector<1x16xf32>
        tpu.vector_store %arg11[%swap3A_190, %swap3A_191], %swap3A_194 {strides = array<i32>} : memref<128x32xf32, #tpu.memory_space<vmem>>, vector<1x16xf32>,
        %get3A_195 = arith.index_cast %add3A_179 : i32 to index
        %get3A_196 = arith.constant 16 : index
        %get3A_197 = tpu.vector_load %arg11[%get3A_195, %get3A_196] {strides = array<i32>} : memref<128x32xf32, #tpu.memory_space<vmem>>, vector<1x16xf32>,
        %get3A_198 = vector.shape_cast %get3A_197 : vector<1x16xf32> to vector<16xf32>
        %get3A_199 = arith.index_cast %add3A_179 : i32 to index
        %get3A_200 = arith.constant 16 : index
        %get3A_201 = tpu.vector_load %arg10[%get3A_199, %get3A_200] {strides = array<i32>} : memref<128x32xf32, #tpu.memory_space<vmem>>, vector<1x16xf32>,
        %get3A_202 = vector.shape_cast %get3A_201 : vector<1x16xf32> to vector<16xf32>
        %mul3A_203 = arith.mulf %get3A_198, %get3A_202 : vector<16xf32>
        %mul3A_204 = arith.mulf %mul3A_203, %gather3A_175 : vector<16xf32>
        %swap3A_205 = arith.index_cast %add3A_179 : i32 to index
        %swap3A_206 = arith.constant 16 : index
        %swap3A_207 = tpu.vector_load %arg11[%swap3A_205, %swap3A_206] {strides = array<i32>} : memref<128x32xf32, #tpu.memory_space<vmem>>, vector<1x16xf32>,
        %swap3A_208 = vector.shape_cast %swap3A_207 : vector<1x16xf32> to vector<16xf32>
        %swap3A_209 = vector.shape_cast %mul3A_204 : vector<16xf32> to vector<1x16xf32>
        tpu.vector_store %arg11[%swap3A_205, %swap3A_206], %swap3A_209 {strides = array<i32>} : memref<128x32xf32, #tpu.memory_space<vmem>>, vector<1x16xf32>,
        %broadcast_in_dim3A_210 = arith.constant 4 : i32
        %broadcast_in_dim3A_211 = vector.broadcast %broadcast_in_dim3A_210 : i32 to vector<16x1xi32>
        %gather3A_212 = vector.shape_cast %broadcast_in_dim3A_211 : vector<16x1xi32> to vector<16xi32>
        %gather3A_213 = tpu.dynamic_gather %get3A_59[%gather3A_212] in [0] : vector<16xf32>, vector<16xi32> -> vector<16xf32>
        %mul3A_214 = arith.constant 16 : i32
        %mul3A_215 = arith.muli %scan3A_53, %mul3A_214 : i32
        %add3A_216 = arith.constant 4 : i32
        %add3A_217 = arith.addi %mul3A_215, %add3A_216 : i32
        %get3A_218 = arith.index_cast %add3A_217 : i32 to index
        %get3A_219 = arith.constant 0 : index
        %get3A_220 = tpu.vector_load %arg11[%get3A_218, %get3A_219] {strides = array<i32>} : memref<128x32xf32, #tpu.memory_space<vmem>>, vector<1x16xf32>,
        %get3A_221 = vector.shape_cast %get3A_220 : vector<1x16xf32> to vector<16xf32>
        %get3A_222 = arith.index_cast %add3A_217 : i32 to index
        %get3A_223 = arith.constant 0 : index
        %get3A_224 = tpu.vector_load %arg10[%get3A_222, %get3A_223] {strides = array<i32>} : memref<128x32xf32, #tpu.memory_space<vmem>>, vector<1x16xf32>,
        %get3A_225 = vector.shape_cast %get3A_224 : vector<1x16xf32> to vector<16xf32>
        %mul3A_226 = arith.mulf %get3A_221, %get3A_225 : vector<16xf32>
        %mul3A_227 = arith.mulf %mul3A_226, %gather3A_213 : vector<16xf32>
        %swap3A_228 = arith.index_cast %add3A_217 : i32 to index
        %swap3A_229 = arith.constant 0 : index
        %swap3A_230 = tpu.vector_load %arg11[%swap3A_228, %swap3A_229] {strides = array<i32>} : memref<128x32xf32, #tpu.memory_space<vmem>>, vector<1x16xf32>,
        %swap3A_231 = vector.shape_cast %swap3A_230 : vector<1x16xf32> to vector<16xf32>
        %swap3A_232 = vector.shape_cast %mul3A_227 : vector<16xf32> to vector<1x16xf32>
        tpu.vector_store %arg11[%swap3A_228, %swap3A_229], %swap3A_232 {strides = array<i32>} : memref<128x32xf32, #tpu.memory_space<vmem>>, vector<1x16xf32>,
        %get3A_233 = arith.index_cast %add3A_217 : i32 to index
        %get3A_234 = arith.constant 16 : index
        %get3A_235 = tpu.vector_load %arg11[%get3A_233, %get3A_234] {strides = array<i32>} : memref<128x32xf32, #tpu.memory_space<vmem>>, vector<1x16xf32>,
        %get3A_236 = vector.shape_cast %get3A_235 : vector<1x16xf32> to vector<16xf32>
        %get3A_237 = arith.index_cast %add3A_217 : i32 to index
        %get3A_238 = arith.constant 16 : index
        %get3A_239 = tpu.vector_load %arg10[%get3A_237, %get3A_238] {strides = array<i32>} : memref<128x32xf32, #tpu.memory_space<vmem>>, vector<1x16xf32>,
        %get3A_240 = vector.shape_cast %get3A_239 : vector<1x16xf32> to vector<16xf32>
        %mul3A_241 = arith.mulf %get3A_236, %get3A_240 : vector<16xf32>
        %mul3A_242 = arith.mulf %mul3A_241, %gather3A_213 : vector<16xf32>
        %swap3A_243 = arith.index_cast %add3A_217 : i32 to index
        %swap3A_244 = arith.constant 16 : index
        %swap3A_245 = tpu.vector_load %arg11[%swap3A_243, %swap3A_244] {strides = array<i32>} : memref<128x32xf32, #tpu.memory_space<vmem>>, vector<1x16xf32>,
        %swap3A_246 = vector.shape_cast %swap3A_245 : vector<1x16xf32> to vector<16xf32>
        %swap3A_247 = vector.shape_cast %mul3A_242 : vector<16xf32> to vector<1x16xf32>
        tpu.vector_store %arg11[%swap3A_243, %swap3A_244], %swap3A_247 {strides = array<i32>} : memref<128x32xf32, #tpu.memory_space<vmem>>, vector<1x16xf32>,
        %broadcast_in_dim3A_248 = arith.constant 5 : i32
        %broadcast_in_dim3A_249 = vector.broadcast %broadcast_in_dim3A_248 : i32 to vector<16x1xi32>
        %gather3A_250 = vector.shape_cast %broadcast_in_dim3A_249 : vector<16x1xi32> to vector<16xi32>
        %gather3A_251 = tpu.dynamic_gather %get3A_59[%gather3A_250] in [0] : vector<16xf32>, vector<16xi32> -> vector<16xf32>
        %mul3A_252 = arith.constant 16 : i32
        %mul3A_253 = arith.muli %scan3A_53, %mul3A_252 : i32
        %add3A_254 = arith.constant 5 : i32
        %add3A_255 = arith.addi %mul3A_253, %add3A_254 : i32
        %get3A_256 = arith.index_cast %add3A_255 : i32 to index
        %get3A_257 = arith.constant 0 : index
        %get3A_258 = tpu.vector_load %arg11[%get3A_256, %get3A_257] {strides = array<i32>} : memref<128x32xf32, #tpu.memory_space<vmem>>, vector<1x16xf32>,
        %get3A_259 = vector.shape_cast %get3A_258 : vector<1x16xf32> to vector<16xf32>
        %get3A_260 = arith.index_cast %add3A_255 : i32 to index
        %get3A_261 = arith.constant 0 : index
        %get3A_262 = tpu.vector_load %arg10[%get3A_260, %get3A_261] {strides = array<i32>} : memref<128x32xf32, #tpu.memory_space<vmem>>, vector<1x16xf32>,
        %get3A_263 = vector.shape_cast %get3A_262 : vector<1x16xf32> to vector<16xf32>
        %mul3A_264 = arith.mulf %get3A_259, %get3A_263 : vector<16xf32>
        %mul3A_265 = arith.mulf %mul3A_264, %gather3A_251 : vector<16xf32>
        %swap3A_266 = arith.index_cast %add3A_255 : i32 to index
        %swap3A_267 = arith.constant 0 : index
        %swap3A_268 = tpu.vector_load %arg11[%swap3A_266, %swap3A_267] {strides = array<i32>} : memref<128x32xf32, #tpu.memory_space<vmem>>, vector<1x16xf32>,
        %swap3A_269 = vector.shape_cast %swap3A_268 : vector<1x16xf32> to vector<16xf32>
        %swap3A_270 = vector.shape_cast %mul3A_265 : vector<16xf32> to vector<1x16xf32>
        tpu.vector_store %arg11[%swap3A_266, %swap3A_267], %swap3A_270 {strides = array<i32>} : memref<128x32xf32, #tpu.memory_space<vmem>>, vector<1x16xf32>,
        %get3A_271 = arith.index_cast %add3A_255 : i32 to index
        %get3A_272 = arith.constant 16 : index
        %get3A_273 = tpu.vector_load %arg11[%get3A_271, %get3A_272] {strides = array<i32>} : memref<128x32xf32, #tpu.memory_space<vmem>>, vector<1x16xf32>,
        %get3A_274 = vector.shape_cast %get3A_273 : vector<1x16xf32> to vector<16xf32>
        %get3A_275 = arith.index_cast %add3A_255 : i32 to index
        %get3A_276 = arith.constant 16 : index
        %get3A_277 = tpu.vector_load %arg10[%get3A_275, %get3A_276] {strides = array<i32>} : memref<128x32xf32, #tpu.memory_space<vmem>>, vector<1x16xf32>,
        %get3A_278 = vector.shape_cast %get3A_277 : vector<1x16xf32> to vector<16xf32>
        %mul3A_279 = arith.mulf %get3A_274, %get3A_278 : vector<16xf32>
        %mul3A_280 = arith.mulf %mul3A_279, %gather3A_251 : vector<16xf32>
        %swap3A_281 = arith.index_cast %add3A_255 : i32 to index
        %swap3A_282 = arith.constant 16 : index
        %swap3A_283 = tpu.vector_load %arg11[%swap3A_281, %swap3A_282] {strides = array<i32>} : memref<128x32xf32, #tpu.memory_space<vmem>>, vector<1x16xf32>,
        %swap3A_284 = vector.shape_cast %swap3A_283 : vector<1x16xf32> to vector<16xf32>
        %swap3A_285 = vector.shape_cast %mul3A_280 : vector<16xf32> to vector<1x16xf32>
        tpu.vector_store %arg11[%swap3A_281, %swap3A_282], %swap3A_285 {strides = array<i32>} : memref<128x32xf32, #tpu.memory_space<vmem>>, vector<1x16xf32>,
        %broadcast_in_dim3A_286 = arith.constant 6 : i32
        %broadcast_in_dim3A_287 = vector.broadcast %broadcast_in_dim3A_286 : i32 to vector<16x1xi32>
        %gather3A_288 = vector.shape_cast %broadcast_in_dim3A_287 : vector<16x1xi32> to vector<16xi32>
        %gather3A_289 = tpu.dynamic_gather %get3A_59[%gather3A_288] in [0] : vector<16xf32>, vector<16xi32> -> vector<16xf32>
        %mul3A_290 = arith.constant 16 : i32
        %mul3A_291 = arith.muli %scan3A_53, %mul3A_290 : i32
        %add3A_292 = arith.constant 6 : i32
        %add3A_293 = arith.addi %mul3A_291, %add3A_292 : i32
        %get3A_294 = arith.index_cast %add3A_293 : i32 to index
        %get3A_295 = arith.constant 0 : index
        %get3A_296 = tpu.vector_load %arg11[%get3A_294, %get3A_295] {strides = array<i32>} : memref<128x32xf32, #tpu.memory_space<vmem>>, vector<1x16xf32>,
        %get3A_297 = vector.shape_cast %get3A_296 : vector<1x16xf32> to vector<16xf32>
        %get3A_298 = arith.index_cast %add3A_293 : i32 to index
        %get3A_299 = arith.constant 0 : index
        %get3A_300 = tpu.vector_load %arg10[%get3A_298, %get3A_299] {strides = array<i32>} : memref<128x32xf32, #tpu.memory_space<vmem>>, vector<1x16xf32>,
        %get3A_301 = vector.shape_cast %get3A_300 : vector<1x16xf32> to vector<16xf32>
        %mul3A_302 = arith.mulf %get3A_297, %get3A_301 : vector<16xf32>
        %mul3A_303 = arith.mulf %mul3A_302, %gather3A_289 : vector<16xf32>
        %swap3A_304 = arith.index_cast %add3A_293 : i32 to index
        %swap3A_305 = arith.constant 0 : index
        %swap3A_306 = tpu.vector_load %arg11[%swap3A_304, %swap3A_305] {strides = array<i32>} : memref<128x32xf32, #tpu.memory_space<vmem>>, vector<1x16xf32>,
        %swap3A_307 = vector.shape_cast %swap3A_306 : vector<1x16xf32> to vector<16xf32>
        %swap3A_308 = vector.shape_cast %mul3A_303 : vector<16xf32> to vector<1x16xf32>
        tpu.vector_store %arg11[%swap3A_304, %swap3A_305], %swap3A_308 {strides = array<i32>} : memref<128x32xf32, #tpu.memory_space<vmem>>, vector<1x16xf32>,
        %get3A_309 = arith.index_cast %add3A_293 : i32 to index
        %get3A_310 = arith.constant 16 : index
        %get3A_311 = tpu.vector_load %arg11[%get3A_309, %get3A_310] {strides = array<i32>} : memref<128x32xf32, #tpu.memory_space<vmem>>, vector<1x16xf32>,
        %get3A_312 = vector.shape_cast %get3A_311 : vector<1x16xf32> to vector<16xf32>
        %get3A_313 = arith.index_cast %add3A_293 : i32 to index
        %get3A_314 = arith.constant 16 : index
        %get3A_315 = tpu.vector_load %arg10[%get3A_313, %get3A_314] {strides = array<i32>} : memref<128x32xf32, #tpu.memory_space<vmem>>, vector<1x16xf32>,
        %get3A_316 = vector.shape_cast %get3A_315 : vector<1x16xf32> to vector<16xf32>
        %mul3A_317 = arith.mulf %get3A_312, %get3A_316 : vector<16xf32>
        %mul3A_318 = arith.mulf %mul3A_317, %gather3A_289 : vector<16xf32>
        %swap3A_319 = arith.index_cast %add3A_293 : i32 to index
        %swap3A_320 = arith.constant 16 : index
        %swap3A_321 = tpu.vector_load %arg11[%swap3A_319, %swap3A_320] {strides = array<i32>} : memref<128x32xf32, #tpu.memory_space<vmem>>, vector<1x16xf32>,
        %swap3A_322 = vector.shape_cast %swap3A_321 : vector<1x16xf32> to vector<16xf32>
        %swap3A_323 = vector.shape_cast %mul3A_318 : vector<16xf32> to vector<1x16xf32>
        tpu.vector_store %arg11[%swap3A_319, %swap3A_320], %swap3A_323 {strides = array<i32>} : memref<128x32xf32, #tpu.memory_space<vmem>>, vector<1x16xf32>,
        %broadcast_in_dim3A_324 = arith.constant 7 : i32
        %broadcast_in_dim3A_325 = vector.broadcast %broadcast_in_dim3A_324 : i32 to vector<16x1xi32>
        %gather3A_326 = vector.shape_cast %broadcast_in_dim3A_325 : vector<16x1xi32> to vector<16xi32>
        %gather3A_327 = tpu.dynamic_gather %get3A_59[%gather3A_326] in [0] : vector<16xf32>, vector<16xi32> -> vector<16xf32>
        %mul3A_328 = arith.constant 16 : i32
        %mul3A_329 = arith.muli %scan3A_53, %mul3A_328 : i32
        %add3A_330 = arith.constant 7 : i32
        %add3A_331 = arith.addi %mul3A_329, %add3A_330 : i32
        %get3A_332 = arith.index_cast %add3A_331 : i32 to index
        %get3A_333 = arith.constant 0 : index
        %get3A_334 = tpu.vector_load %arg11[%get3A_332, %get3A_333] {strides = array<i32>} : memref<128x32xf32, #tpu.memory_space<vmem>>, vector<1x16xf32>,
        %get3A_335 = vector.shape_cast %get3A_334 : vector<1x16xf32> to vector<16xf32>
        %get3A_336 = arith.index_cast %add3A_331 : i32 to index
        %get3A_337 = arith.constant 0 : index
        %get3A_338 = tpu.vector_load %arg10[%get3A_336, %get3A_337] {strides = array<i32>} : memref<128x32xf32, #tpu.memory_space<vmem>>, vector<1x16xf32>,
        %get3A_339 = vector.shape_cast %get3A_338 : vector<1x16xf32> to vector<16xf32>
        %mul3A_340 = arith.mulf %get3A_335, %get3A_339 : vector<16xf32>
        %mul3A_341 = arith.mulf %mul3A_340, %gather3A_327 : vector<16xf32>
        %swap3A_342 = arith.index_cast %add3A_331 : i32 to index
        %swap3A_343 = arith.constant 0 : index
        %swap3A_344 = tpu.vector_load %arg11[%swap3A_342, %swap3A_343] {strides = array<i32>} : memref<128x32xf32, #tpu.memory_space<vmem>>, vector<1x16xf32>,
        %swap3A_345 = vector.shape_cast %swap3A_344 : vector<1x16xf32> to vector<16xf32>
        %swap3A_346 = vector.shape_cast %mul3A_341 : vector<16xf32> to vector<1x16xf32>
        tpu.vector_store %arg11[%swap3A_342, %swap3A_343], %swap3A_346 {strides = array<i32>} : memref<128x32xf32, #tpu.memory_space<vmem>>, vector<1x16xf32>,
        %get3A_347 = arith.index_cast %add3A_331 : i32 to index
        %get3A_348 = arith.constant 16 : index
        %get3A_349 = tpu.vector_load %arg11[%get3A_347, %get3A_348] {strides = array<i32>} : memref<128x32xf32, #tpu.memory_space<vmem>>, vector<1x16xf32>,
        %get3A_350 = vector.shape_cast %get3A_349 : vector<1x16xf32> to vector<16xf32>
        %get3A_351 = arith.index_cast %add3A_331 : i32 to index
        %get3A_352 = arith.constant 16 : index
        %get3A_353 = tpu.vector_load %arg10[%get3A_351, %get3A_352] {strides = array<i32>} : memref<128x32xf32, #tpu.memory_space<vmem>>, vector<1x16xf32>,
        %get3A_354 = vector.shape_cast %get3A_353 : vector<1x16xf32> to vector<16xf32>
        %mul3A_355 = arith.mulf %get3A_350, %get3A_354 : vector<16xf32>
        %mul3A_356 = arith.mulf %mul3A_355, %gather3A_327 : vector<16xf32>
        %swap3A_357 = arith.index_cast %add3A_331 : i32 to index
        %swap3A_358 = arith.constant 16 : index
        %swap3A_359 = tpu.vector_load %arg11[%swap3A_357, %swap3A_358] {strides = array<i32>} : memref<128x32xf32, #tpu.memory_space<vmem>>, vector<1x16xf32>,
        %swap3A_360 = vector.shape_cast %swap3A_359 : vector<1x16xf32> to vector<16xf32>
        %swap3A_361 = vector.shape_cast %mul3A_356 : vector<16xf32> to vector<1x16xf32>
        tpu.vector_store %arg11[%swap3A_357, %swap3A_358], %swap3A_361 {strides = array<i32>} : memref<128x32xf32, #tpu.memory_space<vmem>>, vector<1x16xf32>,
        %broadcast_in_dim3A_362 = arith.constant 8 : i32
        %broadcast_in_dim3A_363 = vector.broadcast %broadcast_in_dim3A_362 : i32 to vector<16x1xi32>
        %gather3A_364 = vector.shape_cast %broadcast_in_dim3A_363 : vector<16x1xi32> to vector<16xi32>
        %gather3A_365 = tpu.dynamic_gather %get3A_59[%gather3A_364] in [0] : vector<16xf32>, vector<16xi32> -> vector<16xf32>
        %mul3A_366 = arith.constant 16 : i32
        %mul3A_367 = arith.muli %scan3A_53, %mul3A_366 : i32
        %add3A_368 = arith.constant 8 : i32
        %add3A_369 = arith.addi %mul3A_367, %add3A_368 : i32
        %get3A_370 = arith.index_cast %add3A_369 : i32 to index
        %get3A_371 = arith.constant 0 : index
        %get3A_372 = tpu.vector_load %arg11[%get3A_370, %get3A_371] {strides = array<i32>} : memref<128x32xf32, #tpu.memory_space<vmem>>, vector<1x16xf32>,
        %get3A_373 = vector.shape_cast %get3A_372 : vector<1x16xf32> to vector<16xf32>
        %get3A_374 = arith.index_cast %add3A_369 : i32 to index
        %get3A_375 = arith.constant 0 : index
        %get3A_376 = tpu.vector_load %arg10[%get3A_374, %get3A_375] {strides = array<i32>} : memref<128x32xf32, #tpu.memory_space<vmem>>, vector<1x16xf32>,
        %get3A_377 = vector.shape_cast %get3A_376 : vector<1x16xf32> to vector<16xf32>
        %mul3A_378 = arith.mulf %get3A_373, %get3A_377 : vector<16xf32>
        %mul3A_379 = arith.mulf %mul3A_378, %gather3A_365 : vector<16xf32>
        %swap3A_380 = arith.index_cast %add3A_369 : i32 to index
        %swap3A_381 = arith.constant 0 : index
        %swap3A_382 = tpu.vector_load %arg11[%swap3A_380, %swap3A_381] {strides = array<i32>} : memref<128x32xf32, #tpu.memory_space<vmem>>, vector<1x16xf32>,
        %swap3A_383 = vector.shape_cast %swap3A_382 : vector<1x16xf32> to vector<16xf32>
        %swap3A_384 = vector.shape_cast %mul3A_379 : vector<16xf32> to vector<1x16xf32>
        tpu.vector_store %arg11[%swap3A_380, %swap3A_381], %swap3A_384 {strides = array<i32>} : memref<128x32xf32, #tpu.memory_space<vmem>>, vector<1x16xf32>,
        %get3A_385 = arith.index_cast %add3A_369 : i32 to index
        %get3A_386 = arith.constant 16 : index
        %get3A_387 = tpu.vector_load %arg11[%get3A_385, %get3A_386] {strides = array<i32>} : memref<128x32xf32, #tpu.memory_space<vmem>>, vector<1x16xf32>,
        %get3A_388 = vector.shape_cast %get3A_387 : vector<1x16xf32> to vector<16xf32>
        %get3A_389 = arith.index_cast %add3A_369 : i32 to index
        %get3A_390 = arith.constant 16 : index
        %get3A_391 = tpu.vector_load %arg10[%get3A_389, %get3A_390] {strides = array<i32>} : memref<128x32xf32, #tpu.memory_space<vmem>>, vector<1x16xf32>,
        %get3A_392 = vector.shape_cast %get3A_391 : vector<1x16xf32> to vector<16xf32>
        %mul3A_393 = arith.mulf %get3A_388, %get3A_392 : vector<16xf32>
        %mul3A_394 = arith.mulf %mul3A_393, %gather3A_365 : vector<16xf32>
        %swap3A_395 = arith.index_cast %add3A_369 : i32 to index
        %swap3A_396 = arith.constant 16 : index
        %swap3A_397 = tpu.vector_load %arg11[%swap3A_395, %swap3A_396] {strides = array<i32>} : memref<128x32xf32, #tpu.memory_space<vmem>>, vector<1x16xf32>,
        %swap3A_398 = vector.shape_cast %swap3A_397 : vector<1x16xf32> to vector<16xf32>
        %swap3A_399 = vector.shape_cast %mul3A_394 : vector<16xf32> to vector<1x16xf32>
        tpu.vector_store %arg11[%swap3A_395, %swap3A_396], %swap3A_399 {strides = array<i32>} : memref<128x32xf32, #tpu.memory_space<vmem>>, vector<1x16xf32>,
        %broadcast_in_dim3A_400 = arith.constant 9 : i32
        %broadcast_in_dim3A_401 = vector.broadcast %broadcast_in_dim3A_400 : i32 to vector<16x1xi32>
        %gather3A_402 = vector.shape_cast %broadcast_in_dim3A_401 : vector<16x1xi32> to vector<16xi32>
        %gather3A_403 = tpu.dynamic_gather %get3A_59[%gather3A_402] in [0] : vector<16xf32>, vector<16xi32> -> vector<16xf32>
        %mul3A_404 = arith.constant 16 : i32
        %mul3A_405 = arith.muli %scan3A_53, %mul3A_404 : i32
        %add3A_406 = arith.constant 9 : i32
        %add3A_407 = arith.addi %mul3A_405, %add3A_406 : i32
        %get3A_408 = arith.index_cast %add3A_407 : i32 to index
        %get3A_409 = arith.constant 0 : index
        %get3A_410 = tpu.vector_load %arg11[%get3A_408, %get3A_409] {strides = array<i32>} : memref<128x32xf32, #tpu.memory_space<vmem>>, vector<1x16xf32>,
        %get3A_411 = vector.shape_cast %get3A_410 : vector<1x16xf32> to vector<16xf32>
        %get3A_412 = arith.index_cast %add3A_407 : i32 to index
        %get3A_413 = arith.constant 0 : index
        %get3A_414 = tpu.vector_load %arg10[%get3A_412, %get3A_413] {strides = array<i32>} : memref<128x32xf32, #tpu.memory_space<vmem>>, vector<1x16xf32>,
        %get3A_415 = vector.shape_cast %get3A_414 : vector<1x16xf32> to vector<16xf32>
        %mul3A_416 = arith.mulf %get3A_411, %get3A_415 : vector<16xf32>
        %mul3A_417 = arith.mulf %mul3A_416, %gather3A_403 : vector<16xf32>
        %swap3A_418 = arith.index_cast %add3A_407 : i32 to index
        %swap3A_419 = arith.constant 0 : index
        %swap3A_420 = tpu.vector_load %arg11[%swap3A_418, %swap3A_419] {strides = array<i32>} : memref<128x32xf32, #tpu.memory_space<vmem>>, vector<1x16xf32>,
        %swap3A_421 = vector.shape_cast %swap3A_420 : vector<1x16xf32> to vector<16xf32>
        %swap3A_422 = vector.shape_cast %mul3A_417 : vector<16xf32> to vector<1x16xf32>
        tpu.vector_store %arg11[%swap3A_418, %swap3A_419], %swap3A_422 {strides = array<i32>} : memref<128x32xf32, #tpu.memory_space<vmem>>, vector<1x16xf32>,
        %get3A_423 = arith.index_cast %add3A_407 : i32 to index
        %get3A_424 = arith.constant 16 : index
        %get3A_425 = tpu.vector_load %arg11[%get3A_423, %get3A_424] {strides = array<i32>} : memref<128x32xf32, #tpu.memory_space<vmem>>, vector<1x16xf32>,
        %get3A_426 = vector.shape_cast %get3A_425 : vector<1x16xf32> to vector<16xf32>
        %get3A_427 = arith.index_cast %add3A_407 : i32 to index
        %get3A_428 = arith.constant 16 : index
        %get3A_429 = tpu.vector_load %arg10[%get3A_427, %get3A_428] {strides = array<i32>} : memref<128x32xf32, #tpu.memory_space<vmem>>, vector<1x16xf32>,
        %get3A_430 = vector.shape_cast %get3A_429 : vector<1x16xf32> to vector<16xf32>
        %mul3A_431 = arith.mulf %get3A_426, %get3A_430 : vector<16xf32>
        %mul3A_432 = arith.mulf %mul3A_431, %gather3A_403 : vector<16xf32>
        %swap3A_433 = arith.index_cast %add3A_407 : i32 to index
        %swap3A_434 = arith.constant 16 : index
        %swap3A_435 = tpu.vector_load %arg11[%swap3A_433, %swap3A_434] {strides = array<i32>} : memref<128x32xf32, #tpu.memory_space<vmem>>, vector<1x16xf32>,
        %swap3A_436 = vector.shape_cast %swap3A_435 : vector<1x16xf32> to vector<16xf32>
        %swap3A_437 = vector.shape_cast %mul3A_432 : vector<16xf32> to vector<1x16xf32>
        tpu.vector_store %arg11[%swap3A_433, %swap3A_434], %swap3A_437 {strides = array<i32>} : memref<128x32xf32, #tpu.memory_space<vmem>>, vector<1x16xf32>,
        %broadcast_in_dim3A_438 = arith.constant 10 : i32
        %broadcast_in_dim3A_439 = vector.broadcast %broadcast_in_dim3A_438 : i32 to vector<16x1xi32>
        %gather3A_440 = vector.shape_cast %broadcast_in_dim3A_439 : vector<16x1xi32> to vector<16xi32>
        %gather3A_441 = tpu.dynamic_gather %get3A_59[%gather3A_440] in [0] : vector<16xf32>, vector<16xi32> -> vector<16xf32>
        %mul3A_442 = arith.constant 16 : i32
        %mul3A_443 = arith.muli %scan3A_53, %mul3A_442 : i32
        %add3A_444 = arith.constant 10 : i32
        %add3A_445 = arith.addi %mul3A_443, %add3A_444 : i32
        %get3A_446 = arith.index_cast %add3A_445 : i32 to index
        %get3A_447 = arith.constant 0 : index
        %get3A_448 = tpu.vector_load %arg11[%get3A_446, %get3A_447] {strides = array<i32>} : memref<128x32xf32, #tpu.memory_space<vmem>>, vector<1x16xf32>,
        %get3A_449 = vector.shape_cast %get3A_448 : vector<1x16xf32> to vector<16xf32>
        %get3A_450 = arith.index_cast %add3A_445 : i32 to index
        %get3A_451 = arith.constant 0 : index
        %get3A_452 = tpu.vector_load %arg10[%get3A_450, %get3A_451] {strides = array<i32>} : memref<128x32xf32, #tpu.memory_space<vmem>>, vector<1x16xf32>,
        %get3A_453 = vector.shape_cast %get3A_452 : vector<1x16xf32> to vector<16xf32>
        %mul3A_454 = arith.mulf %get3A_449, %get3A_453 : vector<16xf32>
        %mul3A_455 = arith.mulf %mul3A_454, %gather3A_441 : vector<16xf32>
        %swap3A_456 = arith.index_cast %add3A_445 : i32 to index
        %swap3A_457 = arith.constant 0 : index
        %swap3A_458 = tpu.vector_load %arg11[%swap3A_456, %swap3A_457] {strides = array<i32>} : memref<128x32xf32, #tpu.memory_space<vmem>>, vector<1x16xf32>,
        %swap3A_459 = vector.shape_cast %swap3A_458 : vector<1x16xf32> to vector<16xf32>
        %swap3A_460 = vector.shape_cast %mul3A_455 : vector<16xf32> to vector<1x16xf32>
        tpu.vector_store %arg11[%swap3A_456, %swap3A_457], %swap3A_460 {strides = array<i32>} : memref<128x32xf32, #tpu.memory_space<vmem>>, vector<1x16xf32>,
        %get3A_461 = arith.index_cast %add3A_445 : i32 to index
        %get3A_462 = arith.constant 16 : index
        %get3A_463 = tpu.vector_load %arg11[%get3A_461, %get3A_462] {strides = array<i32>} : memref<128x32xf32, #tpu.memory_space<vmem>>, vector<1x16xf32>,
        %get3A_464 = vector.shape_cast %get3A_463 : vector<1x16xf32> to vector<16xf32>
        %get3A_465 = arith.index_cast %add3A_445 : i32 to index
        %get3A_466 = arith.constant 16 : index
        %get3A_467 = tpu.vector_load %arg10[%get3A_465, %get3A_466] {strides = array<i32>} : memref<128x32xf32, #tpu.memory_space<vmem>>, vector<1x16xf32>,
        %get3A_468 = vector.shape_cast %get3A_467 : vector<1x16xf32> to vector<16xf32>
        %mul3A_469 = arith.mulf %get3A_464, %get3A_468 : vector<16xf32>
        %mul3A_470 = arith.mulf %mul3A_469, %gather3A_441 : vector<16xf32>
        %swap3A_471 = arith.index_cast %add3A_445 : i32 to index
        %swap3A_472 = arith.constant 16 : index
        %swap3A_473 = tpu.vector_load %arg11[%swap3A_471, %swap3A_472] {strides = array<i32>} : memref<128x32xf32, #tpu.memory_space<vmem>>, vector<1x16xf32>,
        %swap3A_474 = vector.shape_cast %swap3A_473 : vector<1x16xf32> to vector<16xf32>
        %swap3A_475 = vector.shape_cast %mul3A_470 : vector<16xf32> to vector<1x16xf32>
        tpu.vector_store %arg11[%swap3A_471, %swap3A_472], %swap3A_475 {strides = array<i32>} : memref<128x32xf32, #tpu.memory_space<vmem>>, vector<1x16xf32>,
        %broadcast_in_dim3A_476 = arith.constant 11 : i32
        %broadcast_in_dim3A_477 = vector.broadcast %broadcast_in_dim3A_476 : i32 to vector<16x1xi32>
        %gather3A_478 = vector.shape_cast %broadcast_in_dim3A_477 : vector<16x1xi32> to vector<16xi32>
        %gather3A_479 = tpu.dynamic_gather %get3A_59[%gather3A_478] in [0] : vector<16xf32>, vector<16xi32> -> vector<16xf32>
        %mul3A_480 = arith.constant 16 : i32
        %mul3A_481 = arith.muli %scan3A_53, %mul3A_480 : i32
        %add3A_482 = arith.constant 11 : i32
        %add3A_483 = arith.addi %mul3A_481, %add3A_482 : i32
        %get3A_484 = arith.index_cast %add3A_483 : i32 to index
        %get3A_485 = arith.constant 0 : index
        %get3A_486 = tpu.vector_load %arg11[%get3A_484, %get3A_485] {strides = array<i32>} : memref<128x32xf32, #tpu.memory_space<vmem>>, vector<1x16xf32>,
        %get3A_487 = vector.shape_cast %get3A_486 : vector<1x16xf32> to vector<16xf32>
        %get3A_488 = arith.index_cast %add3A_483 : i32 to index
        %get3A_489 = arith.constant 0 : index
        %get3A_490 = tpu.vector_load %arg10[%get3A_488, %get3A_489] {strides = array<i32>} : memref<128x32xf32, #tpu.memory_space<vmem>>, vector<1x16xf32>,
        %get3A_491 = vector.shape_cast %get3A_490 : vector<1x16xf32> to vector<16xf32>
        %mul3A_492 = arith.mulf %get3A_487, %get3A_491 : vector<16xf32>
        %mul3A_493 = arith.mulf %mul3A_492, %gather3A_479 : vector<16xf32>
        %swap3A_494 = arith.index_cast %add3A_483 : i32 to index
        %swap3A_495 = arith.constant 0 : index
        %swap3A_496 = tpu.vector_load %arg11[%swap3A_494, %swap3A_495] {strides = array<i32>} : memref<128x32xf32, #tpu.memory_space<vmem>>, vector<1x16xf32>,
        %swap3A_497 = vector.shape_cast %swap3A_496 : vector<1x16xf32> to vector<16xf32>
        %swap3A_498 = vector.shape_cast %mul3A_493 : vector<16xf32> to vector<1x16xf32>
        tpu.vector_store %arg11[%swap3A_494, %swap3A_495], %swap3A_498 {strides = array<i32>} : memref<128x32xf32, #tpu.memory_space<vmem>>, vector<1x16xf32>,
        %get3A_499 = arith.index_cast %add3A_483 : i32 to index
        %get3A_500 = arith.constant 16 : index
        %get3A_501 = tpu.vector_load %arg11[%get3A_499, %get3A_500] {strides = array<i32>} : memref<128x32xf32, #tpu.memory_space<vmem>>, vector<1x16xf32>,
        %get3A_502 = vector.shape_cast %get3A_501 : vector<1x16xf32> to vector<16xf32>
        %get3A_503 = arith.index_cast %add3A_483 : i32 to index
        %get3A_504 = arith.constant 16 : index
        %get3A_505 = tpu.vector_load %arg10[%get3A_503, %get3A_504] {strides = array<i32>} : memref<128x32xf32, #tpu.memory_space<vmem>>, vector<1x16xf32>,
        %get3A_506 = vector.shape_cast %get3A_505 : vector<1x16xf32> to vector<16xf32>
        %mul3A_507 = arith.mulf %get3A_502, %get3A_506 : vector<16xf32>
        %mul3A_508 = arith.mulf %mul3A_507, %gather3A_479 : vector<16xf32>
        %swap3A_509 = arith.index_cast %add3A_483 : i32 to index
        %swap3A_510 = arith.constant 16 : index
        %swap3A_511 = tpu.vector_load %arg11[%swap3A_509, %swap3A_510] {strides = array<i32>} : memref<128x32xf32, #tpu.memory_space<vmem>>, vector<1x16xf32>,
        %swap3A_512 = vector.shape_cast %swap3A_511 : vector<1x16xf32> to vector<16xf32>
        %swap3A_513 = vector.shape_cast %mul3A_508 : vector<16xf32> to vector<1x16xf32>
        tpu.vector_store %arg11[%swap3A_509, %swap3A_510], %swap3A_513 {strides = array<i32>} : memref<128x32xf32, #tpu.memory_space<vmem>>, vector<1x16xf32>,
        %broadcast_in_dim3A_514 = arith.constant 12 : i32
        %broadcast_in_dim3A_515 = vector.broadcast %broadcast_in_dim3A_514 : i32 to vector<16x1xi32>
        %gather3A_516 = vector.shape_cast %broadcast_in_dim3A_515 : vector<16x1xi32> to vector<16xi32>
        %gather3A_517 = tpu.dynamic_gather %get3A_59[%gather3A_516] in [0] : vector<16xf32>, vector<16xi32> -> vector<16xf32>
        %mul3A_518 = arith.constant 16 : i32
        %mul3A_519 = arith.muli %scan3A_53, %mul3A_518 : i32
        %add3A_520 = arith.constant 12 : i32
        %add3A_521 = arith.addi %mul3A_519, %add3A_520 : i32
        %get3A_522 = arith.index_cast %add3A_521 : i32 to index
        %get3A_523 = arith.constant 0 : index
        %get3A_524 = tpu.vector_load %arg11[%get3A_522, %get3A_523] {strides = array<i32>} : memref<128x32xf32, #tpu.memory_space<vmem>>, vector<1x16xf32>,
        %get3A_525 = vector.shape_cast %get3A_524 : vector<1x16xf32> to vector<16xf32>
        %get3A_526 = arith.index_cast %add3A_521 : i32 to index
        %get3A_527 = arith.constant 0 : index
        %get3A_528 = tpu.vector_load %arg10[%get3A_526, %get3A_527] {strides = array<i32>} : memref<128x32xf32, #tpu.memory_space<vmem>>, vector<1x16xf32>,
        %get3A_529 = vector.shape_cast %get3A_528 : vector<1x16xf32> to vector<16xf32>
        %mul3A_530 = arith.mulf %get3A_525, %get3A_529 : vector<16xf32>
        %mul3A_531 = arith.mulf %mul3A_530, %gather3A_517 : vector<16xf32>
        %swap3A_532 = arith.index_cast %add3A_521 : i32 to index
        %swap3A_533 = arith.constant 0 : index
        %swap3A_534 = tpu.vector_load %arg11[%swap3A_532, %swap3A_533] {strides = array<i32>} : memref<128x32xf32, #tpu.memory_space<vmem>>, vector<1x16xf32>,
        %swap3A_535 = vector.shape_cast %swap3A_534 : vector<1x16xf32> to vector<16xf32>
        %swap3A_536 = vector.shape_cast %mul3A_531 : vector<16xf32> to vector<1x16xf32>
        tpu.vector_store %arg11[%swap3A_532, %swap3A_533], %swap3A_536 {strides = array<i32>} : memref<128x32xf32, #tpu.memory_space<vmem>>, vector<1x16xf32>,
        %get3A_537 = arith.index_cast %add3A_521 : i32 to index
        %get3A_538 = arith.constant 16 : index
        %get3A_539 = tpu.vector_load %arg11[%get3A_537, %get3A_538] {strides = array<i32>} : memref<128x32xf32, #tpu.memory_space<vmem>>, vector<1x16xf32>,
        %get3A_540 = vector.shape_cast %get3A_539 : vector<1x16xf32> to vector<16xf32>
        %get3A_541 = arith.index_cast %add3A_521 : i32 to index
        %get3A_542 = arith.constant 16 : index
        %get3A_543 = tpu.vector_load %arg10[%get3A_541, %get3A_542] {strides = array<i32>} : memref<128x32xf32, #tpu.memory_space<vmem>>, vector<1x16xf32>,
        %get3A_544 = vector.shape_cast %get3A_543 : vector<1x16xf32> to vector<16xf32>
        %mul3A_545 = arith.mulf %get3A_540, %get3A_544 : vector<16xf32>
        %mul3A_546 = arith.mulf %mul3A_545, %gather3A_517 : vector<16xf32>
        %swap3A_547 = arith.index_cast %add3A_521 : i32 to index
        %swap3A_548 = arith.constant 16 : index
        %swap3A_549 = tpu.vector_load %arg11[%swap3A_547, %swap3A_548] {strides = array<i32>} : memref<128x32xf32, #tpu.memory_space<vmem>>, vector<1x16xf32>,
        %swap3A_550 = vector.shape_cast %swap3A_549 : vector<1x16xf32> to vector<16xf32>
        %swap3A_551 = vector.shape_cast %mul3A_546 : vector<16xf32> to vector<1x16xf32>
        tpu.vector_store %arg11[%swap3A_547, %swap3A_548], %swap3A_551 {strides = array<i32>} : memref<128x32xf32, #tpu.memory_space<vmem>>, vector<1x16xf32>,
        %broadcast_in_dim3A_552 = arith.constant 13 : i32
        %broadcast_in_dim3A_553 = vector.broadcast %broadcast_in_dim3A_552 : i32 to vector<16x1xi32>
        %gather3A_554 = vector.shape_cast %broadcast_in_dim3A_553 : vector<16x1xi32> to vector<16xi32>
        %gather3A_555 = tpu.dynamic_gather %get3A_59[%gather3A_554] in [0] : vector<16xf32>, vector<16xi32> -> vector<16xf32>
        %mul3A_556 = arith.constant 16 : i32
        %mul3A_557 = arith.muli %scan3A_53, %mul3A_556 : i32
        %add3A_558 = arith.constant 13 : i32
        %add3A_559 = arith.addi %mul3A_557, %add3A_558 : i32
        %get3A_560 = arith.index_cast %add3A_559 : i32 to index
        %get3A_561 = arith.constant 0 : index
        %get3A_562 = tpu.vector_load %arg11[%get3A_560, %get3A_561] {strides = array<i32>} : memref<128x32xf32, #tpu.memory_space<vmem>>, vector<1x16xf32>,
        %get3A_563 = vector.shape_cast %get3A_562 : vector<1x16xf32> to vector<16xf32>
        %get3A_564 = arith.index_cast %add3A_559 : i32 to index
        %get3A_565 = arith.constant 0 : index
        %get3A_566 = tpu.vector_load %arg10[%get3A_564, %get3A_565] {strides = array<i32>} : memref<128x32xf32, #tpu.memory_space<vmem>>, vector<1x16xf32>,
        %get3A_567 = vector.shape_cast %get3A_566 : vector<1x16xf32> to vector<16xf32>
        %mul3A_568 = arith.mulf %get3A_563, %get3A_567 : vector<16xf32>
        %mul3A_569 = arith.mulf %mul3A_568, %gather3A_555 : vector<16xf32>
        %swap3A_570 = arith.index_cast %add3A_559 : i32 to index
        %swap3A_571 = arith.constant 0 : index
        %swap3A_572 = tpu.vector_load %arg11[%swap3A_570, %swap3A_571] {strides = array<i32>} : memref<128x32xf32, #tpu.memory_space<vmem>>, vector<1x16xf32>,
        %swap3A_573 = vector.shape_cast %swap3A_572 : vector<1x16xf32> to vector<16xf32>
        %swap3A_574 = vector.shape_cast %mul3A_569 : vector<16xf32> to vector<1x16xf32>
        tpu.vector_store %arg11[%swap3A_570, %swap3A_571], %swap3A_574 {strides = array<i32>} : memref<128x32xf32, #tpu.memory_space<vmem>>, vector<1x16xf32>,
        %get3A_575 = arith.index_cast %add3A_559 : i32 to index
        %get3A_576 = arith.constant 16 : index
        %get3A_577 = tpu.vector_load %arg11[%get3A_575, %get3A_576] {strides = array<i32>} : memref<128x32xf32, #tpu.memory_space<vmem>>, vector<1x16xf32>,
        %get3A_578 = vector.shape_cast %get3A_577 : vector<1x16xf32> to vector<16xf32>
        %get3A_579 = arith.index_cast %add3A_559 : i32 to index
        %get3A_580 = arith.constant 16 : index
        %get3A_581 = tpu.vector_load %arg10[%get3A_579, %get3A_580] {strides = array<i32>} : memref<128x32xf32, #tpu.memory_space<vmem>>, vector<1x16xf32>,
        %get3A_582 = vector.shape_cast %get3A_581 : vector<1x16xf32> to vector<16xf32>
        %mul3A_583 = arith.mulf %get3A_578, %get3A_582 : vector<16xf32>
        %mul3A_584 = arith.mulf %mul3A_583, %gather3A_555 : vector<16xf32>
        %swap3A_585 = arith.index_cast %add3A_559 : i32 to index
        %swap3A_586 = arith.constant 16 : index
        %swap3A_587 = tpu.vector_load %arg11[%swap3A_585, %swap3A_586] {strides = array<i32>} : memref<128x32xf32, #tpu.memory_space<vmem>>, vector<1x16xf32>,
        %swap3A_588 = vector.shape_cast %swap3A_587 : vector<1x16xf32> to vector<16xf32>
        %swap3A_589 = vector.shape_cast %mul3A_584 : vector<16xf32> to vector<1x16xf32>
        tpu.vector_store %arg11[%swap3A_585, %swap3A_586], %swap3A_589 {strides = array<i32>} : memref<128x32xf32, #tpu.memory_space<vmem>>, vector<1x16xf32>,
        %broadcast_in_dim3A_590 = arith.constant 14 : i32
        %broadcast_in_dim3A_591 = vector.broadcast %broadcast_in_dim3A_590 : i32 to vector<16x1xi32>
        %gather3A_592 = vector.shape_cast %broadcast_in_dim3A_591 : vector<16x1xi32> to vector<16xi32>
        %gather3A_593 = tpu.dynamic_gather %get3A_59[%gather3A_592] in [0] : vector<16xf32>, vector<16xi32> -> vector<16xf32>
        %mul3A_594 = arith.constant 16 : i32
        %mul3A_595 = arith.muli %scan3A_53, %mul3A_594 : i32
        %add3A_596 = arith.constant 14 : i32
        %add3A_597 = arith.addi %mul3A_595, %add3A_596 : i32
        %get3A_598 = arith.index_cast %add3A_597 : i32 to index
        %get3A_599 = arith.constant 0 : index
        %get3A_600 = tpu.vector_load %arg11[%get3A_598, %get3A_599] {strides = array<i32>} : memref<128x32xf32, #tpu.memory_space<vmem>>, vector<1x16xf32>,
        %get3A_601 = vector.shape_cast %get3A_600 : vector<1x16xf32> to vector<16xf32>
        %get3A_602 = arith.index_cast %add3A_597 : i32 to index
        %get3A_603 = arith.constant 0 : index
        %get3A_604 = tpu.vector_load %arg10[%get3A_602, %get3A_603] {strides = array<i32>} : memref<128x32xf32, #tpu.memory_space<vmem>>, vector<1x16xf32>,
        %get3A_605 = vector.shape_cast %get3A_604 : vector<1x16xf32> to vector<16xf32>
        %mul3A_606 = arith.mulf %get3A_601, %get3A_605 : vector<16xf32>
        %mul3A_607 = arith.mulf %mul3A_606, %gather3A_593 : vector<16xf32>
        %swap3A_608 = arith.index_cast %add3A_597 : i32 to index
        %swap3A_609 = arith.constant 0 : index
        %swap3A_610 = tpu.vector_load %arg11[%swap3A_608, %swap3A_609] {strides = array<i32>} : memref<128x32xf32, #tpu.memory_space<vmem>>, vector<1x16xf32>,
        %swap3A_611 = vector.shape_cast %swap3A_610 : vector<1x16xf32> to vector<16xf32>
        %swap3A_612 = vector.shape_cast %mul3A_607 : vector<16xf32> to vector<1x16xf32>
        tpu.vector_store %arg11[%swap3A_608, %swap3A_609], %swap3A_612 {strides = array<i32>} : memref<128x32xf32, #tpu.memory_space<vmem>>, vector<1x16xf32>,
        %get3A_613 = arith.index_cast %add3A_597 : i32 to index
        %get3A_614 = arith.constant 16 : index
        %get3A_615 = tpu.vector_load %arg11[%get3A_613, %get3A_614] {strides = array<i32>} : memref<128x32xf32, #tpu.memory_space<vmem>>, vector<1x16xf32>,
        %get3A_616 = vector.shape_cast %get3A_615 : vector<1x16xf32> to vector<16xf32>
        %get3A_617 = arith.index_cast %add3A_597 : i32 to index
        %get3A_618 = arith.constant 16 : index
        %get3A_619 = tpu.vector_load %arg10[%get3A_617, %get3A_618] {strides = array<i32>} : memref<128x32xf32, #tpu.memory_space<vmem>>, vector<1x16xf32>,
        %get3A_620 = vector.shape_cast %get3A_619 : vector<1x16xf32> to vector<16xf32>
        %mul3A_621 = arith.mulf %get3A_616, %get3A_620 : vector<16xf32>
        %mul3A_622 = arith.mulf %mul3A_621, %gather3A_593 : vector<16xf32>
        %swap3A_623 = arith.index_cast %add3A_597 : i32 to index
        %swap3A_624 = arith.constant 16 : index
        %swap3A_625 = tpu.vector_load %arg11[%swap3A_623, %swap3A_624] {strides = array<i32>} : memref<128x32xf32, #tpu.memory_space<vmem>>, vector<1x16xf32>,
        %swap3A_626 = vector.shape_cast %swap3A_625 : vector<1x16xf32> to vector<16xf32>
        %swap3A_627 = vector.shape_cast %mul3A_622 : vector<16xf32> to vector<1x16xf32>
        tpu.vector_store %arg11[%swap3A_623, %swap3A_624], %swap3A_627 {strides = array<i32>} : memref<128x32xf32, #tpu.memory_space<vmem>>, vector<1x16xf32>,
        %broadcast_in_dim3A_628 = arith.constant 15 : i32
        %broadcast_in_dim3A_629 = vector.broadcast %broadcast_in_dim3A_628 : i32 to vector<16x1xi32>
        %gather3A_630 = vector.shape_cast %broadcast_in_dim3A_629 : vector<16x1xi32> to vector<16xi32>
        %gather3A_631 = tpu.dynamic_gather %get3A_59[%gather3A_630] in [0] : vector<16xf32>, vector<16xi32> -> vector<16xf32>
        %mul3A_632 = arith.constant 16 : i32
        %mul3A_633 = arith.muli %scan3A_53, %mul3A_632 : i32
        %add3A_634 = arith.constant 15 : i32
        %add3A_635 = arith.addi %mul3A_633, %add3A_634 : i32
        %get3A_636 = arith.index_cast %add3A_635 : i32 to index
        %get3A_637 = arith.constant 0 : index
        %get3A_638 = tpu.vector_load %arg11[%get3A_636, %get3A_637] {strides = array<i32>} : memref<128x32xf32, #tpu.memory_space<vmem>>, vector<1x16xf32>,
        %get3A_639 = vector.shape_cast %get3A_638 : vector<1x16xf32> to vector<16xf32>
        %get3A_640 = arith.index_cast %add3A_635 : i32 to index
        %get3A_641 = arith.constant 0 : index
        %get3A_642 = tpu.vector_load %arg10[%get3A_640, %get3A_641] {strides = array<i32>} : memref<128x32xf32, #tpu.memory_space<vmem>>, vector<1x16xf32>,
        %get3A_643 = vector.shape_cast %get3A_642 : vector<1x16xf32> to vector<16xf32>
        %mul3A_644 = arith.mulf %get3A_639, %get3A_643 : vector<16xf32>
        %mul3A_645 = arith.mulf %mul3A_644, %gather3A_631 : vector<16xf32>
        %swap3A_646 = arith.index_cast %add3A_635 : i32 to index
        %swap3A_647 = arith.constant 0 : index
        %swap3A_648 = tpu.vector_load %arg11[%swap3A_646, %swap3A_647] {strides = array<i32>} : memref<128x32xf32, #tpu.memory_space<vmem>>, vector<1x16xf32>,
        %swap3A_649 = vector.shape_cast %swap3A_648 : vector<1x16xf32> to vector<16xf32>
        %swap3A_650 = vector.shape_cast %mul3A_645 : vector<16xf32> to vector<1x16xf32>
        tpu.vector_store %arg11[%swap3A_646, %swap3A_647], %swap3A_650 {strides = array<i32>} : memref<128x32xf32, #tpu.memory_space<vmem>>, vector<1x16xf32>,
        %get3A_651 = arith.index_cast %add3A_635 : i32 to index
        %get3A_652 = arith.constant 16 : index
        %get3A_653 = tpu.vector_load %arg11[%get3A_651, %get3A_652] {strides = array<i32>} : memref<128x32xf32, #tpu.memory_space<vmem>>, vector<1x16xf32>,
        %get3A_654 = vector.shape_cast %get3A_653 : vector<1x16xf32> to vector<16xf32>
        %get3A_655 = arith.index_cast %add3A_635 : i32 to index
        %get3A_656 = arith.constant 16 : index
        %get3A_657 = tpu.vector_load %arg10[%get3A_655, %get3A_656] {strides = array<i32>} : memref<128x32xf32, #tpu.memory_space<vmem>>, vector<1x16xf32>,
        %get3A_658 = vector.shape_cast %get3A_657 : vector<1x16xf32> to vector<16xf32>
        %mul3A_659 = arith.mulf %get3A_654, %get3A_658 : vector<16xf32>
        %mul3A_660 = arith.mulf %mul3A_659, %gather3A_631 : vector<16xf32>
        %swap3A_661 = arith.index_cast %add3A_635 : i32 to index
        %swap3A_662 = arith.constant 16 : index
        %swap3A_663 = tpu.vector_load %arg11[%swap3A_661, %swap3A_662] {strides = array<i32>} : memref<128x32xf32, #tpu.memory_space<vmem>>, vector<1x16xf32>,
        %swap3A_664 = vector.shape_cast %swap3A_663 : vector<1x16xf32> to vector<16xf32>
        %swap3A_665 = vector.shape_cast %mul3A_660 : vector<16xf32> to vector<1x16xf32>
        tpu.vector_store %arg11[%swap3A_661, %swap3A_662], %swap3A_665 {strides = array<i32>} : memref<128x32xf32, #tpu.memory_space<vmem>>, vector<1x16xf32>,
        %scan3A_666 = arith.constant 0 : i32
        scf.yield %scan3A_666 : i32
      }
      %scan3A_51 = arith.constant 8 : i32
      "tpu.region"() ({
        %run_scoped3A = tpu.sem_alloc : memref<!tpu.dma_semaphore, #tpu.memory_space<semaphore_mem>>
        %dma_start3A_53 = arith.constant 0 : i32
        %dma_start3A_54 = tpu.memref_slice %arg8[%scan3A_29, %dma_start3A_53] : memref<8x128xi32, #tpu.memory_space<vmem>> -> memref<1x128xi32, #tpu.memory_space<vmem>>
        %dma_start3A_55 = tpu.memref_squeeze %dma_start3A_54 : memref<1x128xi32, #tpu.memory_space<vmem>> -> memref<128xi32, #tpu.memory_space<vmem>>
        %dma_start3A_56 = arith.constant 0 : i32
        %dma_start3A_57 = arith.constant 0 : i32
        %dma_start3A_58 = tpu.memref_slice %arg12[%dma_start3A_56, %dma_start3A_57] : memref<1024x32xf32, #tpu.memory_space<vmem_shared>> -> memref<1024x32xf32, #tpu.memory_space<vmem_shared>>
        tpu.enqueue_indirect_dma source(%arg11 : memref<128x32xf32, #tpu.memory_space<vmem>>) target(%dma_start3A_58 : memref<1024x32xf32, #tpu.memory_space<vmem_shared>>) offsets(%dma_start3A_55 : memref<128xi32, #tpu.memory_space<vmem>>) semaphore(%run_scoped3A : memref<!tpu.dma_semaphore, #tpu.memory_space<semaphore_mem>>) {add = true}
        %dma_wait3A_59 = arith.constant 0 : i32
        %dma_wait3A_60 = tpu.memref_slice %arg8[%scan3A_29, %dma_wait3A_59] : memref<8x128xi32, #tpu.memory_space<vmem>> -> memref<1x128xi32, #tpu.memory_space<vmem>>
        %dma_wait3A_61 = tpu.memref_squeeze %dma_wait3A_60 : memref<1x128xi32, #tpu.memory_space<vmem>> -> memref<128xi32, #tpu.memory_space<vmem>>
        %dma_wait3A_62 = arith.constant 0 : i32
        %dma_wait3A_63 = arith.constant 0 : i32
        %dma_wait3A_64 = tpu.memref_slice %arg12[%dma_wait3A_62, %dma_wait3A_63] : memref<1024x32xf32, #tpu.memory_space<vmem_shared>> -> memref<1024x32xf32, #tpu.memory_space<vmem_shared>>
        tpu.wait_indirect_dma semaphore(%run_scoped3A : memref<!tpu.dma_semaphore, #tpu.memory_space<semaphore_mem>>) src(%arg11 : memref<128x32xf32, #tpu.memory_space<vmem>>) dst(%dma_wait3A_64 : memref<1024x32xf32, #tpu.memory_space<vmem_shared>>)
        tpu.yield
      }) : () -> ()
      %scan3A_52 = arith.constant 0 : i32
      scf.yield %scan3A_52 : i32
    }
    %scan3A_21 = arith.constant 8 : i32
    %barrier3A_22 = arith.constant 0 : index
    tpu.barrier barrier_id(%barrier3A_22)
    %mul3A_23 = arith.constant 64 : i32
    %mul3A_24 = arith.muli %arg1, %mul3A_23 : i32
    "tpu.region"() ({
      %run_scoped3A = tpu.sem_alloc : memref<!tpu.dma_semaphore, #tpu.memory_space<semaphore_mem>>
      %dma_start3A = arith.constant 0 : i32
      %dma_start3A_29 = arith.constant 0 : i32
      %dma_start3A_30 = tpu.memref_slice %arg11[%dma_start3A, %dma_start3A_29] : memref<128x32xf32, #tpu.memory_space<vmem>> -> memref<64x32xf32, #tpu.memory_space<vmem>>
      %dma_start3A_31 = arith.constant 0 : i32
      %dma_start3A_32 = tpu.memref_slice %arg12[%mul3A_24, %dma_start3A_31] : memref<1024x32xf32, #tpu.memory_space<vmem_shared>> -> memref<64x32xf32, #tpu.memory_space<vmem_shared>>
      %dma_start3A_33 = arith.constant 0 : i32
      %dma_start3A_34 = arith.constant 0 : i32
      %dma_start3A_35 = tpu.memref_slice %arg11[%dma_start3A_33, %dma_start3A_34] : memref<128x32xf32, #tpu.memory_space<vmem>> -> memref<64x32xf32, #tpu.memory_space<vmem>>
      %dma_start3A_36 = arith.constant 0 : i32
      %dma_start3A_37 = tpu.memref_slice %arg12[%mul3A_24, %dma_start3A_36] : memref<1024x32xf32, #tpu.memory_space<vmem_shared>> -> memref<64x32xf32, #tpu.memory_space<vmem_shared>>
      tpu.enqueue_dma source(%dma_start3A_37 : memref<64x32xf32, #tpu.memory_space<vmem_shared>>) target(%dma_start3A_35 : memref<64x32xf32, #tpu.memory_space<vmem>>) target_semaphore(%run_scoped3A : memref<!tpu.dma_semaphore, #tpu.memory_space<semaphore_mem>>)
      %dma_wait3A = arith.constant 0 : i32
      %dma_wait3A_38 = arith.constant 0 : i32
      %dma_wait3A_39 = tpu.memref_slice %arg11[%dma_wait3A, %dma_wait3A_38] : memref<128x32xf32, #tpu.memory_space<vmem>> -> memref<64x32xf32, #tpu.memory_space<vmem>>
      %dma_wait3A_40 = arith.constant 0 : i32
      %dma_wait3A_41 = tpu.memref_slice %arg12[%mul3A_24, %dma_wait3A_40] : memref<1024x32xf32, #tpu.memory_space<vmem_shared>> -> memref<64x32xf32, #tpu.memory_space<vmem_shared>>
      %dma_wait3A_42 = arith.constant 0 : i32
      %dma_wait3A_43 = arith.constant 0 : i32
      %dma_wait3A_44 = tpu.memref_slice %arg11[%dma_wait3A_42, %dma_wait3A_43] : memref<128x32xf32, #tpu.memory_space<vmem>> -> memref<64x32xf32, #tpu.memory_space<vmem>>
      %dma_wait3A_45 = arith.constant 0 : i32
      %dma_wait3A_46 = tpu.memref_slice %arg12[%mul3A_24, %dma_wait3A_45] : memref<1024x32xf32, #tpu.memory_space<vmem_shared>> -> memref<64x32xf32, #tpu.memory_space<vmem_shared>>
      tpu.wait_dma2 semaphore(%run_scoped3A : memref<!tpu.dma_semaphore, #tpu.memory_space<semaphore_mem>>) src(%dma_wait3A_46 : memref<64x32xf32, #tpu.memory_space<vmem_shared>>) dst(%dma_wait3A_44 : memref<64x32xf32, #tpu.memory_space<vmem>>)
      tpu.yield
    }) : () -> ()
    %mul3A_25 = arith.constant 64 : i32
    %mul3A_26 = arith.muli %arg1, %mul3A_25 : i32
    %mul3A_27 = arith.constant 32 : i32
    %mul3A_28 = arith.muli %arg0, %mul3A_27 : i32
    "tpu.region"() ({
      %run_scoped3A = tpu.sem_alloc : memref<!tpu.dma_semaphore, #tpu.memory_space<semaphore_mem>>
      %dma_start3A = arith.constant 0 : i32
      %dma_start3A_29 = arith.constant 0 : i32
      %dma_start3A_30 = tpu.memref_slice %arg11[%dma_start3A, %dma_start3A_29] : memref<128x32xf32, #tpu.memory_space<vmem>> -> memref<64x32xf32, #tpu.memory_space<vmem>>
      %dma_start3A_31 = tpu.memref_slice %arg6[%mul3A_26, %mul3A_28] : memref<1024x64xf32, #tpu.memory_space<hbm>> -> memref<64x32xf32, #tpu.memory_space<hbm>>
      %dma_start3A_32 = tpu.memref_slice %arg6[%mul3A_26, %mul3A_28] : memref<1024x64xf32, #tpu.memory_space<hbm>> -> memref<64x32xf32, #tpu.memory_space<hbm>>
      %dma_start3A_33 = arith.constant 0 : i32
      %dma_start3A_34 = arith.constant 0 : i32
      %dma_start3A_35 = tpu.memref_slice %arg11[%dma_start3A_33, %dma_start3A_34] : memref<128x32xf32, #tpu.memory_space<vmem>> -> memref<64x32xf32, #tpu.memory_space<vmem>>
      tpu.enqueue_dma source(%dma_start3A_35 : memref<64x32xf32, #tpu.memory_space<vmem>>) target(%dma_start3A_32 : memref<64x32xf32, #tpu.memory_space<hbm>>) target_semaphore(%run_scoped3A : memref<!tpu.dma_semaphore, #tpu.memory_space<semaphore_mem>>)
      %dma_wait3A = arith.constant 0 : i32
      %dma_wait3A_36 = arith.constant 0 : i32
      %dma_wait3A_37 = tpu.memref_slice %arg11[%dma_wait3A, %dma_wait3A_36] : memref<128x32xf32, #tpu.memory_space<vmem>> -> memref<64x32xf32, #tpu.memory_space<vmem>>
      %dma_wait3A_38 = tpu.memref_slice %arg6[%mul3A_26, %mul3A_28] : memref<1024x64xf32, #tpu.memory_space<hbm>> -> memref<64x32xf32, #tpu.memory_space<hbm>>
      %dma_wait3A_39 = tpu.memref_slice %arg6[%mul3A_26, %mul3A_28] : memref<1024x64xf32, #tpu.memory_space<hbm>> -> memref<64x32xf32, #tpu.memory_space<hbm>>
      %dma_wait3A_40 = arith.constant 0 : i32
      %dma_wait3A_41 = arith.constant 0 : i32
      %dma_wait3A_42 = tpu.memref_slice %arg11[%dma_wait3A_40, %dma_wait3A_41] : memref<128x32xf32, #tpu.memory_space<vmem>> -> memref<64x32xf32, #tpu.memory_space<vmem>>
      tpu.wait_dma2 semaphore(%run_scoped3A : memref<!tpu.dma_semaphore, #tpu.memory_space<semaphore_mem>>) src(%dma_wait3A_42 : memref<64x32xf32, #tpu.memory_space<vmem>>) dst(%dma_wait3A_39 : memref<64x32xf32, #tpu.memory_space<hbm>>)
      tpu.yield
    }) : () -> ()
    return
  }
}

#map = affine_map<(d0, d1) -> (0, 0, 0)>
#map1 = affine_map<(d0, d1) -> (0, 0)>
module attributes {stable_mosaic.version = 14 : i64} {
  func.func @_p1_body(%arg0: i32, %arg1: i32, %arg2: memref<16x400x128xi32, #tpu.memory_space<hbm>>, %arg3: memref<16x400x128xf32, #tpu.memory_space<hbm>>, %arg4: memref<16x400x128xi32, #tpu.memory_space<hbm>>, %arg5: memref<2000000x32xf32, #tpu.memory_space<hbm>>, %arg6: memref<2x16384x32xf32, #tpu.memory_space<hbm>>, %arg7: memref<20x128xi32, #tpu.memory_space<vmem>>, %arg8: memref<20x128xf32, #tpu.memory_space<vmem>>, %arg9: memref<20x128xi32, #tpu.memory_space<vmem>>, %arg10: memref<2x128x32xf32, #tpu.memory_space<vmem>>, %arg11: memref<128x32xf32, #tpu.memory_space<vmem>>, %arg12: memref<16384x32xf32, #tpu.memory_space<vmem_shared>>, %arg13: memref<!tpu.dma_semaphore, #tpu.memory_space<semaphore_mem>>) attributes {dimension_semantics = [#tpu.dimension_semantics<core_parallel>, #tpu.dimension_semantics<subcore_parallel>], iteration_bounds = array<i64: 2, 16>, scalar_prefetch = 0 : i64, scratch_operands = 7 : i64, tpu.core_type = #tpu.core_type<sc_vector_subcore>, window_params = [{transform_indices = #map}, {transform_indices = #map}, {transform_indices = #map}, {transform_indices = #map1}, {transform_indices = #map}]} {
    %broadcast_in_dim3A = arith.constant 0.000000e+00 : f32
    %broadcast_in_dim3A_0 = vector.broadcast %broadcast_in_dim3A : f32 to vector<16xf32>
    %scan3A = arith.constant 0 : i32
    %scan3A_1 = arith.constant 0 : i32
    %scan3A_2 = arith.constant 64 : i32
    %scan3A_3 = arith.addi %scan3A_1, %scan3A_2 : i32
    %scan3A_4 = arith.constant 1 : i32
    %scan3A_5 = scf.for %scan3A_29 = %scan3A_1 to %scan3A_3 step %scan3A_4 iter_args(%scan3A_30 = %scan3A) -> (i32)  : i32 {
      %swap3A = arith.index_cast %scan3A_29 : i32 to index
      %swap3A_31 = arith.constant 0 : index
      %swap3A_32 = tpu.vector_load %arg11[%swap3A, %swap3A_31] {strides = array<i32>} : memref<128x32xf32, #tpu.memory_space<vmem>>, vector<1x16xf32>,
      %swap3A_33 = vector.shape_cast %swap3A_32 : vector<1x16xf32> to vector<16xf32>
      %swap3A_34 = vector.shape_cast %broadcast_in_dim3A_0 : vector<16xf32> to vector<1x16xf32>
      tpu.vector_store %arg11[%swap3A, %swap3A_31], %swap3A_34 {strides = array<i32>} : memref<128x32xf32, #tpu.memory_space<vmem>>, vector<1x16xf32>,
      %swap3A_35 = arith.index_cast %scan3A_29 : i32 to index
      %swap3A_36 = arith.constant 16 : index
      %swap3A_37 = tpu.vector_load %arg11[%swap3A_35, %swap3A_36] {strides = array<i32>} : memref<128x32xf32, #tpu.memory_space<vmem>>, vector<1x16xf32>,
      %swap3A_38 = vector.shape_cast %swap3A_37 : vector<1x16xf32> to vector<16xf32>
      %swap3A_39 = vector.shape_cast %broadcast_in_dim3A_0 : vector<16xf32> to vector<1x16xf32>
      tpu.vector_store %arg11[%swap3A_35, %swap3A_36], %swap3A_39 {strides = array<i32>} : memref<128x32xf32, #tpu.memory_space<vmem>>, vector<1x16xf32>,
      %scan3A_40 = arith.constant 0 : i32
      scf.yield %scan3A_40 : i32
    }
    %scan3A_6 = arith.constant 64 : i32
    %scan3A_7 = arith.constant 0 : i32
    %scan3A_8 = arith.constant 0 : i32
    %scan3A_9 = arith.constant 16 : i32
    %scan3A_10 = arith.addi %scan3A_8, %scan3A_9 : i32
    %scan3A_11 = arith.constant 1 : i32
    %scan3A_12 = scf.for %scan3A_29 = %scan3A_8 to %scan3A_10 step %scan3A_11 iter_args(%scan3A_30 = %scan3A_7) -> (i32)  : i32 {
      %mul3A = arith.constant 1024 : i32
      %mul3A_31 = arith.muli %arg1, %mul3A : i32
      %mul3A_32 = arith.constant 64 : i32
      %mul3A_33 = arith.muli %scan3A_29, %mul3A_32 : i32
      %add3A = arith.addi %mul3A_31, %mul3A_33 : i32
      "tpu.region"() ({
        %run_scoped3A = tpu.sem_alloc : memref<!tpu.dma_semaphore, #tpu.memory_space<semaphore_mem>>
        %dma_start3A = arith.constant 0 : i32
        %dma_start3A_35 = arith.constant 0 : i32
        %dma_start3A_36 = tpu.memref_slice %arg11[%dma_start3A, %dma_start3A_35] : memref<128x32xf32, #tpu.memory_space<vmem>> -> memref<64x32xf32, #tpu.memory_space<vmem>>
        %dma_start3A_37 = arith.constant 0 : i32
        %dma_start3A_38 = tpu.memref_slice %arg12[%add3A, %dma_start3A_37] : memref<16384x32xf32, #tpu.memory_space<vmem_shared>> -> memref<64x32xf32, #tpu.memory_space<vmem_shared>>
        %dma_start3A_39 = arith.constant 0 : i32
        %dma_start3A_40 = tpu.memref_slice %arg12[%add3A, %dma_start3A_39] : memref<16384x32xf32, #tpu.memory_space<vmem_shared>> -> memref<64x32xf32, #tpu.memory_space<vmem_shared>>
        %dma_start3A_41 = arith.constant 0 : i32
        %dma_start3A_42 = arith.constant 0 : i32
        %dma_start3A_43 = tpu.memref_slice %arg11[%dma_start3A_41, %dma_start3A_42] : memref<128x32xf32, #tpu.memory_space<vmem>> -> memref<64x32xf32, #tpu.memory_space<vmem>>
        tpu.enqueue_dma source(%dma_start3A_43 : memref<64x32xf32, #tpu.memory_space<vmem>>) target(%dma_start3A_40 : memref<64x32xf32, #tpu.memory_space<vmem_shared>>) target_semaphore(%run_scoped3A : memref<!tpu.dma_semaphore, #tpu.memory_space<semaphore_mem>>)
        %dma_wait3A = arith.constant 0 : i32
        %dma_wait3A_44 = arith.constant 0 : i32
        %dma_wait3A_45 = tpu.memref_slice %arg11[%dma_wait3A, %dma_wait3A_44] : memref<128x32xf32, #tpu.memory_space<vmem>> -> memref<64x32xf32, #tpu.memory_space<vmem>>
        %dma_wait3A_46 = arith.constant 0 : i32
        %dma_wait3A_47 = tpu.memref_slice %arg12[%add3A, %dma_wait3A_46] : memref<16384x32xf32, #tpu.memory_space<vmem_shared>> -> memref<64x32xf32, #tpu.memory_space<vmem_shared>>
        %dma_wait3A_48 = arith.constant 0 : i32
        %dma_wait3A_49 = tpu.memref_slice %arg12[%add3A, %dma_wait3A_48] : memref<16384x32xf32, #tpu.memory_space<vmem_shared>> -> memref<64x32xf32, #tpu.memory_space<vmem_shared>>
        %dma_wait3A_50 = arith.constant 0 : i32
        %dma_wait3A_51 = arith.constant 0 : i32
        %dma_wait3A_52 = tpu.memref_slice %arg11[%dma_wait3A_50, %dma_wait3A_51] : memref<128x32xf32, #tpu.memory_space<vmem>> -> memref<64x32xf32, #tpu.memory_space<vmem>>
        tpu.wait_dma2 semaphore(%run_scoped3A : memref<!tpu.dma_semaphore, #tpu.memory_space<semaphore_mem>>) src(%dma_wait3A_52 : memref<64x32xf32, #tpu.memory_space<vmem>>) dst(%dma_wait3A_49 : memref<64x32xf32, #tpu.memory_space<vmem_shared>>)
        tpu.yield
      }) : () -> ()
      %scan3A_34 = arith.constant 0 : i32
      scf.yield %scan3A_34 : i32
    }
    %scan3A_13 = arith.constant 16 : i32
    %barrier3A = arith.constant 0 : index
    tpu.barrier barrier_id(%barrier3A)
    %scan3A_14 = arith.constant 0 : i32
    %scan3A_15 = arith.constant 0 : i32
    %scan3A_16 = arith.constant 20 : i32
    %scan3A_17 = arith.addi %scan3A_15, %scan3A_16 : i32
    %scan3A_18 = arith.constant 1 : i32
    %scan3A_19 = scf.for %scan3A_29 = %scan3A_15 to %scan3A_17 step %scan3A_18 iter_args(%scan3A_30 = %scan3A_14) -> (i32)  : i32 {
      %mul3A = arith.constant 20 : i32
      %mul3A_31 = arith.muli %scan3A_29, %mul3A : i32
      "tpu.region"() ({
        %run_scoped3A = tpu.sem_alloc : memref<!tpu.dma_semaphore, #tpu.memory_space<semaphore_mem>>
        %dma_start3A_62 = arith.constant 0 : i32
        %dma_start3A_63 = tpu.memref_slice %arg2[%arg1, %mul3A_31, %dma_start3A_62] : memref<16x400x128xi32, #tpu.memory_space<hbm>> -> memref<1x20x128xi32, #tpu.memory_space<hbm>>
        %dma_start3A_64 = tpu.memref_squeeze %dma_start3A_63 : memref<1x20x128xi32, #tpu.memory_space<hbm>> -> memref<20x128xi32, #tpu.memory_space<hbm>>
        %dma_start3A_65 = arith.constant 0 : i32
        %dma_start3A_66 = tpu.memref_slice %arg2[%arg1, %mul3A_31, %dma_start3A_65] : memref<16x400x128xi32, #tpu.memory_space<hbm>> -> memref<1x20x128xi32, #tpu.memory_space<hbm>>
        %dma_start3A_67 = tpu.memref_squeeze %dma_start3A_66 : memref<1x20x128xi32, #tpu.memory_space<hbm>> -> memref<20x128xi32, #tpu.memory_space<hbm>>
        tpu.enqueue_dma source(%dma_start3A_67 : memref<20x128xi32, #tpu.memory_space<hbm>>) target(%arg7 : memref<20x128xi32, #tpu.memory_space<vmem>>) target_semaphore(%run_scoped3A : memref<!tpu.dma_semaphore, #tpu.memory_space<semaphore_mem>>)
        %dma_wait3A = arith.constant 0 : i32
        %dma_wait3A_68 = tpu.memref_slice %arg2[%arg1, %mul3A_31, %dma_wait3A] : memref<16x400x128xi32, #tpu.memory_space<hbm>> -> memref<1x20x128xi32, #tpu.memory_space<hbm>>
        %dma_wait3A_69 = tpu.memref_squeeze %dma_wait3A_68 : memref<1x20x128xi32, #tpu.memory_space<hbm>> -> memref<20x128xi32, #tpu.memory_space<hbm>>
        %dma_wait3A_70 = arith.constant 0 : i32
        %dma_wait3A_71 = tpu.memref_slice %arg2[%arg1, %mul3A_31, %dma_wait3A_70] : memref<16x400x128xi32, #tpu.memory_space<hbm>> -> memref<1x20x128xi32, #tpu.memory_space<hbm>>
        %dma_wait3A_72 = tpu.memref_squeeze %dma_wait3A_71 : memref<1x20x128xi32, #tpu.memory_space<hbm>> -> memref<20x128xi32, #tpu.memory_space<hbm>>
        tpu.wait_dma2 semaphore(%run_scoped3A : memref<!tpu.dma_semaphore, #tpu.memory_space<semaphore_mem>>) src(%dma_wait3A_72 : memref<20x128xi32, #tpu.memory_space<hbm>>) dst(%arg7 : memref<20x128xi32, #tpu.memory_space<vmem>>)
        tpu.yield
      }) : () -> ()
      %mul3A_32 = arith.constant 20 : i32
      %mul3A_33 = arith.muli %scan3A_29, %mul3A_32 : i32
      "tpu.region"() ({
        %run_scoped3A = tpu.sem_alloc : memref<!tpu.dma_semaphore, #tpu.memory_space<semaphore_mem>>
        %dma_start3A_62 = arith.constant 0 : i32
        %dma_start3A_63 = tpu.memref_slice %arg3[%arg1, %mul3A_33, %dma_start3A_62] : memref<16x400x128xf32, #tpu.memory_space<hbm>> -> memref<1x20x128xf32, #tpu.memory_space<hbm>>
        %dma_start3A_64 = tpu.memref_squeeze %dma_start3A_63 : memref<1x20x128xf32, #tpu.memory_space<hbm>> -> memref<20x128xf32, #tpu.memory_space<hbm>>
        %dma_start3A_65 = arith.constant 0 : i32
        %dma_start3A_66 = tpu.memref_slice %arg3[%arg1, %mul3A_33, %dma_start3A_65] : memref<16x400x128xf32, #tpu.memory_space<hbm>> -> memref<1x20x128xf32, #tpu.memory_space<hbm>>
        %dma_start3A_67 = tpu.memref_squeeze %dma_start3A_66 : memref<1x20x128xf32, #tpu.memory_space<hbm>> -> memref<20x128xf32, #tpu.memory_space<hbm>>
        tpu.enqueue_dma source(%dma_start3A_67 : memref<20x128xf32, #tpu.memory_space<hbm>>) target(%arg8 : memref<20x128xf32, #tpu.memory_space<vmem>>) target_semaphore(%run_scoped3A : memref<!tpu.dma_semaphore, #tpu.memory_space<semaphore_mem>>)
        %dma_wait3A = arith.constant 0 : i32
        %dma_wait3A_68 = tpu.memref_slice %arg3[%arg1, %mul3A_33, %dma_wait3A] : memref<16x400x128xf32, #tpu.memory_space<hbm>> -> memref<1x20x128xf32, #tpu.memory_space<hbm>>
        %dma_wait3A_69 = tpu.memref_squeeze %dma_wait3A_68 : memref<1x20x128xf32, #tpu.memory_space<hbm>> -> memref<20x128xf32, #tpu.memory_space<hbm>>
        %dma_wait3A_70 = arith.constant 0 : i32
        %dma_wait3A_71 = tpu.memref_slice %arg3[%arg1, %mul3A_33, %dma_wait3A_70] : memref<16x400x128xf32, #tpu.memory_space<hbm>> -> memref<1x20x128xf32, #tpu.memory_space<hbm>>
        %dma_wait3A_72 = tpu.memref_squeeze %dma_wait3A_71 : memref<1x20x128xf32, #tpu.memory_space<hbm>> -> memref<20x128xf32, #tpu.memory_space<hbm>>
        tpu.wait_dma2 semaphore(%run_scoped3A : memref<!tpu.dma_semaphore, #tpu.memory_space<semaphore_mem>>) src(%dma_wait3A_72 : memref<20x128xf32, #tpu.memory_space<hbm>>) dst(%arg8 : memref<20x128xf32, #tpu.memory_space<vmem>>)
        tpu.yield
      }) : () -> ()
      %mul3A_34 = arith.constant 20 : i32
      %mul3A_35 = arith.muli %scan3A_29, %mul3A_34 : i32
      "tpu.region"() ({
        %run_scoped3A = tpu.sem_alloc : memref<!tpu.dma_semaphore, #tpu.memory_space<semaphore_mem>>
        %dma_start3A_62 = arith.constant 0 : i32
        %dma_start3A_63 = tpu.memref_slice %arg4[%arg1, %mul3A_35, %dma_start3A_62] : memref<16x400x128xi32, #tpu.memory_space<hbm>> -> memref<1x20x128xi32, #tpu.memory_space<hbm>>
        %dma_start3A_64 = tpu.memref_squeeze %dma_start3A_63 : memref<1x20x128xi32, #tpu.memory_space<hbm>> -> memref<20x128xi32, #tpu.memory_space<hbm>>
        %dma_start3A_65 = arith.constant 0 : i32
        %dma_start3A_66 = tpu.memref_slice %arg4[%arg1, %mul3A_35, %dma_start3A_65] : memref<16x400x128xi32, #tpu.memory_space<hbm>> -> memref<1x20x128xi32, #tpu.memory_space<hbm>>
        %dma_start3A_67 = tpu.memref_squeeze %dma_start3A_66 : memref<1x20x128xi32, #tpu.memory_space<hbm>> -> memref<20x128xi32, #tpu.memory_space<hbm>>
        tpu.enqueue_dma source(%dma_start3A_67 : memref<20x128xi32, #tpu.memory_space<hbm>>) target(%arg9 : memref<20x128xi32, #tpu.memory_space<vmem>>) target_semaphore(%run_scoped3A : memref<!tpu.dma_semaphore, #tpu.memory_space<semaphore_mem>>)
        %dma_wait3A = arith.constant 0 : i32
        %dma_wait3A_68 = tpu.memref_slice %arg4[%arg1, %mul3A_35, %dma_wait3A] : memref<16x400x128xi32, #tpu.memory_space<hbm>> -> memref<1x20x128xi32, #tpu.memory_space<hbm>>
        %dma_wait3A_69 = tpu.memref_squeeze %dma_wait3A_68 : memref<1x20x128xi32, #tpu.memory_space<hbm>> -> memref<20x128xi32, #tpu.memory_space<hbm>>
        %dma_wait3A_70 = arith.constant 0 : i32
        %dma_wait3A_71 = tpu.memref_slice %arg4[%arg1, %mul3A_35, %dma_wait3A_70] : memref<16x400x128xi32, #tpu.memory_space<hbm>> -> memref<1x20x128xi32, #tpu.memory_space<hbm>>
        %dma_wait3A_72 = tpu.memref_squeeze %dma_wait3A_71 : memref<1x20x128xi32, #tpu.memory_space<hbm>> -> memref<20x128xi32, #tpu.memory_space<hbm>>
        tpu.wait_dma2 semaphore(%run_scoped3A : memref<!tpu.dma_semaphore, #tpu.memory_space<semaphore_mem>>) src(%dma_wait3A_72 : memref<20x128xi32, #tpu.memory_space<hbm>>) dst(%arg9 : memref<20x128xi32, #tpu.memory_space<vmem>>)
        tpu.yield
      }) : () -> ()
      %scan3A_36 = arith.constant 0 : i32
      %scan3A_37 = arith.constant 0 : i32
      %scan3A_38 = arith.constant 160 : i32
      %scan3A_39 = arith.addi %scan3A_37, %scan3A_38 : i32
      %scan3A_40 = arith.constant 1 : i32
      %scan3A_41 = scf.for %scan3A_62 = %scan3A_37 to %scan3A_39 step %scan3A_40 iter_args(%scan3A_63 = %scan3A_36) -> (i32)  : i32 {
        %jit3A = arith.constant 8 : i32
        %div3A = arith.divsi %scan3A_62, %jit3A : i32
        %sign3A = arith.constant 0 : i32
        %sign3A_64 = arith.cmpi sgt, %scan3A_62, %sign3A : i32
        %sign3A_65 = arith.extui %sign3A_64 : i1 to i32
        %sign3A_66 = arith.constant 0 : i32
        %sign3A_67 = arith.cmpi slt, %scan3A_62, %sign3A_66 : i32
        %sign3A_68 = arith.extui %sign3A_67 : i1 to i32
        %sign3A_69 = arith.subi %sign3A_65, %sign3A_68 : i32
        %sign3A_70 = arith.constant 0 : i32
        %sign3A_71 = arith.cmpi sgt, %jit3A, %sign3A_70 : i32
        %sign3A_72 = arith.extui %sign3A_71 : i1 to i32
        %sign3A_73 = arith.constant 0 : i32
        %sign3A_74 = arith.cmpi slt, %jit3A, %sign3A_73 : i32
        %sign3A_75 = arith.extui %sign3A_74 : i1 to i32
        %sign3A_76 = arith.subi %sign3A_72, %sign3A_75 : i32
        %ne3A = arith.cmpi ne, %sign3A_69, %sign3A_76 : i32
        %rem3A = arith.remsi %scan3A_62, %jit3A : i32
        %ne3A_77 = arith.constant 0 : i32
        %ne3A_78 = arith.cmpi ne, %rem3A, %ne3A_77 : i32
        %and3A = arith.andi %ne3A, %ne3A_78 : i1
        %sub3A = arith.constant 1 : i32
        %sub3A_79 = arith.subi %div3A, %sub3A : i32
        %select_n3A = arith.select %and3A, %sub3A_79, %div3A : i32
        %jit3A_80 = arith.constant 8 : i32
        %eq3A = arith.constant 0 : i32
        %eq3A_81 = arith.cmpi eq, %jit3A_80, %eq3A : i32
        %jit3A_82 = arith.constant 1 : i32
        %select_n3A_83 = arith.select %eq3A_81, %jit3A_82, %jit3A_80 : i32
        %rem3A_84 = arith.remsi %scan3A_62, %select_n3A_83 : i32
        %ne3A_85 = arith.constant 0 : i32
        %ne3A_86 = arith.cmpi ne, %rem3A_84, %ne3A_85 : i32
        %lt3A = arith.constant 0 : i32
        %lt3A_87 = arith.cmpi slt, %rem3A_84, %lt3A : i32
        %lt3A_88 = arith.constant 0 : i32
        %lt3A_89 = arith.cmpi slt, %select_n3A_83, %lt3A_88 : i32
        %ne3A_90 = arith.xori %lt3A_87, %lt3A_89 : i1
        %and3A_91 = arith.andi %ne3A_90, %ne3A_86 : i1
        %add3A = arith.addi %rem3A_84, %select_n3A_83 : i32
        %select_n3A_92 = arith.select %and3A_91, %add3A, %rem3A_84 : i32
        %mul3A_93 = arith.constant 16 : i32
        %mul3A_94 = arith.muli %select_n3A_92, %mul3A_93 : i32
        %multiple_of3A = tpu.assume_multiple %mul3A_94, 16 : i32
        %get3A = arith.index_cast %select_n3A : i32 to index
        %get3A_95 = arith.index_cast %multiple_of3A : i32 to index
        %get3A_96 = tpu.vector_load %arg7[%get3A, %get3A_95] {strides = array<i32>} : memref<20x128xi32, #tpu.memory_space<vmem>>, vector<1x16xi32>,
        %get3A_97 = vector.shape_cast %get3A_96 : vector<1x16xi32> to vector<16xi32>
        %get3A_98 = arith.index_cast %select_n3A : i32 to index
        %get3A_99 = arith.index_cast %multiple_of3A : i32 to index
        %get3A_100 = tpu.vector_load %arg8[%get3A_98, %get3A_99] {strides = array<i32>} : memref<20x128xf32, #tpu.memory_space<vmem>>, vector<1x16xf32>,
        %get3A_101 = vector.shape_cast %get3A_100 : vector<1x16xf32> to vector<16xf32>
        %ne3A_102 = arith.constant 0 : i32
        %ne3A_103 = vector.broadcast %ne3A_102 : i32 to vector<16xi32>
        %ne3A_104 = arith.cmpi ne, %get3A_97, %ne3A_103 : vector<16xi32>
        %jit3A_105 = arith.constant 0.000000e+00 : f32
        %broadcast_in_dim3A_106 = vector.broadcast %jit3A_105 : f32 to vector<16xf32>
        %select_n3A_107 = arith.select %ne3A_104, %get3A_101, %broadcast_in_dim3A_106 : vector<16xi1>, vector<16xf32>
        %swap3A = arith.index_cast %select_n3A : i32 to index
        %swap3A_108 = arith.index_cast %multiple_of3A : i32 to index
        %swap3A_109 = tpu.vector_load %arg8[%swap3A, %swap3A_108] {strides = array<i32>} : memref<20x128xf32, #tpu.memory_space<vmem>>, vector<1x16xf32>,
        %swap3A_110 = vector.shape_cast %swap3A_109 : vector<1x16xf32> to vector<16xf32>
        %swap3A_111 = vector.shape_cast %select_n3A_107 : vector<16xf32> to vector<1x16xf32>
        tpu.vector_store %arg8[%swap3A, %swap3A_108], %swap3A_111 {strides = array<i32>} : memref<20x128xf32, #tpu.memory_space<vmem>>, vector<1x16xf32>,
        %mul3A_112 = arith.constant 2 : i32
        %mul3A_113 = vector.broadcast %mul3A_112 : i32 to vector<16xi32>
        %mul3A_114 = arith.muli %get3A_97, %mul3A_113 : vector<16xi32>
        %add3A_115 = vector.broadcast %arg0 : i32 to vector<16xi32>
        %add3A_116 = arith.addi %mul3A_114, %add3A_115 : vector<16xi32>
        %swap3A_117 = arith.index_cast %select_n3A : i32 to index
        %swap3A_118 = arith.index_cast %multiple_of3A : i32 to index
        %swap3A_119 = tpu.vector_load %arg7[%swap3A_117, %swap3A_118] {strides = array<i32>} : memref<20x128xi32, #tpu.memory_space<vmem>>, vector<1x16xi32>,
        %swap3A_120 = vector.shape_cast %swap3A_119 : vector<1x16xi32> to vector<16xi32>
        %swap3A_121 = vector.shape_cast %add3A_116 : vector<16xi32> to vector<1x16xi32>
        tpu.vector_store %arg7[%swap3A_117, %swap3A_118], %swap3A_121 {strides = array<i32>} : memref<20x128xi32, #tpu.memory_space<vmem>>, vector<1x16xi32>,
        %scan3A_122 = arith.constant 0 : i32
        scf.yield %scan3A_122 : i32
      }
      %scan3A_42 = arith.constant 160 : i32
      %dma_start3A = arith.constant 0 : i32
      %dma_start3A_43 = arith.constant 0 : i32
      %dma_start3A_44 = arith.constant 0 : i32
      %dma_start3A_45 = arith.constant 0 : i32
      %dma_start3A_46 = tpu.memref_slice %arg10[%dma_start3A_43, %dma_start3A_44, %dma_start3A_45] : memref<2x128x32xf32, #tpu.memory_space<vmem>> -> memref<1x128x32xf32, #tpu.memory_space<vmem>>
      %dma_start3A_47 = tpu.memref_squeeze %dma_start3A_46 : memref<1x128x32xf32, #tpu.memory_space<vmem>> -> memref<128x32xf32, #tpu.memory_space<vmem>>
      %dma_start3A_48 = arith.constant 0 : i32
      %dma_start3A_49 = tpu.memref_slice %arg7[%dma_start3A, %dma_start3A_48] : memref<20x128xi32, #tpu.memory_space<vmem>> -> memref<1x128xi32, #tpu.memory_space<vmem>>
      %dma_start3A_50 = tpu.memref_squeeze %dma_start3A_49 : memref<1x128xi32, #tpu.memory_space<vmem>> -> memref<128xi32, #tpu.memory_space<vmem>>
      %dma_start3A_51 = arith.constant 0 : i32
      %dma_start3A_52 = arith.constant 0 : i32
      %dma_start3A_53 = tpu.memref_slice %arg5[%dma_start3A_51, %dma_start3A_52] : memref<2000000x32xf32, #tpu.memory_space<hbm>> -> memref<2000000x32xf32, #tpu.memory_space<hbm>>
      tpu.enqueue_indirect_dma source(%dma_start3A_53 : memref<2000000x32xf32, #tpu.memory_space<hbm>>) target(%dma_start3A_47 : memref<128x32xf32, #tpu.memory_space<vmem>>) offsets(%dma_start3A_50 : memref<128xi32, #tpu.memory_space<vmem>>) semaphore(%arg13 : memref<!tpu.dma_semaphore, #tpu.memory_space<semaphore_mem>>)
      %scan3A_54 = arith.constant 0 : i32
      %scan3A_55 = arith.constant 0 : i32
      %scan3A_56 = arith.constant 10 : i32
      %scan3A_57 = arith.addi %scan3A_55, %scan3A_56 : i32
      %scan3A_58 = arith.constant 1 : i32
      %scan3A_59 = scf.for %scan3A_62 = %scan3A_55 to %scan3A_57 step %scan3A_58 iter_args(%scan3A_63 = %scan3A_54) -> (i32)  : i32 {
        %mul3A_64 = arith.constant 2 : i32
        %mul3A_65 = arith.muli %scan3A_62, %mul3A_64 : i32
        %add3A = arith.constant 0 : i32
        %add3A_66 = arith.addi %mul3A_65, %add3A : i32
        %dma_wait3A = arith.constant 0 : i32
        %dma_wait3A_67 = arith.constant 0 : i32
        %dma_wait3A_68 = arith.constant 0 : i32
        %dma_wait3A_69 = tpu.memref_slice %arg10[%dma_wait3A, %dma_wait3A_67, %dma_wait3A_68] : memref<2x128x32xf32, #tpu.memory_space<vmem>> -> memref<1x128x32xf32, #tpu.memory_space<vmem>>
        %dma_wait3A_70 = tpu.memref_squeeze %dma_wait3A_69 : memref<1x128x32xf32, #tpu.memory_space<vmem>> -> memref<128x32xf32, #tpu.memory_space<vmem>>
        %dma_wait3A_71 = arith.constant 0 : i32
        %dma_wait3A_72 = tpu.memref_slice %arg7[%add3A_66, %dma_wait3A_71] : memref<20x128xi32, #tpu.memory_space<vmem>> -> memref<1x128xi32, #tpu.memory_space<vmem>>
        %dma_wait3A_73 = tpu.memref_squeeze %dma_wait3A_72 : memref<1x128xi32, #tpu.memory_space<vmem>> -> memref<128xi32, #tpu.memory_space<vmem>>
        %dma_wait3A_74 = arith.constant 0 : i32
        %dma_wait3A_75 = arith.constant 0 : i32
        %dma_wait3A_76 = tpu.memref_slice %arg5[%dma_wait3A_74, %dma_wait3A_75] : memref<2000000x32xf32, #tpu.memory_space<hbm>> -> memref<2000000x32xf32, #tpu.memory_space<hbm>>
        tpu.wait_indirect_dma semaphore(%arg13 : memref<!tpu.dma_semaphore, #tpu.memory_space<semaphore_mem>>) src(%dma_wait3A_76 : memref<2000000x32xf32, #tpu.memory_space<hbm>>) dst(%dma_wait3A_70 : memref<128x32xf32, #tpu.memory_space<vmem>>)
        %add3A_77 = arith.constant 1 : i32
        %add3A_78 = arith.addi %add3A_66, %add3A_77 : i32
        %lt3A = arith.constant 20 : i32
        %lt3A_79 = arith.cmpi slt, %add3A_78, %lt3A : i32
        %convert_element_type3A = arith.extui %lt3A_79 : i1 to i32
        %cond3A = arith.constant 0 : i32
        %cond3A_80 = arith.cmpi ne, %convert_element_type3A, %cond3A : i32
        scf.if %cond3A_80 {
          %add3A_119 = arith.constant 1 : i32
          %add3A_120 = arith.addi %add3A_66, %add3A_119 : i32
          %dma_start3A_121 = arith.constant 1 : i32
          %dma_start3A_122 = arith.constant 0 : i32
          %dma_start3A_123 = arith.constant 0 : i32
          %dma_start3A_124 = tpu.memref_slice %arg10[%dma_start3A_121, %dma_start3A_122, %dma_start3A_123] : memref<2x128x32xf32, #tpu.memory_space<vmem>> -> memref<1x128x32xf32, #tpu.memory_space<vmem>>
          %dma_start3A_125 = tpu.memref_squeeze %dma_start3A_124 : memref<1x128x32xf32, #tpu.memory_space<vmem>> -> memref<128x32xf32, #tpu.memory_space<vmem>>
          %dma_start3A_126 = arith.constant 0 : i32
          %dma_start3A_127 = tpu.memref_slice %arg7[%add3A_120, %dma_start3A_126] : memref<20x128xi32, #tpu.memory_space<vmem>> -> memref<1x128xi32, #tpu.memory_space<vmem>>
          %dma_start3A_128 = tpu.memref_squeeze %dma_start3A_127 : memref<1x128xi32, #tpu.memory_space<vmem>> -> memref<128xi32, #tpu.memory_space<vmem>>
          %dma_start3A_129 = arith.constant 0 : i32
          %dma_start3A_130 = arith.constant 0 : i32
          %dma_start3A_131 = tpu.memref_slice %arg5[%dma_start3A_129, %dma_start3A_130] : memref<2000000x32xf32, #tpu.memory_space<hbm>> -> memref<2000000x32xf32, #tpu.memory_space<hbm>>
          tpu.enqueue_indirect_dma source(%dma_start3A_131 : memref<2000000x32xf32, #tpu.memory_space<hbm>>) target(%dma_start3A_125 : memref<128x32xf32, #tpu.memory_space<vmem>>) offsets(%dma_start3A_128 : memref<128xi32, #tpu.memory_space<vmem>>) semaphore(%arg13 : memref<!tpu.dma_semaphore, #tpu.memory_space<semaphore_mem>>)
        } else {
        }
        %scan3A_81 = arith.constant 0 : i32
        %scan3A_82 = arith.constant 0 : i32
        %scan3A_83 = arith.constant 8 : i32
        %scan3A_84 = arith.addi %scan3A_82, %scan3A_83 : i32
        %scan3A_85 = arith.constant 1 : i32
        %scan3A_86 = scf.for %scan3A_119 = %scan3A_82 to %scan3A_84 step %scan3A_85 iter_args(%scan3A_120 = %scan3A_81) -> (i32)  : i32 {
          %mul3A_121 = arith.constant 16 : i32
          %mul3A_122 = arith.muli %scan3A_119, %mul3A_121 : i32
          %multiple_of3A = tpu.assume_multiple %mul3A_122, 16 : i32
          %get3A = arith.index_cast %add3A_66 : i32 to index
          %get3A_123 = arith.index_cast %multiple_of3A : i32 to index
          %get3A_124 = tpu.vector_load %arg8[%get3A, %get3A_123] {strides = array<i32>} : memref<20x128xf32, #tpu.memory_space<vmem>>, vector<1x16xf32>,
          %get3A_125 = vector.shape_cast %get3A_124 : vector<1x16xf32> to vector<16xf32>
          %broadcast_in_dim3A_126 = arith.constant 0 : i32
          %broadcast_in_dim3A_127 = vector.broadcast %broadcast_in_dim3A_126 : i32 to vector<16x1xi32>
          %gather3A = vector.shape_cast %broadcast_in_dim3A_127 : vector<16x1xi32> to vector<16xi32>
          %gather3A_128 = tpu.dynamic_gather %get3A_125[%gather3A] in [0] : vector<16xf32>, vector<16xi32> -> vector<16xf32>
          %mul3A_129 = arith.constant 16 : i32
          %mul3A_130 = arith.muli %scan3A_119, %mul3A_129 : i32
          %add3A_131 = arith.constant 0 : i32
          %add3A_132 = arith.addi %mul3A_130, %add3A_131 : i32
          %get3A_133 = arith.constant 0 : i32
          %get3A_134 = arith.index_cast %get3A_133 : i32 to index
          %get3A_135 = arith.index_cast %add3A_132 : i32 to index
          %get3A_136 = arith.constant 0 : index
          %get3A_137 = tpu.vector_load %arg10[%get3A_134, %get3A_135, %get3A_136] {strides = array<i32>} : memref<2x128x32xf32, #tpu.memory_space<vmem>>, vector<1x1x16xf32>,
          %get3A_138 = vector.shape_cast %get3A_137 : vector<1x1x16xf32> to vector<16xf32>
          %mul3A_139 = arith.mulf %get3A_138, %gather3A_128 : vector<16xf32>
          %swap3A = arith.constant 0 : i32
          %swap3A_140 = arith.index_cast %swap3A : i32 to index
          %swap3A_141 = arith.index_cast %add3A_132 : i32 to index
          %swap3A_142 = arith.constant 0 : index
          %swap3A_143 = tpu.vector_load %arg10[%swap3A_140, %swap3A_141, %swap3A_142] {strides = array<i32>} : memref<2x128x32xf32, #tpu.memory_space<vmem>>, vector<1x1x16xf32>,
          %swap3A_144 = vector.shape_cast %swap3A_143 : vector<1x1x16xf32> to vector<16xf32>
          %swap3A_145 = vector.shape_cast %mul3A_139 : vector<16xf32> to vector<1x1x16xf32>
          tpu.vector_store %arg10[%swap3A_140, %swap3A_141, %swap3A_142], %swap3A_145 {strides = array<i32>} : memref<2x128x32xf32, #tpu.memory_space<vmem>>, vector<1x1x16xf32>,
          %get3A_146 = arith.constant 0 : i32
          %get3A_147 = arith.index_cast %get3A_146 : i32 to index
          %get3A_148 = arith.index_cast %add3A_132 : i32 to index
          %get3A_149 = arith.constant 16 : index
          %get3A_150 = tpu.vector_load %arg10[%get3A_147, %get3A_148, %get3A_149] {strides = array<i32>} : memref<2x128x32xf32, #tpu.memory_space<vmem>>, vector<1x1x16xf32>,
          %get3A_151 = vector.shape_cast %get3A_150 : vector<1x1x16xf32> to vector<16xf32>
          %mul3A_152 = arith.mulf %get3A_151, %gather3A_128 : vector<16xf32>
          %swap3A_153 = arith.constant 0 : i32
          %swap3A_154 = arith.index_cast %swap3A_153 : i32 to index
          %swap3A_155 = arith.index_cast %add3A_132 : i32 to index
          %swap3A_156 = arith.constant 16 : index
          %swap3A_157 = tpu.vector_load %arg10[%swap3A_154, %swap3A_155, %swap3A_156] {strides = array<i32>} : memref<2x128x32xf32, #tpu.memory_space<vmem>>, vector<1x1x16xf32>,
          %swap3A_158 = vector.shape_cast %swap3A_157 : vector<1x1x16xf32> to vector<16xf32>
          %swap3A_159 = vector.shape_cast %mul3A_152 : vector<16xf32> to vector<1x1x16xf32>
          tpu.vector_store %arg10[%swap3A_154, %swap3A_155, %swap3A_156], %swap3A_159 {strides = array<i32>} : memref<2x128x32xf32, #tpu.memory_space<vmem>>, vector<1x1x16xf32>,
          %broadcast_in_dim3A_160 = arith.constant 1 : i32
          %broadcast_in_dim3A_161 = vector.broadcast %broadcast_in_dim3A_160 : i32 to vector<16x1xi32>
          %gather3A_162 = vector.shape_cast %broadcast_in_dim3A_161 : vector<16x1xi32> to vector<16xi32>
          %gather3A_163 = tpu.dynamic_gather %get3A_125[%gather3A_162] in [0] : vector<16xf32>, vector<16xi32> -> vector<16xf32>
          %mul3A_164 = arith.constant 16 : i32
          %mul3A_165 = arith.muli %scan3A_119, %mul3A_164 : i32
          %add3A_166 = arith.constant 1 : i32
          %add3A_167 = arith.addi %mul3A_165, %add3A_166 : i32
          %get3A_168 = arith.constant 0 : i32
          %get3A_169 = arith.index_cast %get3A_168 : i32 to index
          %get3A_170 = arith.index_cast %add3A_167 : i32 to index
          %get3A_171 = arith.constant 0 : index
          %get3A_172 = tpu.vector_load %arg10[%get3A_169, %get3A_170, %get3A_171] {strides = array<i32>} : memref<2x128x32xf32, #tpu.memory_space<vmem>>, vector<1x1x16xf32>,
          %get3A_173 = vector.shape_cast %get3A_172 : vector<1x1x16xf32> to vector<16xf32>
          %mul3A_174 = arith.mulf %get3A_173, %gather3A_163 : vector<16xf32>
          %swap3A_175 = arith.constant 0 : i32
          %swap3A_176 = arith.index_cast %swap3A_175 : i32 to index
          %swap3A_177 = arith.index_cast %add3A_167 : i32 to index
          %swap3A_178 = arith.constant 0 : index
          %swap3A_179 = tpu.vector_load %arg10[%swap3A_176, %swap3A_177, %swap3A_178] {strides = array<i32>} : memref<2x128x32xf32, #tpu.memory_space<vmem>>, vector<1x1x16xf32>,
          %swap3A_180 = vector.shape_cast %swap3A_179 : vector<1x1x16xf32> to vector<16xf32>
          %swap3A_181 = vector.shape_cast %mul3A_174 : vector<16xf32> to vector<1x1x16xf32>
          tpu.vector_store %arg10[%swap3A_176, %swap3A_177, %swap3A_178], %swap3A_181 {strides = array<i32>} : memref<2x128x32xf32, #tpu.memory_space<vmem>>, vector<1x1x16xf32>,
          %get3A_182 = arith.constant 0 : i32
          %get3A_183 = arith.index_cast %get3A_182 : i32 to index
          %get3A_184 = arith.index_cast %add3A_167 : i32 to index
          %get3A_185 = arith.constant 16 : index
          %get3A_186 = tpu.vector_load %arg10[%get3A_183, %get3A_184, %get3A_185] {strides = array<i32>} : memref<2x128x32xf32, #tpu.memory_space<vmem>>, vector<1x1x16xf32>,
          %get3A_187 = vector.shape_cast %get3A_186 : vector<1x1x16xf32> to vector<16xf32>
          %mul3A_188 = arith.mulf %get3A_187, %gather3A_163 : vector<16xf32>
          %swap3A_189 = arith.constant 0 : i32
          %swap3A_190 = arith.index_cast %swap3A_189 : i32 to index
          %swap3A_191 = arith.index_cast %add3A_167 : i32 to index
          %swap3A_192 = arith.constant 16 : index
          %swap3A_193 = tpu.vector_load %arg10[%swap3A_190, %swap3A_191, %swap3A_192] {strides = array<i32>} : memref<2x128x32xf32, #tpu.memory_space<vmem>>, vector<1x1x16xf32>,
          %swap3A_194 = vector.shape_cast %swap3A_193 : vector<1x1x16xf32> to vector<16xf32>
          %swap3A_195 = vector.shape_cast %mul3A_188 : vector<16xf32> to vector<1x1x16xf32>
          tpu.vector_store %arg10[%swap3A_190, %swap3A_191, %swap3A_192], %swap3A_195 {strides = array<i32>} : memref<2x128x32xf32, #tpu.memory_space<vmem>>, vector<1x1x16xf32>,
          %broadcast_in_dim3A_196 = arith.constant 2 : i32
          %broadcast_in_dim3A_197 = vector.broadcast %broadcast_in_dim3A_196 : i32 to vector<16x1xi32>
          %gather3A_198 = vector.shape_cast %broadcast_in_dim3A_197 : vector<16x1xi32> to vector<16xi32>
          %gather3A_199 = tpu.dynamic_gather %get3A_125[%gather3A_198] in [0] : vector<16xf32>, vector<16xi32> -> vector<16xf32>
          %mul3A_200 = arith.constant 16 : i32
          %mul3A_201 = arith.muli %scan3A_119, %mul3A_200 : i32
          %add3A_202 = arith.constant 2 : i32
          %add3A_203 = arith.addi %mul3A_201, %add3A_202 : i32
          %get3A_204 = arith.constant 0 : i32
          %get3A_205 = arith.index_cast %get3A_204 : i32 to index
          %get3A_206 = arith.index_cast %add3A_203 : i32 to index
          %get3A_207 = arith.constant 0 : index
          %get3A_208 = tpu.vector_load %arg10[%get3A_205, %get3A_206, %get3A_207] {strides = array<i32>} : memref<2x128x32xf32, #tpu.memory_space<vmem>>, vector<1x1x16xf32>,
          %get3A_209 = vector.shape_cast %get3A_208 : vector<1x1x16xf32> to vector<16xf32>
          %mul3A_210 = arith.mulf %get3A_209, %gather3A_199 : vector<16xf32>
          %swap3A_211 = arith.constant 0 : i32
          %swap3A_212 = arith.index_cast %swap3A_211 : i32 to index
          %swap3A_213 = arith.index_cast %add3A_203 : i32 to index
          %swap3A_214 = arith.constant 0 : index
          %swap3A_215 = tpu.vector_load %arg10[%swap3A_212, %swap3A_213, %swap3A_214] {strides = array<i32>} : memref<2x128x32xf32, #tpu.memory_space<vmem>>, vector<1x1x16xf32>,
          %swap3A_216 = vector.shape_cast %swap3A_215 : vector<1x1x16xf32> to vector<16xf32>
          %swap3A_217 = vector.shape_cast %mul3A_210 : vector<16xf32> to vector<1x1x16xf32>
          tpu.vector_store %arg10[%swap3A_212, %swap3A_213, %swap3A_214], %swap3A_217 {strides = array<i32>} : memref<2x128x32xf32, #tpu.memory_space<vmem>>, vector<1x1x16xf32>,
          %get3A_218 = arith.constant 0 : i32
          %get3A_219 = arith.index_cast %get3A_218 : i32 to index
          %get3A_220 = arith.index_cast %add3A_203 : i32 to index
          %get3A_221 = arith.constant 16 : index
          %get3A_222 = tpu.vector_load %arg10[%get3A_219, %get3A_220, %get3A_221] {strides = array<i32>} : memref<2x128x32xf32, #tpu.memory_space<vmem>>, vector<1x1x16xf32>,
          %get3A_223 = vector.shape_cast %get3A_222 : vector<1x1x16xf32> to vector<16xf32>
          %mul3A_224 = arith.mulf %get3A_223, %gather3A_199 : vector<16xf32>
          %swap3A_225 = arith.constant 0 : i32
          %swap3A_226 = arith.index_cast %swap3A_225 : i32 to index
          %swap3A_227 = arith.index_cast %add3A_203 : i32 to index
          %swap3A_228 = arith.constant 16 : index
          %swap3A_229 = tpu.vector_load %arg10[%swap3A_226, %swap3A_227, %swap3A_228] {strides = array<i32>} : memref<2x128x32xf32, #tpu.memory_space<vmem>>, vector<1x1x16xf32>,
          %swap3A_230 = vector.shape_cast %swap3A_229 : vector<1x1x16xf32> to vector<16xf32>
          %swap3A_231 = vector.shape_cast %mul3A_224 : vector<16xf32> to vector<1x1x16xf32>
          tpu.vector_store %arg10[%swap3A_226, %swap3A_227, %swap3A_228], %swap3A_231 {strides = array<i32>} : memref<2x128x32xf32, #tpu.memory_space<vmem>>, vector<1x1x16xf32>,
          %broadcast_in_dim3A_232 = arith.constant 3 : i32
          %broadcast_in_dim3A_233 = vector.broadcast %broadcast_in_dim3A_232 : i32 to vector<16x1xi32>
          %gather3A_234 = vector.shape_cast %broadcast_in_dim3A_233 : vector<16x1xi32> to vector<16xi32>
          %gather3A_235 = tpu.dynamic_gather %get3A_125[%gather3A_234] in [0] : vector<16xf32>, vector<16xi32> -> vector<16xf32>
          %mul3A_236 = arith.constant 16 : i32
          %mul3A_237 = arith.muli %scan3A_119, %mul3A_236 : i32
          %add3A_238 = arith.constant 3 : i32
          %add3A_239 = arith.addi %mul3A_237, %add3A_238 : i32
          %get3A_240 = arith.constant 0 : i32
          %get3A_241 = arith.index_cast %get3A_240 : i32 to index
          %get3A_242 = arith.index_cast %add3A_239 : i32 to index
          %get3A_243 = arith.constant 0 : index
          %get3A_244 = tpu.vector_load %arg10[%get3A_241, %get3A_242, %get3A_243] {strides = array<i32>} : memref<2x128x32xf32, #tpu.memory_space<vmem>>, vector<1x1x16xf32>,
          %get3A_245 = vector.shape_cast %get3A_244 : vector<1x1x16xf32> to vector<16xf32>
          %mul3A_246 = arith.mulf %get3A_245, %gather3A_235 : vector<16xf32>
          %swap3A_247 = arith.constant 0 : i32
          %swap3A_248 = arith.index_cast %swap3A_247 : i32 to index
          %swap3A_249 = arith.index_cast %add3A_239 : i32 to index
          %swap3A_250 = arith.constant 0 : index
          %swap3A_251 = tpu.vector_load %arg10[%swap3A_248, %swap3A_249, %swap3A_250] {strides = array<i32>} : memref<2x128x32xf32, #tpu.memory_space<vmem>>, vector<1x1x16xf32>,
          %swap3A_252 = vector.shape_cast %swap3A_251 : vector<1x1x16xf32> to vector<16xf32>
          %swap3A_253 = vector.shape_cast %mul3A_246 : vector<16xf32> to vector<1x1x16xf32>
          tpu.vector_store %arg10[%swap3A_248, %swap3A_249, %swap3A_250], %swap3A_253 {strides = array<i32>} : memref<2x128x32xf32, #tpu.memory_space<vmem>>, vector<1x1x16xf32>,
          %get3A_254 = arith.constant 0 : i32
          %get3A_255 = arith.index_cast %get3A_254 : i32 to index
          %get3A_256 = arith.index_cast %add3A_239 : i32 to index
          %get3A_257 = arith.constant 16 : index
          %get3A_258 = tpu.vector_load %arg10[%get3A_255, %get3A_256, %get3A_257] {strides = array<i32>} : memref<2x128x32xf32, #tpu.memory_space<vmem>>, vector<1x1x16xf32>,
          %get3A_259 = vector.shape_cast %get3A_258 : vector<1x1x16xf32> to vector<16xf32>
          %mul3A_260 = arith.mulf %get3A_259, %gather3A_235 : vector<16xf32>
          %swap3A_261 = arith.constant 0 : i32
          %swap3A_262 = arith.index_cast %swap3A_261 : i32 to index
          %swap3A_263 = arith.index_cast %add3A_239 : i32 to index
          %swap3A_264 = arith.constant 16 : index
          %swap3A_265 = tpu.vector_load %arg10[%swap3A_262, %swap3A_263, %swap3A_264] {strides = array<i32>} : memref<2x128x32xf32, #tpu.memory_space<vmem>>, vector<1x1x16xf32>,
          %swap3A_266 = vector.shape_cast %swap3A_265 : vector<1x1x16xf32> to vector<16xf32>
          %swap3A_267 = vector.shape_cast %mul3A_260 : vector<16xf32> to vector<1x1x16xf32>
          tpu.vector_store %arg10[%swap3A_262, %swap3A_263, %swap3A_264], %swap3A_267 {strides = array<i32>} : memref<2x128x32xf32, #tpu.memory_space<vmem>>, vector<1x1x16xf32>,
          %broadcast_in_dim3A_268 = arith.constant 4 : i32
          %broadcast_in_dim3A_269 = vector.broadcast %broadcast_in_dim3A_268 : i32 to vector<16x1xi32>
          %gather3A_270 = vector.shape_cast %broadcast_in_dim3A_269 : vector<16x1xi32> to vector<16xi32>
          %gather3A_271 = tpu.dynamic_gather %get3A_125[%gather3A_270] in [0] : vector<16xf32>, vector<16xi32> -> vector<16xf32>
          %mul3A_272 = arith.constant 16 : i32
          %mul3A_273 = arith.muli %scan3A_119, %mul3A_272 : i32
          %add3A_274 = arith.constant 4 : i32
          %add3A_275 = arith.addi %mul3A_273, %add3A_274 : i32
          %get3A_276 = arith.constant 0 : i32
          %get3A_277 = arith.index_cast %get3A_276 : i32 to index
          %get3A_278 = arith.index_cast %add3A_275 : i32 to index
          %get3A_279 = arith.constant 0 : index
          %get3A_280 = tpu.vector_load %arg10[%get3A_277, %get3A_278, %get3A_279] {strides = array<i32>} : memref<2x128x32xf32, #tpu.memory_space<vmem>>, vector<1x1x16xf32>,
          %get3A_281 = vector.shape_cast %get3A_280 : vector<1x1x16xf32> to vector<16xf32>
          %mul3A_282 = arith.mulf %get3A_281, %gather3A_271 : vector<16xf32>
          %swap3A_283 = arith.constant 0 : i32
          %swap3A_284 = arith.index_cast %swap3A_283 : i32 to index
          %swap3A_285 = arith.index_cast %add3A_275 : i32 to index
          %swap3A_286 = arith.constant 0 : index
          %swap3A_287 = tpu.vector_load %arg10[%swap3A_284, %swap3A_285, %swap3A_286] {strides = array<i32>} : memref<2x128x32xf32, #tpu.memory_space<vmem>>, vector<1x1x16xf32>,
          %swap3A_288 = vector.shape_cast %swap3A_287 : vector<1x1x16xf32> to vector<16xf32>
          %swap3A_289 = vector.shape_cast %mul3A_282 : vector<16xf32> to vector<1x1x16xf32>
          tpu.vector_store %arg10[%swap3A_284, %swap3A_285, %swap3A_286], %swap3A_289 {strides = array<i32>} : memref<2x128x32xf32, #tpu.memory_space<vmem>>, vector<1x1x16xf32>,
          %get3A_290 = arith.constant 0 : i32
          %get3A_291 = arith.index_cast %get3A_290 : i32 to index
          %get3A_292 = arith.index_cast %add3A_275 : i32 to index
          %get3A_293 = arith.constant 16 : index
          %get3A_294 = tpu.vector_load %arg10[%get3A_291, %get3A_292, %get3A_293] {strides = array<i32>} : memref<2x128x32xf32, #tpu.memory_space<vmem>>, vector<1x1x16xf32>,
          %get3A_295 = vector.shape_cast %get3A_294 : vector<1x1x16xf32> to vector<16xf32>
          %mul3A_296 = arith.mulf %get3A_295, %gather3A_271 : vector<16xf32>
          %swap3A_297 = arith.constant 0 : i32
          %swap3A_298 = arith.index_cast %swap3A_297 : i32 to index
          %swap3A_299 = arith.index_cast %add3A_275 : i32 to index
          %swap3A_300 = arith.constant 16 : index
          %swap3A_301 = tpu.vector_load %arg10[%swap3A_298, %swap3A_299, %swap3A_300] {strides = array<i32>} : memref<2x128x32xf32, #tpu.memory_space<vmem>>, vector<1x1x16xf32>,
          %swap3A_302 = vector.shape_cast %swap3A_301 : vector<1x1x16xf32> to vector<16xf32>
          %swap3A_303 = vector.shape_cast %mul3A_296 : vector<16xf32> to vector<1x1x16xf32>
          tpu.vector_store %arg10[%swap3A_298, %swap3A_299, %swap3A_300], %swap3A_303 {strides = array<i32>} : memref<2x128x32xf32, #tpu.memory_space<vmem>>, vector<1x1x16xf32>,
          %broadcast_in_dim3A_304 = arith.constant 5 : i32
          %broadcast_in_dim3A_305 = vector.broadcast %broadcast_in_dim3A_304 : i32 to vector<16x1xi32>
          %gather3A_306 = vector.shape_cast %broadcast_in_dim3A_305 : vector<16x1xi32> to vector<16xi32>
          %gather3A_307 = tpu.dynamic_gather %get3A_125[%gather3A_306] in [0] : vector<16xf32>, vector<16xi32> -> vector<16xf32>
          %mul3A_308 = arith.constant 16 : i32
          %mul3A_309 = arith.muli %scan3A_119, %mul3A_308 : i32
          %add3A_310 = arith.constant 5 : i32
          %add3A_311 = arith.addi %mul3A_309, %add3A_310 : i32
          %get3A_312 = arith.constant 0 : i32
          %get3A_313 = arith.index_cast %get3A_312 : i32 to index
          %get3A_314 = arith.index_cast %add3A_311 : i32 to index
          %get3A_315 = arith.constant 0 : index
          %get3A_316 = tpu.vector_load %arg10[%get3A_313, %get3A_314, %get3A_315] {strides = array<i32>} : memref<2x128x32xf32, #tpu.memory_space<vmem>>, vector<1x1x16xf32>,
          %get3A_317 = vector.shape_cast %get3A_316 : vector<1x1x16xf32> to vector<16xf32>
          %mul3A_318 = arith.mulf %get3A_317, %gather3A_307 : vector<16xf32>
          %swap3A_319 = arith.constant 0 : i32
          %swap3A_320 = arith.index_cast %swap3A_319 : i32 to index
          %swap3A_321 = arith.index_cast %add3A_311 : i32 to index
          %swap3A_322 = arith.constant 0 : index
          %swap3A_323 = tpu.vector_load %arg10[%swap3A_320, %swap3A_321, %swap3A_322] {strides = array<i32>} : memref<2x128x32xf32, #tpu.memory_space<vmem>>, vector<1x1x16xf32>,
          %swap3A_324 = vector.shape_cast %swap3A_323 : vector<1x1x16xf32> to vector<16xf32>
          %swap3A_325 = vector.shape_cast %mul3A_318 : vector<16xf32> to vector<1x1x16xf32>
          tpu.vector_store %arg10[%swap3A_320, %swap3A_321, %swap3A_322], %swap3A_325 {strides = array<i32>} : memref<2x128x32xf32, #tpu.memory_space<vmem>>, vector<1x1x16xf32>,
          %get3A_326 = arith.constant 0 : i32
          %get3A_327 = arith.index_cast %get3A_326 : i32 to index
          %get3A_328 = arith.index_cast %add3A_311 : i32 to index
          %get3A_329 = arith.constant 16 : index
          %get3A_330 = tpu.vector_load %arg10[%get3A_327, %get3A_328, %get3A_329] {strides = array<i32>} : memref<2x128x32xf32, #tpu.memory_space<vmem>>, vector<1x1x16xf32>,
          %get3A_331 = vector.shape_cast %get3A_330 : vector<1x1x16xf32> to vector<16xf32>
          %mul3A_332 = arith.mulf %get3A_331, %gather3A_307 : vector<16xf32>
          %swap3A_333 = arith.constant 0 : i32
          %swap3A_334 = arith.index_cast %swap3A_333 : i32 to index
          %swap3A_335 = arith.index_cast %add3A_311 : i32 to index
          %swap3A_336 = arith.constant 16 : index
          %swap3A_337 = tpu.vector_load %arg10[%swap3A_334, %swap3A_335, %swap3A_336] {strides = array<i32>} : memref<2x128x32xf32, #tpu.memory_space<vmem>>, vector<1x1x16xf32>,
          %swap3A_338 = vector.shape_cast %swap3A_337 : vector<1x1x16xf32> to vector<16xf32>
          %swap3A_339 = vector.shape_cast %mul3A_332 : vector<16xf32> to vector<1x1x16xf32>
          tpu.vector_store %arg10[%swap3A_334, %swap3A_335, %swap3A_336], %swap3A_339 {strides = array<i32>} : memref<2x128x32xf32, #tpu.memory_space<vmem>>, vector<1x1x16xf32>,
          %broadcast_in_dim3A_340 = arith.constant 6 : i32
          %broadcast_in_dim3A_341 = vector.broadcast %broadcast_in_dim3A_340 : i32 to vector<16x1xi32>
          %gather3A_342 = vector.shape_cast %broadcast_in_dim3A_341 : vector<16x1xi32> to vector<16xi32>
          %gather3A_343 = tpu.dynamic_gather %get3A_125[%gather3A_342] in [0] : vector<16xf32>, vector<16xi32> -> vector<16xf32>
          %mul3A_344 = arith.constant 16 : i32
          %mul3A_345 = arith.muli %scan3A_119, %mul3A_344 : i32
          %add3A_346 = arith.constant 6 : i32
          %add3A_347 = arith.addi %mul3A_345, %add3A_346 : i32
          %get3A_348 = arith.constant 0 : i32
          %get3A_349 = arith.index_cast %get3A_348 : i32 to index
          %get3A_350 = arith.index_cast %add3A_347 : i32 to index
          %get3A_351 = arith.constant 0 : index
          %get3A_352 = tpu.vector_load %arg10[%get3A_349, %get3A_350, %get3A_351] {strides = array<i32>} : memref<2x128x32xf32, #tpu.memory_space<vmem>>, vector<1x1x16xf32>,
          %get3A_353 = vector.shape_cast %get3A_352 : vector<1x1x16xf32> to vector<16xf32>
          %mul3A_354 = arith.mulf %get3A_353, %gather3A_343 : vector<16xf32>
          %swap3A_355 = arith.constant 0 : i32
          %swap3A_356 = arith.index_cast %swap3A_355 : i32 to index
          %swap3A_357 = arith.index_cast %add3A_347 : i32 to index
          %swap3A_358 = arith.constant 0 : index
          %swap3A_359 = tpu.vector_load %arg10[%swap3A_356, %swap3A_357, %swap3A_358] {strides = array<i32>} : memref<2x128x32xf32, #tpu.memory_space<vmem>>, vector<1x1x16xf32>,
          %swap3A_360 = vector.shape_cast %swap3A_359 : vector<1x1x16xf32> to vector<16xf32>
          %swap3A_361 = vector.shape_cast %mul3A_354 : vector<16xf32> to vector<1x1x16xf32>
          tpu.vector_store %arg10[%swap3A_356, %swap3A_357, %swap3A_358], %swap3A_361 {strides = array<i32>} : memref<2x128x32xf32, #tpu.memory_space<vmem>>, vector<1x1x16xf32>,
          %get3A_362 = arith.constant 0 : i32
          %get3A_363 = arith.index_cast %get3A_362 : i32 to index
          %get3A_364 = arith.index_cast %add3A_347 : i32 to index
          %get3A_365 = arith.constant 16 : index
          %get3A_366 = tpu.vector_load %arg10[%get3A_363, %get3A_364, %get3A_365] {strides = array<i32>} : memref<2x128x32xf32, #tpu.memory_space<vmem>>, vector<1x1x16xf32>,
          %get3A_367 = vector.shape_cast %get3A_366 : vector<1x1x16xf32> to vector<16xf32>
          %mul3A_368 = arith.mulf %get3A_367, %gather3A_343 : vector<16xf32>
          %swap3A_369 = arith.constant 0 : i32
          %swap3A_370 = arith.index_cast %swap3A_369 : i32 to index
          %swap3A_371 = arith.index_cast %add3A_347 : i32 to index
          %swap3A_372 = arith.constant 16 : index
          %swap3A_373 = tpu.vector_load %arg10[%swap3A_370, %swap3A_371, %swap3A_372] {strides = array<i32>} : memref<2x128x32xf32, #tpu.memory_space<vmem>>, vector<1x1x16xf32>,
          %swap3A_374 = vector.shape_cast %swap3A_373 : vector<1x1x16xf32> to vector<16xf32>
          %swap3A_375 = vector.shape_cast %mul3A_368 : vector<16xf32> to vector<1x1x16xf32>
          tpu.vector_store %arg10[%swap3A_370, %swap3A_371, %swap3A_372], %swap3A_375 {strides = array<i32>} : memref<2x128x32xf32, #tpu.memory_space<vmem>>, vector<1x1x16xf32>,
          %broadcast_in_dim3A_376 = arith.constant 7 : i32
          %broadcast_in_dim3A_377 = vector.broadcast %broadcast_in_dim3A_376 : i32 to vector<16x1xi32>
          %gather3A_378 = vector.shape_cast %broadcast_in_dim3A_377 : vector<16x1xi32> to vector<16xi32>
          %gather3A_379 = tpu.dynamic_gather %get3A_125[%gather3A_378] in [0] : vector<16xf32>, vector<16xi32> -> vector<16xf32>
          %mul3A_380 = arith.constant 16 : i32
          %mul3A_381 = arith.muli %scan3A_119, %mul3A_380 : i32
          %add3A_382 = arith.constant 7 : i32
          %add3A_383 = arith.addi %mul3A_381, %add3A_382 : i32
          %get3A_384 = arith.constant 0 : i32
          %get3A_385 = arith.index_cast %get3A_384 : i32 to index
          %get3A_386 = arith.index_cast %add3A_383 : i32 to index
          %get3A_387 = arith.constant 0 : index
          %get3A_388 = tpu.vector_load %arg10[%get3A_385, %get3A_386, %get3A_387] {strides = array<i32>} : memref<2x128x32xf32, #tpu.memory_space<vmem>>, vector<1x1x16xf32>,
          %get3A_389 = vector.shape_cast %get3A_388 : vector<1x1x16xf32> to vector<16xf32>
          %mul3A_390 = arith.mulf %get3A_389, %gather3A_379 : vector<16xf32>
          %swap3A_391 = arith.constant 0 : i32
          %swap3A_392 = arith.index_cast %swap3A_391 : i32 to index
          %swap3A_393 = arith.index_cast %add3A_383 : i32 to index
          %swap3A_394 = arith.constant 0 : index
          %swap3A_395 = tpu.vector_load %arg10[%swap3A_392, %swap3A_393, %swap3A_394] {strides = array<i32>} : memref<2x128x32xf32, #tpu.memory_space<vmem>>, vector<1x1x16xf32>,
          %swap3A_396 = vector.shape_cast %swap3A_395 : vector<1x1x16xf32> to vector<16xf32>
          %swap3A_397 = vector.shape_cast %mul3A_390 : vector<16xf32> to vector<1x1x16xf32>
          tpu.vector_store %arg10[%swap3A_392, %swap3A_393, %swap3A_394], %swap3A_397 {strides = array<i32>} : memref<2x128x32xf32, #tpu.memory_space<vmem>>, vector<1x1x16xf32>,
          %get3A_398 = arith.constant 0 : i32
          %get3A_399 = arith.index_cast %get3A_398 : i32 to index
          %get3A_400 = arith.index_cast %add3A_383 : i32 to index
          %get3A_401 = arith.constant 16 : index
          %get3A_402 = tpu.vector_load %arg10[%get3A_399, %get3A_400, %get3A_401] {strides = array<i32>} : memref<2x128x32xf32, #tpu.memory_space<vmem>>, vector<1x1x16xf32>,
          %get3A_403 = vector.shape_cast %get3A_402 : vector<1x1x16xf32> to vector<16xf32>
          %mul3A_404 = arith.mulf %get3A_403, %gather3A_379 : vector<16xf32>
          %swap3A_405 = arith.constant 0 : i32
          %swap3A_406 = arith.index_cast %swap3A_405 : i32 to index
          %swap3A_407 = arith.index_cast %add3A_383 : i32 to index
          %swap3A_408 = arith.constant 16 : index
          %swap3A_409 = tpu.vector_load %arg10[%swap3A_406, %swap3A_407, %swap3A_408] {strides = array<i32>} : memref<2x128x32xf32, #tpu.memory_space<vmem>>, vector<1x1x16xf32>,
          %swap3A_410 = vector.shape_cast %swap3A_409 : vector<1x1x16xf32> to vector<16xf32>
          %swap3A_411 = vector.shape_cast %mul3A_404 : vector<16xf32> to vector<1x1x16xf32>
          tpu.vector_store %arg10[%swap3A_406, %swap3A_407, %swap3A_408], %swap3A_411 {strides = array<i32>} : memref<2x128x32xf32, #tpu.memory_space<vmem>>, vector<1x1x16xf32>,
          %broadcast_in_dim3A_412 = arith.constant 8 : i32
          %broadcast_in_dim3A_413 = vector.broadcast %broadcast_in_dim3A_412 : i32 to vector<16x1xi32>
          %gather3A_414 = vector.shape_cast %broadcast_in_dim3A_413 : vector<16x1xi32> to vector<16xi32>
          %gather3A_415 = tpu.dynamic_gather %get3A_125[%gather3A_414] in [0] : vector<16xf32>, vector<16xi32> -> vector<16xf32>
          %mul3A_416 = arith.constant 16 : i32
          %mul3A_417 = arith.muli %scan3A_119, %mul3A_416 : i32
          %add3A_418 = arith.constant 8 : i32
          %add3A_419 = arith.addi %mul3A_417, %add3A_418 : i32
          %get3A_420 = arith.constant 0 : i32
          %get3A_421 = arith.index_cast %get3A_420 : i32 to index
          %get3A_422 = arith.index_cast %add3A_419 : i32 to index
          %get3A_423 = arith.constant 0 : index
          %get3A_424 = tpu.vector_load %arg10[%get3A_421, %get3A_422, %get3A_423] {strides = array<i32>} : memref<2x128x32xf32, #tpu.memory_space<vmem>>, vector<1x1x16xf32>,
          %get3A_425 = vector.shape_cast %get3A_424 : vector<1x1x16xf32> to vector<16xf32>
          %mul3A_426 = arith.mulf %get3A_425, %gather3A_415 : vector<16xf32>
          %swap3A_427 = arith.constant 0 : i32
          %swap3A_428 = arith.index_cast %swap3A_427 : i32 to index
          %swap3A_429 = arith.index_cast %add3A_419 : i32 to index
          %swap3A_430 = arith.constant 0 : index
          %swap3A_431 = tpu.vector_load %arg10[%swap3A_428, %swap3A_429, %swap3A_430] {strides = array<i32>} : memref<2x128x32xf32, #tpu.memory_space<vmem>>, vector<1x1x16xf32>,
          %swap3A_432 = vector.shape_cast %swap3A_431 : vector<1x1x16xf32> to vector<16xf32>
          %swap3A_433 = vector.shape_cast %mul3A_426 : vector<16xf32> to vector<1x1x16xf32>
          tpu.vector_store %arg10[%swap3A_428, %swap3A_429, %swap3A_430], %swap3A_433 {strides = array<i32>} : memref<2x128x32xf32, #tpu.memory_space<vmem>>, vector<1x1x16xf32>,
          %get3A_434 = arith.constant 0 : i32
          %get3A_435 = arith.index_cast %get3A_434 : i32 to index
          %get3A_436 = arith.index_cast %add3A_419 : i32 to index
          %get3A_437 = arith.constant 16 : index
          %get3A_438 = tpu.vector_load %arg10[%get3A_435, %get3A_436, %get3A_437] {strides = array<i32>} : memref<2x128x32xf32, #tpu.memory_space<vmem>>, vector<1x1x16xf32>,
          %get3A_439 = vector.shape_cast %get3A_438 : vector<1x1x16xf32> to vector<16xf32>
          %mul3A_440 = arith.mulf %get3A_439, %gather3A_415 : vector<16xf32>
          %swap3A_441 = arith.constant 0 : i32
          %swap3A_442 = arith.index_cast %swap3A_441 : i32 to index
          %swap3A_443 = arith.index_cast %add3A_419 : i32 to index
          %swap3A_444 = arith.constant 16 : index
          %swap3A_445 = tpu.vector_load %arg10[%swap3A_442, %swap3A_443, %swap3A_444] {strides = array<i32>} : memref<2x128x32xf32, #tpu.memory_space<vmem>>, vector<1x1x16xf32>,
          %swap3A_446 = vector.shape_cast %swap3A_445 : vector<1x1x16xf32> to vector<16xf32>
          %swap3A_447 = vector.shape_cast %mul3A_440 : vector<16xf32> to vector<1x1x16xf32>
          tpu.vector_store %arg10[%swap3A_442, %swap3A_443, %swap3A_444], %swap3A_447 {strides = array<i32>} : memref<2x128x32xf32, #tpu.memory_space<vmem>>, vector<1x1x16xf32>,
          %broadcast_in_dim3A_448 = arith.constant 9 : i32
          %broadcast_in_dim3A_449 = vector.broadcast %broadcast_in_dim3A_448 : i32 to vector<16x1xi32>
          %gather3A_450 = vector.shape_cast %broadcast_in_dim3A_449 : vector<16x1xi32> to vector<16xi32>
          %gather3A_451 = tpu.dynamic_gather %get3A_125[%gather3A_450] in [0] : vector<16xf32>, vector<16xi32> -> vector<16xf32>
          %mul3A_452 = arith.constant 16 : i32
          %mul3A_453 = arith.muli %scan3A_119, %mul3A_452 : i32
          %add3A_454 = arith.constant 9 : i32
          %add3A_455 = arith.addi %mul3A_453, %add3A_454 : i32
          %get3A_456 = arith.constant 0 : i32
          %get3A_457 = arith.index_cast %get3A_456 : i32 to index
          %get3A_458 = arith.index_cast %add3A_455 : i32 to index
          %get3A_459 = arith.constant 0 : index
          %get3A_460 = tpu.vector_load %arg10[%get3A_457, %get3A_458, %get3A_459] {strides = array<i32>} : memref<2x128x32xf32, #tpu.memory_space<vmem>>, vector<1x1x16xf32>,
          %get3A_461 = vector.shape_cast %get3A_460 : vector<1x1x16xf32> to vector<16xf32>
          %mul3A_462 = arith.mulf %get3A_461, %gather3A_451 : vector<16xf32>
          %swap3A_463 = arith.constant 0 : i32
          %swap3A_464 = arith.index_cast %swap3A_463 : i32 to index
          %swap3A_465 = arith.index_cast %add3A_455 : i32 to index
          %swap3A_466 = arith.constant 0 : index
          %swap3A_467 = tpu.vector_load %arg10[%swap3A_464, %swap3A_465, %swap3A_466] {strides = array<i32>} : memref<2x128x32xf32, #tpu.memory_space<vmem>>, vector<1x1x16xf32>,
          %swap3A_468 = vector.shape_cast %swap3A_467 : vector<1x1x16xf32> to vector<16xf32>
          %swap3A_469 = vector.shape_cast %mul3A_462 : vector<16xf32> to vector<1x1x16xf32>
          tpu.vector_store %arg10[%swap3A_464, %swap3A_465, %swap3A_466], %swap3A_469 {strides = array<i32>} : memref<2x128x32xf32, #tpu.memory_space<vmem>>, vector<1x1x16xf32>,
          %get3A_470 = arith.constant 0 : i32
          %get3A_471 = arith.index_cast %get3A_470 : i32 to index
          %get3A_472 = arith.index_cast %add3A_455 : i32 to index
          %get3A_473 = arith.constant 16 : index
          %get3A_474 = tpu.vector_load %arg10[%get3A_471, %get3A_472, %get3A_473] {strides = array<i32>} : memref<2x128x32xf32, #tpu.memory_space<vmem>>, vector<1x1x16xf32>,
          %get3A_475 = vector.shape_cast %get3A_474 : vector<1x1x16xf32> to vector<16xf32>
          %mul3A_476 = arith.mulf %get3A_475, %gather3A_451 : vector<16xf32>
          %swap3A_477 = arith.constant 0 : i32
          %swap3A_478 = arith.index_cast %swap3A_477 : i32 to index
          %swap3A_479 = arith.index_cast %add3A_455 : i32 to index
          %swap3A_480 = arith.constant 16 : index
          %swap3A_481 = tpu.vector_load %arg10[%swap3A_478, %swap3A_479, %swap3A_480] {strides = array<i32>} : memref<2x128x32xf32, #tpu.memory_space<vmem>>, vector<1x1x16xf32>,
          %swap3A_482 = vector.shape_cast %swap3A_481 : vector<1x1x16xf32> to vector<16xf32>
          %swap3A_483 = vector.shape_cast %mul3A_476 : vector<16xf32> to vector<1x1x16xf32>
          tpu.vector_store %arg10[%swap3A_478, %swap3A_479, %swap3A_480], %swap3A_483 {strides = array<i32>} : memref<2x128x32xf32, #tpu.memory_space<vmem>>, vector<1x1x16xf32>,
          %broadcast_in_dim3A_484 = arith.constant 10 : i32
          %broadcast_in_dim3A_485 = vector.broadcast %broadcast_in_dim3A_484 : i32 to vector<16x1xi32>
          %gather3A_486 = vector.shape_cast %broadcast_in_dim3A_485 : vector<16x1xi32> to vector<16xi32>
          %gather3A_487 = tpu.dynamic_gather %get3A_125[%gather3A_486] in [0] : vector<16xf32>, vector<16xi32> -> vector<16xf32>
          %mul3A_488 = arith.constant 16 : i32
          %mul3A_489 = arith.muli %scan3A_119, %mul3A_488 : i32
          %add3A_490 = arith.constant 10 : i32
          %add3A_491 = arith.addi %mul3A_489, %add3A_490 : i32
          %get3A_492 = arith.constant 0 : i32
          %get3A_493 = arith.index_cast %get3A_492 : i32 to index
          %get3A_494 = arith.index_cast %add3A_491 : i32 to index
          %get3A_495 = arith.constant 0 : index
          %get3A_496 = tpu.vector_load %arg10[%get3A_493, %get3A_494, %get3A_495] {strides = array<i32>} : memref<2x128x32xf32, #tpu.memory_space<vmem>>, vector<1x1x16xf32>,
          %get3A_497 = vector.shape_cast %get3A_496 : vector<1x1x16xf32> to vector<16xf32>
          %mul3A_498 = arith.mulf %get3A_497, %gather3A_487 : vector<16xf32>
          %swap3A_499 = arith.constant 0 : i32
          %swap3A_500 = arith.index_cast %swap3A_499 : i32 to index
          %swap3A_501 = arith.index_cast %add3A_491 : i32 to index
          %swap3A_502 = arith.constant 0 : index
          %swap3A_503 = tpu.vector_load %arg10[%swap3A_500, %swap3A_501, %swap3A_502] {strides = array<i32>} : memref<2x128x32xf32, #tpu.memory_space<vmem>>, vector<1x1x16xf32>,
          %swap3A_504 = vector.shape_cast %swap3A_503 : vector<1x1x16xf32> to vector<16xf32>
          %swap3A_505 = vector.shape_cast %mul3A_498 : vector<16xf32> to vector<1x1x16xf32>
          tpu.vector_store %arg10[%swap3A_500, %swap3A_501, %swap3A_502], %swap3A_505 {strides = array<i32>} : memref<2x128x32xf32, #tpu.memory_space<vmem>>, vector<1x1x16xf32>,
          %get3A_506 = arith.constant 0 : i32
          %get3A_507 = arith.index_cast %get3A_506 : i32 to index
          %get3A_508 = arith.index_cast %add3A_491 : i32 to index
          %get3A_509 = arith.constant 16 : index
          %get3A_510 = tpu.vector_load %arg10[%get3A_507, %get3A_508, %get3A_509] {strides = array<i32>} : memref<2x128x32xf32, #tpu.memory_space<vmem>>, vector<1x1x16xf32>,
          %get3A_511 = vector.shape_cast %get3A_510 : vector<1x1x16xf32> to vector<16xf32>
          %mul3A_512 = arith.mulf %get3A_511, %gather3A_487 : vector<16xf32>
          %swap3A_513 = arith.constant 0 : i32
          %swap3A_514 = arith.index_cast %swap3A_513 : i32 to index
          %swap3A_515 = arith.index_cast %add3A_491 : i32 to index
          %swap3A_516 = arith.constant 16 : index
          %swap3A_517 = tpu.vector_load %arg10[%swap3A_514, %swap3A_515, %swap3A_516] {strides = array<i32>} : memref<2x128x32xf32, #tpu.memory_space<vmem>>, vector<1x1x16xf32>,
          %swap3A_518 = vector.shape_cast %swap3A_517 : vector<1x1x16xf32> to vector<16xf32>
          %swap3A_519 = vector.shape_cast %mul3A_512 : vector<16xf32> to vector<1x1x16xf32>
          tpu.vector_store %arg10[%swap3A_514, %swap3A_515, %swap3A_516], %swap3A_519 {strides = array<i32>} : memref<2x128x32xf32, #tpu.memory_space<vmem>>, vector<1x1x16xf32>,
          %broadcast_in_dim3A_520 = arith.constant 11 : i32
          %broadcast_in_dim3A_521 = vector.broadcast %broadcast_in_dim3A_520 : i32 to vector<16x1xi32>
          %gather3A_522 = vector.shape_cast %broadcast_in_dim3A_521 : vector<16x1xi32> to vector<16xi32>
          %gather3A_523 = tpu.dynamic_gather %get3A_125[%gather3A_522] in [0] : vector<16xf32>, vector<16xi32> -> vector<16xf32>
          %mul3A_524 = arith.constant 16 : i32
          %mul3A_525 = arith.muli %scan3A_119, %mul3A_524 : i32
          %add3A_526 = arith.constant 11 : i32
          %add3A_527 = arith.addi %mul3A_525, %add3A_526 : i32
          %get3A_528 = arith.constant 0 : i32
          %get3A_529 = arith.index_cast %get3A_528 : i32 to index
          %get3A_530 = arith.index_cast %add3A_527 : i32 to index
          %get3A_531 = arith.constant 0 : index
          %get3A_532 = tpu.vector_load %arg10[%get3A_529, %get3A_530, %get3A_531] {strides = array<i32>} : memref<2x128x32xf32, #tpu.memory_space<vmem>>, vector<1x1x16xf32>,
          %get3A_533 = vector.shape_cast %get3A_532 : vector<1x1x16xf32> to vector<16xf32>
          %mul3A_534 = arith.mulf %get3A_533, %gather3A_523 : vector<16xf32>
          %swap3A_535 = arith.constant 0 : i32
          %swap3A_536 = arith.index_cast %swap3A_535 : i32 to index
          %swap3A_537 = arith.index_cast %add3A_527 : i32 to index
          %swap3A_538 = arith.constant 0 : index
          %swap3A_539 = tpu.vector_load %arg10[%swap3A_536, %swap3A_537, %swap3A_538] {strides = array<i32>} : memref<2x128x32xf32, #tpu.memory_space<vmem>>, vector<1x1x16xf32>,
          %swap3A_540 = vector.shape_cast %swap3A_539 : vector<1x1x16xf32> to vector<16xf32>
          %swap3A_541 = vector.shape_cast %mul3A_534 : vector<16xf32> to vector<1x1x16xf32>
          tpu.vector_store %arg10[%swap3A_536, %swap3A_537, %swap3A_538], %swap3A_541 {strides = array<i32>} : memref<2x128x32xf32, #tpu.memory_space<vmem>>, vector<1x1x16xf32>,
          %get3A_542 = arith.constant 0 : i32
          %get3A_543 = arith.index_cast %get3A_542 : i32 to index
          %get3A_544 = arith.index_cast %add3A_527 : i32 to index
          %get3A_545 = arith.constant 16 : index
          %get3A_546 = tpu.vector_load %arg10[%get3A_543, %get3A_544, %get3A_545] {strides = array<i32>} : memref<2x128x32xf32, #tpu.memory_space<vmem>>, vector<1x1x16xf32>,
          %get3A_547 = vector.shape_cast %get3A_546 : vector<1x1x16xf32> to vector<16xf32>
          %mul3A_548 = arith.mulf %get3A_547, %gather3A_523 : vector<16xf32>
          %swap3A_549 = arith.constant 0 : i32
          %swap3A_550 = arith.index_cast %swap3A_549 : i32 to index
          %swap3A_551 = arith.index_cast %add3A_527 : i32 to index
          %swap3A_552 = arith.constant 16 : index
          %swap3A_553 = tpu.vector_load %arg10[%swap3A_550, %swap3A_551, %swap3A_552] {strides = array<i32>} : memref<2x128x32xf32, #tpu.memory_space<vmem>>, vector<1x1x16xf32>,
          %swap3A_554 = vector.shape_cast %swap3A_553 : vector<1x1x16xf32> to vector<16xf32>
          %swap3A_555 = vector.shape_cast %mul3A_548 : vector<16xf32> to vector<1x1x16xf32>
          tpu.vector_store %arg10[%swap3A_550, %swap3A_551, %swap3A_552], %swap3A_555 {strides = array<i32>} : memref<2x128x32xf32, #tpu.memory_space<vmem>>, vector<1x1x16xf32>,
          %broadcast_in_dim3A_556 = arith.constant 12 : i32
          %broadcast_in_dim3A_557 = vector.broadcast %broadcast_in_dim3A_556 : i32 to vector<16x1xi32>
          %gather3A_558 = vector.shape_cast %broadcast_in_dim3A_557 : vector<16x1xi32> to vector<16xi32>
          %gather3A_559 = tpu.dynamic_gather %get3A_125[%gather3A_558] in [0] : vector<16xf32>, vector<16xi32> -> vector<16xf32>
          %mul3A_560 = arith.constant 16 : i32
          %mul3A_561 = arith.muli %scan3A_119, %mul3A_560 : i32
          %add3A_562 = arith.constant 12 : i32
          %add3A_563 = arith.addi %mul3A_561, %add3A_562 : i32
          %get3A_564 = arith.constant 0 : i32
          %get3A_565 = arith.index_cast %get3A_564 : i32 to index
          %get3A_566 = arith.index_cast %add3A_563 : i32 to index
          %get3A_567 = arith.constant 0 : index
          %get3A_568 = tpu.vector_load %arg10[%get3A_565, %get3A_566, %get3A_567] {strides = array<i32>} : memref<2x128x32xf32, #tpu.memory_space<vmem>>, vector<1x1x16xf32>,
          %get3A_569 = vector.shape_cast %get3A_568 : vector<1x1x16xf32> to vector<16xf32>
          %mul3A_570 = arith.mulf %get3A_569, %gather3A_559 : vector<16xf32>
          %swap3A_571 = arith.constant 0 : i32
          %swap3A_572 = arith.index_cast %swap3A_571 : i32 to index
          %swap3A_573 = arith.index_cast %add3A_563 : i32 to index
          %swap3A_574 = arith.constant 0 : index
          %swap3A_575 = tpu.vector_load %arg10[%swap3A_572, %swap3A_573, %swap3A_574] {strides = array<i32>} : memref<2x128x32xf32, #tpu.memory_space<vmem>>, vector<1x1x16xf32>,
          %swap3A_576 = vector.shape_cast %swap3A_575 : vector<1x1x16xf32> to vector<16xf32>
          %swap3A_577 = vector.shape_cast %mul3A_570 : vector<16xf32> to vector<1x1x16xf32>
          tpu.vector_store %arg10[%swap3A_572, %swap3A_573, %swap3A_574], %swap3A_577 {strides = array<i32>} : memref<2x128x32xf32, #tpu.memory_space<vmem>>, vector<1x1x16xf32>,
          %get3A_578 = arith.constant 0 : i32
          %get3A_579 = arith.index_cast %get3A_578 : i32 to index
          %get3A_580 = arith.index_cast %add3A_563 : i32 to index
          %get3A_581 = arith.constant 16 : index
          %get3A_582 = tpu.vector_load %arg10[%get3A_579, %get3A_580, %get3A_581] {strides = array<i32>} : memref<2x128x32xf32, #tpu.memory_space<vmem>>, vector<1x1x16xf32>,
          %get3A_583 = vector.shape_cast %get3A_582 : vector<1x1x16xf32> to vector<16xf32>
          %mul3A_584 = arith.mulf %get3A_583, %gather3A_559 : vector<16xf32>
          %swap3A_585 = arith.constant 0 : i32
          %swap3A_586 = arith.index_cast %swap3A_585 : i32 to index
          %swap3A_587 = arith.index_cast %add3A_563 : i32 to index
          %swap3A_588 = arith.constant 16 : index
          %swap3A_589 = tpu.vector_load %arg10[%swap3A_586, %swap3A_587, %swap3A_588] {strides = array<i32>} : memref<2x128x32xf32, #tpu.memory_space<vmem>>, vector<1x1x16xf32>,
          %swap3A_590 = vector.shape_cast %swap3A_589 : vector<1x1x16xf32> to vector<16xf32>
          %swap3A_591 = vector.shape_cast %mul3A_584 : vector<16xf32> to vector<1x1x16xf32>
          tpu.vector_store %arg10[%swap3A_586, %swap3A_587, %swap3A_588], %swap3A_591 {strides = array<i32>} : memref<2x128x32xf32, #tpu.memory_space<vmem>>, vector<1x1x16xf32>,
          %broadcast_in_dim3A_592 = arith.constant 13 : i32
          %broadcast_in_dim3A_593 = vector.broadcast %broadcast_in_dim3A_592 : i32 to vector<16x1xi32>
          %gather3A_594 = vector.shape_cast %broadcast_in_dim3A_593 : vector<16x1xi32> to vector<16xi32>
          %gather3A_595 = tpu.dynamic_gather %get3A_125[%gather3A_594] in [0] : vector<16xf32>, vector<16xi32> -> vector<16xf32>
          %mul3A_596 = arith.constant 16 : i32
          %mul3A_597 = arith.muli %scan3A_119, %mul3A_596 : i32
          %add3A_598 = arith.constant 13 : i32
          %add3A_599 = arith.addi %mul3A_597, %add3A_598 : i32
          %get3A_600 = arith.constant 0 : i32
          %get3A_601 = arith.index_cast %get3A_600 : i32 to index
          %get3A_602 = arith.index_cast %add3A_599 : i32 to index
          %get3A_603 = arith.constant 0 : index
          %get3A_604 = tpu.vector_load %arg10[%get3A_601, %get3A_602, %get3A_603] {strides = array<i32>} : memref<2x128x32xf32, #tpu.memory_space<vmem>>, vector<1x1x16xf32>,
          %get3A_605 = vector.shape_cast %get3A_604 : vector<1x1x16xf32> to vector<16xf32>
          %mul3A_606 = arith.mulf %get3A_605, %gather3A_595 : vector<16xf32>
          %swap3A_607 = arith.constant 0 : i32
          %swap3A_608 = arith.index_cast %swap3A_607 : i32 to index
          %swap3A_609 = arith.index_cast %add3A_599 : i32 to index
          %swap3A_610 = arith.constant 0 : index
          %swap3A_611 = tpu.vector_load %arg10[%swap3A_608, %swap3A_609, %swap3A_610] {strides = array<i32>} : memref<2x128x32xf32, #tpu.memory_space<vmem>>, vector<1x1x16xf32>,
          %swap3A_612 = vector.shape_cast %swap3A_611 : vector<1x1x16xf32> to vector<16xf32>
          %swap3A_613 = vector.shape_cast %mul3A_606 : vector<16xf32> to vector<1x1x16xf32>
          tpu.vector_store %arg10[%swap3A_608, %swap3A_609, %swap3A_610], %swap3A_613 {strides = array<i32>} : memref<2x128x32xf32, #tpu.memory_space<vmem>>, vector<1x1x16xf32>,
          %get3A_614 = arith.constant 0 : i32
          %get3A_615 = arith.index_cast %get3A_614 : i32 to index
          %get3A_616 = arith.index_cast %add3A_599 : i32 to index
          %get3A_617 = arith.constant 16 : index
          %get3A_618 = tpu.vector_load %arg10[%get3A_615, %get3A_616, %get3A_617] {strides = array<i32>} : memref<2x128x32xf32, #tpu.memory_space<vmem>>, vector<1x1x16xf32>,
          %get3A_619 = vector.shape_cast %get3A_618 : vector<1x1x16xf32> to vector<16xf32>
          %mul3A_620 = arith.mulf %get3A_619, %gather3A_595 : vector<16xf32>
          %swap3A_621 = arith.constant 0 : i32
          %swap3A_622 = arith.index_cast %swap3A_621 : i32 to index
          %swap3A_623 = arith.index_cast %add3A_599 : i32 to index
          %swap3A_624 = arith.constant 16 : index
          %swap3A_625 = tpu.vector_load %arg10[%swap3A_622, %swap3A_623, %swap3A_624] {strides = array<i32>} : memref<2x128x32xf32, #tpu.memory_space<vmem>>, vector<1x1x16xf32>,
          %swap3A_626 = vector.shape_cast %swap3A_625 : vector<1x1x16xf32> to vector<16xf32>
          %swap3A_627 = vector.shape_cast %mul3A_620 : vector<16xf32> to vector<1x1x16xf32>
          tpu.vector_store %arg10[%swap3A_622, %swap3A_623, %swap3A_624], %swap3A_627 {strides = array<i32>} : memref<2x128x32xf32, #tpu.memory_space<vmem>>, vector<1x1x16xf32>,
          %broadcast_in_dim3A_628 = arith.constant 14 : i32
          %broadcast_in_dim3A_629 = vector.broadcast %broadcast_in_dim3A_628 : i32 to vector<16x1xi32>
          %gather3A_630 = vector.shape_cast %broadcast_in_dim3A_629 : vector<16x1xi32> to vector<16xi32>
          %gather3A_631 = tpu.dynamic_gather %get3A_125[%gather3A_630] in [0] : vector<16xf32>, vector<16xi32> -> vector<16xf32>
          %mul3A_632 = arith.constant 16 : i32
          %mul3A_633 = arith.muli %scan3A_119, %mul3A_632 : i32
          %add3A_634 = arith.constant 14 : i32
          %add3A_635 = arith.addi %mul3A_633, %add3A_634 : i32
          %get3A_636 = arith.constant 0 : i32
          %get3A_637 = arith.index_cast %get3A_636 : i32 to index
          %get3A_638 = arith.index_cast %add3A_635 : i32 to index
          %get3A_639 = arith.constant 0 : index
          %get3A_640 = tpu.vector_load %arg10[%get3A_637, %get3A_638, %get3A_639] {strides = array<i32>} : memref<2x128x32xf32, #tpu.memory_space<vmem>>, vector<1x1x16xf32>,
          %get3A_641 = vector.shape_cast %get3A_640 : vector<1x1x16xf32> to vector<16xf32>
          %mul3A_642 = arith.mulf %get3A_641, %gather3A_631 : vector<16xf32>
          %swap3A_643 = arith.constant 0 : i32
          %swap3A_644 = arith.index_cast %swap3A_643 : i32 to index
          %swap3A_645 = arith.index_cast %add3A_635 : i32 to index
          %swap3A_646 = arith.constant 0 : index
          %swap3A_647 = tpu.vector_load %arg10[%swap3A_644, %swap3A_645, %swap3A_646] {strides = array<i32>} : memref<2x128x32xf32, #tpu.memory_space<vmem>>, vector<1x1x16xf32>,
          %swap3A_648 = vector.shape_cast %swap3A_647 : vector<1x1x16xf32> to vector<16xf32>
          %swap3A_649 = vector.shape_cast %mul3A_642 : vector<16xf32> to vector<1x1x16xf32>
          tpu.vector_store %arg10[%swap3A_644, %swap3A_645, %swap3A_646], %swap3A_649 {strides = array<i32>} : memref<2x128x32xf32, #tpu.memory_space<vmem>>, vector<1x1x16xf32>,
          %get3A_650 = arith.constant 0 : i32
          %get3A_651 = arith.index_cast %get3A_650 : i32 to index
          %get3A_652 = arith.index_cast %add3A_635 : i32 to index
          %get3A_653 = arith.constant 16 : index
          %get3A_654 = tpu.vector_load %arg10[%get3A_651, %get3A_652, %get3A_653] {strides = array<i32>} : memref<2x128x32xf32, #tpu.memory_space<vmem>>, vector<1x1x16xf32>,
          %get3A_655 = vector.shape_cast %get3A_654 : vector<1x1x16xf32> to vector<16xf32>
          %mul3A_656 = arith.mulf %get3A_655, %gather3A_631 : vector<16xf32>
          %swap3A_657 = arith.constant 0 : i32
          %swap3A_658 = arith.index_cast %swap3A_657 : i32 to index
          %swap3A_659 = arith.index_cast %add3A_635 : i32 to index
          %swap3A_660 = arith.constant 16 : index
          %swap3A_661 = tpu.vector_load %arg10[%swap3A_658, %swap3A_659, %swap3A_660] {strides = array<i32>} : memref<2x128x32xf32, #tpu.memory_space<vmem>>, vector<1x1x16xf32>,
          %swap3A_662 = vector.shape_cast %swap3A_661 : vector<1x1x16xf32> to vector<16xf32>
          %swap3A_663 = vector.shape_cast %mul3A_656 : vector<16xf32> to vector<1x1x16xf32>
          tpu.vector_store %arg10[%swap3A_658, %swap3A_659, %swap3A_660], %swap3A_663 {strides = array<i32>} : memref<2x128x32xf32, #tpu.memory_space<vmem>>, vector<1x1x16xf32>,
          %broadcast_in_dim3A_664 = arith.constant 15 : i32
          %broadcast_in_dim3A_665 = vector.broadcast %broadcast_in_dim3A_664 : i32 to vector<16x1xi32>
          %gather3A_666 = vector.shape_cast %broadcast_in_dim3A_665 : vector<16x1xi32> to vector<16xi32>
          %gather3A_667 = tpu.dynamic_gather %get3A_125[%gather3A_666] in [0] : vector<16xf32>, vector<16xi32> -> vector<16xf32>
          %mul3A_668 = arith.constant 16 : i32
          %mul3A_669 = arith.muli %scan3A_119, %mul3A_668 : i32
          %add3A_670 = arith.constant 15 : i32
          %add3A_671 = arith.addi %mul3A_669, %add3A_670 : i32
          %get3A_672 = arith.constant 0 : i32
          %get3A_673 = arith.index_cast %get3A_672 : i32 to index
          %get3A_674 = arith.index_cast %add3A_671 : i32 to index
          %get3A_675 = arith.constant 0 : index
          %get3A_676 = tpu.vector_load %arg10[%get3A_673, %get3A_674, %get3A_675] {strides = array<i32>} : memref<2x128x32xf32, #tpu.memory_space<vmem>>, vector<1x1x16xf32>,
          %get3A_677 = vector.shape_cast %get3A_676 : vector<1x1x16xf32> to vector<16xf32>
          %mul3A_678 = arith.mulf %get3A_677, %gather3A_667 : vector<16xf32>
          %swap3A_679 = arith.constant 0 : i32
          %swap3A_680 = arith.index_cast %swap3A_679 : i32 to index
          %swap3A_681 = arith.index_cast %add3A_671 : i32 to index
          %swap3A_682 = arith.constant 0 : index
          %swap3A_683 = tpu.vector_load %arg10[%swap3A_680, %swap3A_681, %swap3A_682] {strides = array<i32>} : memref<2x128x32xf32, #tpu.memory_space<vmem>>, vector<1x1x16xf32>,
          %swap3A_684 = vector.shape_cast %swap3A_683 : vector<1x1x16xf32> to vector<16xf32>
          %swap3A_685 = vector.shape_cast %mul3A_678 : vector<16xf32> to vector<1x1x16xf32>
          tpu.vector_store %arg10[%swap3A_680, %swap3A_681, %swap3A_682], %swap3A_685 {strides = array<i32>} : memref<2x128x32xf32, #tpu.memory_space<vmem>>, vector<1x1x16xf32>,
          %get3A_686 = arith.constant 0 : i32
          %get3A_687 = arith.index_cast %get3A_686 : i32 to index
          %get3A_688 = arith.index_cast %add3A_671 : i32 to index
          %get3A_689 = arith.constant 16 : index
          %get3A_690 = tpu.vector_load %arg10[%get3A_687, %get3A_688, %get3A_689] {strides = array<i32>} : memref<2x128x32xf32, #tpu.memory_space<vmem>>, vector<1x1x16xf32>,
          %get3A_691 = vector.shape_cast %get3A_690 : vector<1x1x16xf32> to vector<16xf32>
          %mul3A_692 = arith.mulf %get3A_691, %gather3A_667 : vector<16xf32>
          %swap3A_693 = arith.constant 0 : i32
          %swap3A_694 = arith.index_cast %swap3A_693 : i32 to index
          %swap3A_695 = arith.index_cast %add3A_671 : i32 to index
          %swap3A_696 = arith.constant 16 : index
          %swap3A_697 = tpu.vector_load %arg10[%swap3A_694, %swap3A_695, %swap3A_696] {strides = array<i32>} : memref<2x128x32xf32, #tpu.memory_space<vmem>>, vector<1x1x16xf32>,
          %swap3A_698 = vector.shape_cast %swap3A_697 : vector<1x1x16xf32> to vector<16xf32>
          %swap3A_699 = vector.shape_cast %mul3A_692 : vector<16xf32> to vector<1x1x16xf32>
          tpu.vector_store %arg10[%swap3A_694, %swap3A_695, %swap3A_696], %swap3A_699 {strides = array<i32>} : memref<2x128x32xf32, #tpu.memory_space<vmem>>, vector<1x1x16xf32>,
          %scan3A_700 = arith.constant 0 : i32
          scf.yield %scan3A_700 : i32
        }
        %scan3A_87 = arith.constant 8 : i32
        %run_scoped3A = arith.constant 0 : i32
        "tpu.region"() ({
          %run_scoped3A_119 = tpu.sem_alloc : memref<!tpu.dma_semaphore, #tpu.memory_space<semaphore_mem>>
          %dma_start3A_120 = arith.constant 0 : i32
          %dma_start3A_121 = arith.constant 0 : i32
          %dma_start3A_122 = tpu.memref_slice %arg10[%run_scoped3A, %dma_start3A_120, %dma_start3A_121] : memref<2x128x32xf32, #tpu.memory_space<vmem>> -> memref<1x128x32xf32, #tpu.memory_space<vmem>>
          %dma_start3A_123 = tpu.memref_squeeze %dma_start3A_122 : memref<1x128x32xf32, #tpu.memory_space<vmem>> -> memref<128x32xf32, #tpu.memory_space<vmem>>
          %dma_start3A_124 = arith.constant 0 : i32
          %dma_start3A_125 = tpu.memref_slice %arg9[%add3A_66, %dma_start3A_124] : memref<20x128xi32, #tpu.memory_space<vmem>> -> memref<1x128xi32, #tpu.memory_space<vmem>>
          %dma_start3A_126 = tpu.memref_squeeze %dma_start3A_125 : memref<1x128xi32, #tpu.memory_space<vmem>> -> memref<128xi32, #tpu.memory_space<vmem>>
          %dma_start3A_127 = arith.constant 0 : i32
          %dma_start3A_128 = arith.constant 0 : i32
          %dma_start3A_129 = tpu.memref_slice %arg12[%dma_start3A_127, %dma_start3A_128] : memref<16384x32xf32, #tpu.memory_space<vmem_shared>> -> memref<16384x32xf32, #tpu.memory_space<vmem_shared>>
          tpu.enqueue_indirect_dma source(%dma_start3A_123 : memref<128x32xf32, #tpu.memory_space<vmem>>) target(%dma_start3A_129 : memref<16384x32xf32, #tpu.memory_space<vmem_shared>>) offsets(%dma_start3A_126 : memref<128xi32, #tpu.memory_space<vmem>>) semaphore(%run_scoped3A_119 : memref<!tpu.dma_semaphore, #tpu.memory_space<semaphore_mem>>) {add = true}
          %dma_wait3A_130 = arith.constant 0 : i32
          %dma_wait3A_131 = arith.constant 0 : i32
          %dma_wait3A_132 = tpu.memref_slice %arg10[%run_scoped3A, %dma_wait3A_130, %dma_wait3A_131] : memref<2x128x32xf32, #tpu.memory_space<vmem>> -> memref<1x128x32xf32, #tpu.memory_space<vmem>>
          %dma_wait3A_133 = tpu.memref_squeeze %dma_wait3A_132 : memref<1x128x32xf32, #tpu.memory_space<vmem>> -> memref<128x32xf32, #tpu.memory_space<vmem>>
          %dma_wait3A_134 = arith.constant 0 : i32
          %dma_wait3A_135 = tpu.memref_slice %arg9[%add3A_66, %dma_wait3A_134] : memref<20x128xi32, #tpu.memory_space<vmem>> -> memref<1x128xi32, #tpu.memory_space<vmem>>
          %dma_wait3A_136 = tpu.memref_squeeze %dma_wait3A_135 : memref<1x128xi32, #tpu.memory_space<vmem>> -> memref<128xi32, #tpu.memory_space<vmem>>
          %dma_wait3A_137 = arith.constant 0 : i32
          %dma_wait3A_138 = arith.constant 0 : i32
          %dma_wait3A_139 = tpu.memref_slice %arg12[%dma_wait3A_137, %dma_wait3A_138] : memref<16384x32xf32, #tpu.memory_space<vmem_shared>> -> memref<16384x32xf32, #tpu.memory_space<vmem_shared>>
          tpu.wait_indirect_dma semaphore(%run_scoped3A_119 : memref<!tpu.dma_semaphore, #tpu.memory_space<semaphore_mem>>) src(%dma_wait3A_133 : memref<128x32xf32, #tpu.memory_space<vmem>>) dst(%dma_wait3A_139 : memref<16384x32xf32, #tpu.memory_space<vmem_shared>>)
          tpu.yield
        }) : () -> ()
        %mul3A_88 = arith.constant 2 : i32
        %mul3A_89 = arith.muli %scan3A_62, %mul3A_88 : i32
        %add3A_90 = arith.constant 1 : i32
        %add3A_91 = arith.addi %mul3A_89, %add3A_90 : i32
        %dma_wait3A_92 = arith.constant 1 : i32
        %dma_wait3A_93 = arith.constant 0 : i32
        %dma_wait3A_94 = arith.constant 0 : i32
        %dma_wait3A_95 = tpu.memref_slice %arg10[%dma_wait3A_92, %dma_wait3A_93, %dma_wait3A_94] : memref<2x128x32xf32, #tpu.memory_space<vmem>> -> memref<1x128x32xf32, #tpu.memory_space<vmem>>
        %dma_wait3A_96 = tpu.memref_squeeze %dma_wait3A_95 : memref<1x128x32xf32, #tpu.memory_space<vmem>> -> memref<128x32xf32, #tpu.memory_space<vmem>>
        %dma_wait3A_97 = arith.constant 0 : i32
        %dma_wait3A_98 = tpu.memref_slice %arg7[%add3A_91, %dma_wait3A_97] : memref<20x128xi32, #tpu.memory_space<vmem>> -> memref<1x128xi32, #tpu.memory_space<vmem>>
        %dma_wait3A_99 = tpu.memref_squeeze %dma_wait3A_98 : memref<1x128xi32, #tpu.memory_space<vmem>> -> memref<128xi32, #tpu.memory_space<vmem>>
        %dma_wait3A_100 = arith.constant 0 : i32
        %dma_wait3A_101 = arith.constant 0 : i32
        %dma_wait3A_102 = tpu.memref_slice %arg5[%dma_wait3A_100, %dma_wait3A_101] : memref<2000000x32xf32, #tpu.memory_space<hbm>> -> memref<2000000x32xf32, #tpu.memory_space<hbm>>
        tpu.wait_indirect_dma semaphore(%arg13 : memref<!tpu.dma_semaphore, #tpu.memory_space<semaphore_mem>>) src(%dma_wait3A_102 : memref<2000000x32xf32, #tpu.memory_space<hbm>>) dst(%dma_wait3A_96 : memref<128x32xf32, #tpu.memory_space<vmem>>)
        %add3A_103 = arith.constant 1 : i32
        %add3A_104 = arith.addi %add3A_91, %add3A_103 : i32
        %lt3A_105 = arith.constant 20 : i32
        %lt3A_106 = arith.cmpi slt, %add3A_104, %lt3A_105 : i32
        %convert_element_type3A_107 = arith.extui %lt3A_106 : i1 to i32
        %cond3A_108 = arith.constant 0 : i32
        %cond3A_109 = arith.cmpi ne, %convert_element_type3A_107, %cond3A_108 : i32
        scf.if %cond3A_109 {
          %add3A_119 = arith.constant 1 : i32
          %add3A_120 = arith.addi %add3A_91, %add3A_119 : i32
          %dma_start3A_121 = arith.constant 0 : i32
          %dma_start3A_122 = arith.constant 0 : i32
          %dma_start3A_123 = arith.constant 0 : i32
          %dma_start3A_124 = tpu.memref_slice %arg10[%dma_start3A_121, %dma_start3A_122, %dma_start3A_123] : memref<2x128x32xf32, #tpu.memory_space<vmem>> -> memref<1x128x32xf32, #tpu.memory_space<vmem>>
          %dma_start3A_125 = tpu.memref_squeeze %dma_start3A_124 : memref<1x128x32xf32, #tpu.memory_space<vmem>> -> memref<128x32xf32, #tpu.memory_space<vmem>>
          %dma_start3A_126 = arith.constant 0 : i32
          %dma_start3A_127 = tpu.memref_slice %arg7[%add3A_120, %dma_start3A_126] : memref<20x128xi32, #tpu.memory_space<vmem>> -> memref<1x128xi32, #tpu.memory_space<vmem>>
          %dma_start3A_128 = tpu.memref_squeeze %dma_start3A_127 : memref<1x128xi32, #tpu.memory_space<vmem>> -> memref<128xi32, #tpu.memory_space<vmem>>
          %dma_start3A_129 = arith.constant 0 : i32
          %dma_start3A_130 = arith.constant 0 : i32
          %dma_start3A_131 = tpu.memref_slice %arg5[%dma_start3A_129, %dma_start3A_130] : memref<2000000x32xf32, #tpu.memory_space<hbm>> -> memref<2000000x32xf32, #tpu.memory_space<hbm>>
          tpu.enqueue_indirect_dma source(%dma_start3A_131 : memref<2000000x32xf32, #tpu.memory_space<hbm>>) target(%dma_start3A_125 : memref<128x32xf32, #tpu.memory_space<vmem>>) offsets(%dma_start3A_128 : memref<128xi32, #tpu.memory_space<vmem>>) semaphore(%arg13 : memref<!tpu.dma_semaphore, #tpu.memory_space<semaphore_mem>>)
        } else {
        }
        %scan3A_110 = arith.constant 0 : i32
        %scan3A_111 = arith.constant 0 : i32
        %scan3A_112 = arith.constant 8 : i32
        %scan3A_113 = arith.addi %scan3A_111, %scan3A_112 : i32
        %scan3A_114 = arith.constant 1 : i32
        %scan3A_115 = scf.for %scan3A_119 = %scan3A_111 to %scan3A_113 step %scan3A_114 iter_args(%scan3A_120 = %scan3A_110) -> (i32)  : i32 {
          %mul3A_121 = arith.constant 16 : i32
          %mul3A_122 = arith.muli %scan3A_119, %mul3A_121 : i32
          %multiple_of3A = tpu.assume_multiple %mul3A_122, 16 : i32
          %get3A = arith.index_cast %add3A_91 : i32 to index
          %get3A_123 = arith.index_cast %multiple_of3A : i32 to index
          %get3A_124 = tpu.vector_load %arg8[%get3A, %get3A_123] {strides = array<i32>} : memref<20x128xf32, #tpu.memory_space<vmem>>, vector<1x16xf32>,
          %get3A_125 = vector.shape_cast %get3A_124 : vector<1x16xf32> to vector<16xf32>
          %broadcast_in_dim3A_126 = arith.constant 0 : i32
          %broadcast_in_dim3A_127 = vector.broadcast %broadcast_in_dim3A_126 : i32 to vector<16x1xi32>
          %gather3A = vector.shape_cast %broadcast_in_dim3A_127 : vector<16x1xi32> to vector<16xi32>
          %gather3A_128 = tpu.dynamic_gather %get3A_125[%gather3A] in [0] : vector<16xf32>, vector<16xi32> -> vector<16xf32>
          %mul3A_129 = arith.constant 16 : i32
          %mul3A_130 = arith.muli %scan3A_119, %mul3A_129 : i32
          %add3A_131 = arith.constant 0 : i32
          %add3A_132 = arith.addi %mul3A_130, %add3A_131 : i32
          %get3A_133 = arith.constant 1 : i32
          %get3A_134 = arith.index_cast %get3A_133 : i32 to index
          %get3A_135 = arith.index_cast %add3A_132 : i32 to index
          %get3A_136 = arith.constant 0 : index
          %get3A_137 = tpu.vector_load %arg10[%get3A_134, %get3A_135, %get3A_136] {strides = array<i32>} : memref<2x128x32xf32, #tpu.memory_space<vmem>>, vector<1x1x16xf32>,
          %get3A_138 = vector.shape_cast %get3A_137 : vector<1x1x16xf32> to vector<16xf32>
          %mul3A_139 = arith.mulf %get3A_138, %gather3A_128 : vector<16xf32>
          %swap3A = arith.constant 1 : i32
          %swap3A_140 = arith.index_cast %swap3A : i32 to index
          %swap3A_141 = arith.index_cast %add3A_132 : i32 to index
          %swap3A_142 = arith.constant 0 : index
          %swap3A_143 = tpu.vector_load %arg10[%swap3A_140, %swap3A_141, %swap3A_142] {strides = array<i32>} : memref<2x128x32xf32, #tpu.memory_space<vmem>>, vector<1x1x16xf32>,
          %swap3A_144 = vector.shape_cast %swap3A_143 : vector<1x1x16xf32> to vector<16xf32>
          %swap3A_145 = vector.shape_cast %mul3A_139 : vector<16xf32> to vector<1x1x16xf32>
          tpu.vector_store %arg10[%swap3A_140, %swap3A_141, %swap3A_142], %swap3A_145 {strides = array<i32>} : memref<2x128x32xf32, #tpu.memory_space<vmem>>, vector<1x1x16xf32>,
          %get3A_146 = arith.constant 1 : i32
          %get3A_147 = arith.index_cast %get3A_146 : i32 to index
          %get3A_148 = arith.index_cast %add3A_132 : i32 to index
          %get3A_149 = arith.constant 16 : index
          %get3A_150 = tpu.vector_load %arg10[%get3A_147, %get3A_148, %get3A_149] {strides = array<i32>} : memref<2x128x32xf32, #tpu.memory_space<vmem>>, vector<1x1x16xf32>,
          %get3A_151 = vector.shape_cast %get3A_150 : vector<1x1x16xf32> to vector<16xf32>
          %mul3A_152 = arith.mulf %get3A_151, %gather3A_128 : vector<16xf32>
          %swap3A_153 = arith.constant 1 : i32
          %swap3A_154 = arith.index_cast %swap3A_153 : i32 to index
          %swap3A_155 = arith.index_cast %add3A_132 : i32 to index
          %swap3A_156 = arith.constant 16 : index
          %swap3A_157 = tpu.vector_load %arg10[%swap3A_154, %swap3A_155, %swap3A_156] {strides = array<i32>} : memref<2x128x32xf32, #tpu.memory_space<vmem>>, vector<1x1x16xf32>,
          %swap3A_158 = vector.shape_cast %swap3A_157 : vector<1x1x16xf32> to vector<16xf32>
          %swap3A_159 = vector.shape_cast %mul3A_152 : vector<16xf32> to vector<1x1x16xf32>
          tpu.vector_store %arg10[%swap3A_154, %swap3A_155, %swap3A_156], %swap3A_159 {strides = array<i32>} : memref<2x128x32xf32, #tpu.memory_space<vmem>>, vector<1x1x16xf32>,
          %broadcast_in_dim3A_160 = arith.constant 1 : i32
          %broadcast_in_dim3A_161 = vector.broadcast %broadcast_in_dim3A_160 : i32 to vector<16x1xi32>
          %gather3A_162 = vector.shape_cast %broadcast_in_dim3A_161 : vector<16x1xi32> to vector<16xi32>
          %gather3A_163 = tpu.dynamic_gather %get3A_125[%gather3A_162] in [0] : vector<16xf32>, vector<16xi32> -> vector<16xf32>
          %mul3A_164 = arith.constant 16 : i32
          %mul3A_165 = arith.muli %scan3A_119, %mul3A_164 : i32
          %add3A_166 = arith.constant 1 : i32
          %add3A_167 = arith.addi %mul3A_165, %add3A_166 : i32
          %get3A_168 = arith.constant 1 : i32
          %get3A_169 = arith.index_cast %get3A_168 : i32 to index
          %get3A_170 = arith.index_cast %add3A_167 : i32 to index
          %get3A_171 = arith.constant 0 : index
          %get3A_172 = tpu.vector_load %arg10[%get3A_169, %get3A_170, %get3A_171] {strides = array<i32>} : memref<2x128x32xf32, #tpu.memory_space<vmem>>, vector<1x1x16xf32>,
          %get3A_173 = vector.shape_cast %get3A_172 : vector<1x1x16xf32> to vector<16xf32>
          %mul3A_174 = arith.mulf %get3A_173, %gather3A_163 : vector<16xf32>
          %swap3A_175 = arith.constant 1 : i32
          %swap3A_176 = arith.index_cast %swap3A_175 : i32 to index
          %swap3A_177 = arith.index_cast %add3A_167 : i32 to index
          %swap3A_178 = arith.constant 0 : index
          %swap3A_179 = tpu.vector_load %arg10[%swap3A_176, %swap3A_177, %swap3A_178] {strides = array<i32>} : memref<2x128x32xf32, #tpu.memory_space<vmem>>, vector<1x1x16xf32>,
          %swap3A_180 = vector.shape_cast %swap3A_179 : vector<1x1x16xf32> to vector<16xf32>
          %swap3A_181 = vector.shape_cast %mul3A_174 : vector<16xf32> to vector<1x1x16xf32>
          tpu.vector_store %arg10[%swap3A_176, %swap3A_177, %swap3A_178], %swap3A_181 {strides = array<i32>} : memref<2x128x32xf32, #tpu.memory_space<vmem>>, vector<1x1x16xf32>,
          %get3A_182 = arith.constant 1 : i32
          %get3A_183 = arith.index_cast %get3A_182 : i32 to index
          %get3A_184 = arith.index_cast %add3A_167 : i32 to index
          %get3A_185 = arith.constant 16 : index
          %get3A_186 = tpu.vector_load %arg10[%get3A_183, %get3A_184, %get3A_185] {strides = array<i32>} : memref<2x128x32xf32, #tpu.memory_space<vmem>>, vector<1x1x16xf32>,
          %get3A_187 = vector.shape_cast %get3A_186 : vector<1x1x16xf32> to vector<16xf32>
          %mul3A_188 = arith.mulf %get3A_187, %gather3A_163 : vector<16xf32>
          %swap3A_189 = arith.constant 1 : i32
          %swap3A_190 = arith.index_cast %swap3A_189 : i32 to index
          %swap3A_191 = arith.index_cast %add3A_167 : i32 to index
          %swap3A_192 = arith.constant 16 : index
          %swap3A_193 = tpu.vector_load %arg10[%swap3A_190, %swap3A_191, %swap3A_192] {strides = array<i32>} : memref<2x128x32xf32, #tpu.memory_space<vmem>>, vector<1x1x16xf32>,
          %swap3A_194 = vector.shape_cast %swap3A_193 : vector<1x1x16xf32> to vector<16xf32>
          %swap3A_195 = vector.shape_cast %mul3A_188 : vector<16xf32> to vector<1x1x16xf32>
          tpu.vector_store %arg10[%swap3A_190, %swap3A_191, %swap3A_192], %swap3A_195 {strides = array<i32>} : memref<2x128x32xf32, #tpu.memory_space<vmem>>, vector<1x1x16xf32>,
          %broadcast_in_dim3A_196 = arith.constant 2 : i32
          %broadcast_in_dim3A_197 = vector.broadcast %broadcast_in_dim3A_196 : i32 to vector<16x1xi32>
          %gather3A_198 = vector.shape_cast %broadcast_in_dim3A_197 : vector<16x1xi32> to vector<16xi32>
          %gather3A_199 = tpu.dynamic_gather %get3A_125[%gather3A_198] in [0] : vector<16xf32>, vector<16xi32> -> vector<16xf32>
          %mul3A_200 = arith.constant 16 : i32
          %mul3A_201 = arith.muli %scan3A_119, %mul3A_200 : i32
          %add3A_202 = arith.constant 2 : i32
          %add3A_203 = arith.addi %mul3A_201, %add3A_202 : i32
          %get3A_204 = arith.constant 1 : i32
          %get3A_205 = arith.index_cast %get3A_204 : i32 to index
          %get3A_206 = arith.index_cast %add3A_203 : i32 to index
          %get3A_207 = arith.constant 0 : index
          %get3A_208 = tpu.vector_load %arg10[%get3A_205, %get3A_206, %get3A_207] {strides = array<i32>} : memref<2x128x32xf32, #tpu.memory_space<vmem>>, vector<1x1x16xf32>,
          %get3A_209 = vector.shape_cast %get3A_208 : vector<1x1x16xf32> to vector<16xf32>
          %mul3A_210 = arith.mulf %get3A_209, %gather3A_199 : vector<16xf32>
          %swap3A_211 = arith.constant 1 : i32
          %swap3A_212 = arith.index_cast %swap3A_211 : i32 to index
          %swap3A_213 = arith.index_cast %add3A_203 : i32 to index
          %swap3A_214 = arith.constant 0 : index
          %swap3A_215 = tpu.vector_load %arg10[%swap3A_212, %swap3A_213, %swap3A_214] {strides = array<i32>} : memref<2x128x32xf32, #tpu.memory_space<vmem>>, vector<1x1x16xf32>,
          %swap3A_216 = vector.shape_cast %swap3A_215 : vector<1x1x16xf32> to vector<16xf32>
          %swap3A_217 = vector.shape_cast %mul3A_210 : vector<16xf32> to vector<1x1x16xf32>
          tpu.vector_store %arg10[%swap3A_212, %swap3A_213, %swap3A_214], %swap3A_217 {strides = array<i32>} : memref<2x128x32xf32, #tpu.memory_space<vmem>>, vector<1x1x16xf32>,
          %get3A_218 = arith.constant 1 : i32
          %get3A_219 = arith.index_cast %get3A_218 : i32 to index
          %get3A_220 = arith.index_cast %add3A_203 : i32 to index
          %get3A_221 = arith.constant 16 : index
          %get3A_222 = tpu.vector_load %arg10[%get3A_219, %get3A_220, %get3A_221] {strides = array<i32>} : memref<2x128x32xf32, #tpu.memory_space<vmem>>, vector<1x1x16xf32>,
          %get3A_223 = vector.shape_cast %get3A_222 : vector<1x1x16xf32> to vector<16xf32>
          %mul3A_224 = arith.mulf %get3A_223, %gather3A_199 : vector<16xf32>
          %swap3A_225 = arith.constant 1 : i32
          %swap3A_226 = arith.index_cast %swap3A_225 : i32 to index
          %swap3A_227 = arith.index_cast %add3A_203 : i32 to index
          %swap3A_228 = arith.constant 16 : index
          %swap3A_229 = tpu.vector_load %arg10[%swap3A_226, %swap3A_227, %swap3A_228] {strides = array<i32>} : memref<2x128x32xf32, #tpu.memory_space<vmem>>, vector<1x1x16xf32>,
          %swap3A_230 = vector.shape_cast %swap3A_229 : vector<1x1x16xf32> to vector<16xf32>
          %swap3A_231 = vector.shape_cast %mul3A_224 : vector<16xf32> to vector<1x1x16xf32>
          tpu.vector_store %arg10[%swap3A_226, %swap3A_227, %swap3A_228], %swap3A_231 {strides = array<i32>} : memref<2x128x32xf32, #tpu.memory_space<vmem>>, vector<1x1x16xf32>,
          %broadcast_in_dim3A_232 = arith.constant 3 : i32
          %broadcast_in_dim3A_233 = vector.broadcast %broadcast_in_dim3A_232 : i32 to vector<16x1xi32>
          %gather3A_234 = vector.shape_cast %broadcast_in_dim3A_233 : vector<16x1xi32> to vector<16xi32>
          %gather3A_235 = tpu.dynamic_gather %get3A_125[%gather3A_234] in [0] : vector<16xf32>, vector<16xi32> -> vector<16xf32>
          %mul3A_236 = arith.constant 16 : i32
          %mul3A_237 = arith.muli %scan3A_119, %mul3A_236 : i32
          %add3A_238 = arith.constant 3 : i32
          %add3A_239 = arith.addi %mul3A_237, %add3A_238 : i32
          %get3A_240 = arith.constant 1 : i32
          %get3A_241 = arith.index_cast %get3A_240 : i32 to index
          %get3A_242 = arith.index_cast %add3A_239 : i32 to index
          %get3A_243 = arith.constant 0 : index
          %get3A_244 = tpu.vector_load %arg10[%get3A_241, %get3A_242, %get3A_243] {strides = array<i32>} : memref<2x128x32xf32, #tpu.memory_space<vmem>>, vector<1x1x16xf32>,
          %get3A_245 = vector.shape_cast %get3A_244 : vector<1x1x16xf32> to vector<16xf32>
          %mul3A_246 = arith.mulf %get3A_245, %gather3A_235 : vector<16xf32>
          %swap3A_247 = arith.constant 1 : i32
          %swap3A_248 = arith.index_cast %swap3A_247 : i32 to index
          %swap3A_249 = arith.index_cast %add3A_239 : i32 to index
          %swap3A_250 = arith.constant 0 : index
          %swap3A_251 = tpu.vector_load %arg10[%swap3A_248, %swap3A_249, %swap3A_250] {strides = array<i32>} : memref<2x128x32xf32, #tpu.memory_space<vmem>>, vector<1x1x16xf32>,
          %swap3A_252 = vector.shape_cast %swap3A_251 : vector<1x1x16xf32> to vector<16xf32>
          %swap3A_253 = vector.shape_cast %mul3A_246 : vector<16xf32> to vector<1x1x16xf32>
          tpu.vector_store %arg10[%swap3A_248, %swap3A_249, %swap3A_250], %swap3A_253 {strides = array<i32>} : memref<2x128x32xf32, #tpu.memory_space<vmem>>, vector<1x1x16xf32>,
          %get3A_254 = arith.constant 1 : i32
          %get3A_255 = arith.index_cast %get3A_254 : i32 to index
          %get3A_256 = arith.index_cast %add3A_239 : i32 to index
          %get3A_257 = arith.constant 16 : index
          %get3A_258 = tpu.vector_load %arg10[%get3A_255, %get3A_256, %get3A_257] {strides = array<i32>} : memref<2x128x32xf32, #tpu.memory_space<vmem>>, vector<1x1x16xf32>,
          %get3A_259 = vector.shape_cast %get3A_258 : vector<1x1x16xf32> to vector<16xf32>
          %mul3A_260 = arith.mulf %get3A_259, %gather3A_235 : vector<16xf32>
          %swap3A_261 = arith.constant 1 : i32
          %swap3A_262 = arith.index_cast %swap3A_261 : i32 to index
          %swap3A_263 = arith.index_cast %add3A_239 : i32 to index
          %swap3A_264 = arith.constant 16 : index
          %swap3A_265 = tpu.vector_load %arg10[%swap3A_262, %swap3A_263, %swap3A_264] {strides = array<i32>} : memref<2x128x32xf32, #tpu.memory_space<vmem>>, vector<1x1x16xf32>,
          %swap3A_266 = vector.shape_cast %swap3A_265 : vector<1x1x16xf32> to vector<16xf32>
          %swap3A_267 = vector.shape_cast %mul3A_260 : vector<16xf32> to vector<1x1x16xf32>
          tpu.vector_store %arg10[%swap3A_262, %swap3A_263, %swap3A_264], %swap3A_267 {strides = array<i32>} : memref<2x128x32xf32, #tpu.memory_space<vmem>>, vector<1x1x16xf32>,
          %broadcast_in_dim3A_268 = arith.constant 4 : i32
          %broadcast_in_dim3A_269 = vector.broadcast %broadcast_in_dim3A_268 : i32 to vector<16x1xi32>
          %gather3A_270 = vector.shape_cast %broadcast_in_dim3A_269 : vector<16x1xi32> to vector<16xi32>
          %gather3A_271 = tpu.dynamic_gather %get3A_125[%gather3A_270] in [0] : vector<16xf32>, vector<16xi32> -> vector<16xf32>
          %mul3A_272 = arith.constant 16 : i32
          %mul3A_273 = arith.muli %scan3A_119, %mul3A_272 : i32
          %add3A_274 = arith.constant 4 : i32
          %add3A_275 = arith.addi %mul3A_273, %add3A_274 : i32
          %get3A_276 = arith.constant 1 : i32
          %get3A_277 = arith.index_cast %get3A_276 : i32 to index
          %get3A_278 = arith.index_cast %add3A_275 : i32 to index
          %get3A_279 = arith.constant 0 : index
          %get3A_280 = tpu.vector_load %arg10[%get3A_277, %get3A_278, %get3A_279] {strides = array<i32>} : memref<2x128x32xf32, #tpu.memory_space<vmem>>, vector<1x1x16xf32>,
          %get3A_281 = vector.shape_cast %get3A_280 : vector<1x1x16xf32> to vector<16xf32>
          %mul3A_282 = arith.mulf %get3A_281, %gather3A_271 : vector<16xf32>
          %swap3A_283 = arith.constant 1 : i32
          %swap3A_284 = arith.index_cast %swap3A_283 : i32 to index
          %swap3A_285 = arith.index_cast %add3A_275 : i32 to index
          %swap3A_286 = arith.constant 0 : index
          %swap3A_287 = tpu.vector_load %arg10[%swap3A_284, %swap3A_285, %swap3A_286] {strides = array<i32>} : memref<2x128x32xf32, #tpu.memory_space<vmem>>, vector<1x1x16xf32>,
          %swap3A_288 = vector.shape_cast %swap3A_287 : vector<1x1x16xf32> to vector<16xf32>
          %swap3A_289 = vector.shape_cast %mul3A_282 : vector<16xf32> to vector<1x1x16xf32>
          tpu.vector_store %arg10[%swap3A_284, %swap3A_285, %swap3A_286], %swap3A_289 {strides = array<i32>} : memref<2x128x32xf32, #tpu.memory_space<vmem>>, vector<1x1x16xf32>,
          %get3A_290 = arith.constant 1 : i32
          %get3A_291 = arith.index_cast %get3A_290 : i32 to index
          %get3A_292 = arith.index_cast %add3A_275 : i32 to index
          %get3A_293 = arith.constant 16 : index
          %get3A_294 = tpu.vector_load %arg10[%get3A_291, %get3A_292, %get3A_293] {strides = array<i32>} : memref<2x128x32xf32, #tpu.memory_space<vmem>>, vector<1x1x16xf32>,
          %get3A_295 = vector.shape_cast %get3A_294 : vector<1x1x16xf32> to vector<16xf32>
          %mul3A_296 = arith.mulf %get3A_295, %gather3A_271 : vector<16xf32>
          %swap3A_297 = arith.constant 1 : i32
          %swap3A_298 = arith.index_cast %swap3A_297 : i32 to index
          %swap3A_299 = arith.index_cast %add3A_275 : i32 to index
          %swap3A_300 = arith.constant 16 : index
          %swap3A_301 = tpu.vector_load %arg10[%swap3A_298, %swap3A_299, %swap3A_300] {strides = array<i32>} : memref<2x128x32xf32, #tpu.memory_space<vmem>>, vector<1x1x16xf32>,
          %swap3A_302 = vector.shape_cast %swap3A_301 : vector<1x1x16xf32> to vector<16xf32>
          %swap3A_303 = vector.shape_cast %mul3A_296 : vector<16xf32> to vector<1x1x16xf32>
          tpu.vector_store %arg10[%swap3A_298, %swap3A_299, %swap3A_300], %swap3A_303 {strides = array<i32>} : memref<2x128x32xf32, #tpu.memory_space<vmem>>, vector<1x1x16xf32>,
          %broadcast_in_dim3A_304 = arith.constant 5 : i32
          %broadcast_in_dim3A_305 = vector.broadcast %broadcast_in_dim3A_304 : i32 to vector<16x1xi32>
          %gather3A_306 = vector.shape_cast %broadcast_in_dim3A_305 : vector<16x1xi32> to vector<16xi32>
          %gather3A_307 = tpu.dynamic_gather %get3A_125[%gather3A_306] in [0] : vector<16xf32>, vector<16xi32> -> vector<16xf32>
          %mul3A_308 = arith.constant 16 : i32
          %mul3A_309 = arith.muli %scan3A_119, %mul3A_308 : i32
          %add3A_310 = arith.constant 5 : i32
          %add3A_311 = arith.addi %mul3A_309, %add3A_310 : i32
          %get3A_312 = arith.constant 1 : i32
          %get3A_313 = arith.index_cast %get3A_312 : i32 to index
          %get3A_314 = arith.index_cast %add3A_311 : i32 to index
          %get3A_315 = arith.constant 0 : index
          %get3A_316 = tpu.vector_load %arg10[%get3A_313, %get3A_314, %get3A_315] {strides = array<i32>} : memref<2x128x32xf32, #tpu.memory_space<vmem>>, vector<1x1x16xf32>,
          %get3A_317 = vector.shape_cast %get3A_316 : vector<1x1x16xf32> to vector<16xf32>
          %mul3A_318 = arith.mulf %get3A_317, %gather3A_307 : vector<16xf32>
          %swap3A_319 = arith.constant 1 : i32
          %swap3A_320 = arith.index_cast %swap3A_319 : i32 to index
          %swap3A_321 = arith.index_cast %add3A_311 : i32 to index
          %swap3A_322 = arith.constant 0 : index
          %swap3A_323 = tpu.vector_load %arg10[%swap3A_320, %swap3A_321, %swap3A_322] {strides = array<i32>} : memref<2x128x32xf32, #tpu.memory_space<vmem>>, vector<1x1x16xf32>,
          %swap3A_324 = vector.shape_cast %swap3A_323 : vector<1x1x16xf32> to vector<16xf32>
          %swap3A_325 = vector.shape_cast %mul3A_318 : vector<16xf32> to vector<1x1x16xf32>
          tpu.vector_store %arg10[%swap3A_320, %swap3A_321, %swap3A_322], %swap3A_325 {strides = array<i32>} : memref<2x128x32xf32, #tpu.memory_space<vmem>>, vector<1x1x16xf32>,
          %get3A_326 = arith.constant 1 : i32
          %get3A_327 = arith.index_cast %get3A_326 : i32 to index
          %get3A_328 = arith.index_cast %add3A_311 : i32 to index
          %get3A_329 = arith.constant 16 : index
          %get3A_330 = tpu.vector_load %arg10[%get3A_327, %get3A_328, %get3A_329] {strides = array<i32>} : memref<2x128x32xf32, #tpu.memory_space<vmem>>, vector<1x1x16xf32>,
          %get3A_331 = vector.shape_cast %get3A_330 : vector<1x1x16xf32> to vector<16xf32>
          %mul3A_332 = arith.mulf %get3A_331, %gather3A_307 : vector<16xf32>
          %swap3A_333 = arith.constant 1 : i32
          %swap3A_334 = arith.index_cast %swap3A_333 : i32 to index
          %swap3A_335 = arith.index_cast %add3A_311 : i32 to index
          %swap3A_336 = arith.constant 16 : index
          %swap3A_337 = tpu.vector_load %arg10[%swap3A_334, %swap3A_335, %swap3A_336] {strides = array<i32>} : memref<2x128x32xf32, #tpu.memory_space<vmem>>, vector<1x1x16xf32>,
          %swap3A_338 = vector.shape_cast %swap3A_337 : vector<1x1x16xf32> to vector<16xf32>
          %swap3A_339 = vector.shape_cast %mul3A_332 : vector<16xf32> to vector<1x1x16xf32>
          tpu.vector_store %arg10[%swap3A_334, %swap3A_335, %swap3A_336], %swap3A_339 {strides = array<i32>} : memref<2x128x32xf32, #tpu.memory_space<vmem>>, vector<1x1x16xf32>,
          %broadcast_in_dim3A_340 = arith.constant 6 : i32
          %broadcast_in_dim3A_341 = vector.broadcast %broadcast_in_dim3A_340 : i32 to vector<16x1xi32>
          %gather3A_342 = vector.shape_cast %broadcast_in_dim3A_341 : vector<16x1xi32> to vector<16xi32>
          %gather3A_343 = tpu.dynamic_gather %get3A_125[%gather3A_342] in [0] : vector<16xf32>, vector<16xi32> -> vector<16xf32>
          %mul3A_344 = arith.constant 16 : i32
          %mul3A_345 = arith.muli %scan3A_119, %mul3A_344 : i32
          %add3A_346 = arith.constant 6 : i32
          %add3A_347 = arith.addi %mul3A_345, %add3A_346 : i32
          %get3A_348 = arith.constant 1 : i32
          %get3A_349 = arith.index_cast %get3A_348 : i32 to index
          %get3A_350 = arith.index_cast %add3A_347 : i32 to index
          %get3A_351 = arith.constant 0 : index
          %get3A_352 = tpu.vector_load %arg10[%get3A_349, %get3A_350, %get3A_351] {strides = array<i32>} : memref<2x128x32xf32, #tpu.memory_space<vmem>>, vector<1x1x16xf32>,
          %get3A_353 = vector.shape_cast %get3A_352 : vector<1x1x16xf32> to vector<16xf32>
          %mul3A_354 = arith.mulf %get3A_353, %gather3A_343 : vector<16xf32>
          %swap3A_355 = arith.constant 1 : i32
          %swap3A_356 = arith.index_cast %swap3A_355 : i32 to index
          %swap3A_357 = arith.index_cast %add3A_347 : i32 to index
          %swap3A_358 = arith.constant 0 : index
          %swap3A_359 = tpu.vector_load %arg10[%swap3A_356, %swap3A_357, %swap3A_358] {strides = array<i32>} : memref<2x128x32xf32, #tpu.memory_space<vmem>>, vector<1x1x16xf32>,
          %swap3A_360 = vector.shape_cast %swap3A_359 : vector<1x1x16xf32> to vector<16xf32>
          %swap3A_361 = vector.shape_cast %mul3A_354 : vector<16xf32> to vector<1x1x16xf32>
          tpu.vector_store %arg10[%swap3A_356, %swap3A_357, %swap3A_358], %swap3A_361 {strides = array<i32>} : memref<2x128x32xf32, #tpu.memory_space<vmem>>, vector<1x1x16xf32>,
          %get3A_362 = arith.constant 1 : i32
          %get3A_363 = arith.index_cast %get3A_362 : i32 to index
          %get3A_364 = arith.index_cast %add3A_347 : i32 to index
          %get3A_365 = arith.constant 16 : index
          %get3A_366 = tpu.vector_load %arg10[%get3A_363, %get3A_364, %get3A_365] {strides = array<i32>} : memref<2x128x32xf32, #tpu.memory_space<vmem>>, vector<1x1x16xf32>,
          %get3A_367 = vector.shape_cast %get3A_366 : vector<1x1x16xf32> to vector<16xf32>
          %mul3A_368 = arith.mulf %get3A_367, %gather3A_343 : vector<16xf32>
          %swap3A_369 = arith.constant 1 : i32
          %swap3A_370 = arith.index_cast %swap3A_369 : i32 to index
          %swap3A_371 = arith.index_cast %add3A_347 : i32 to index
          %swap3A_372 = arith.constant 16 : index
          %swap3A_373 = tpu.vector_load %arg10[%swap3A_370, %swap3A_371, %swap3A_372] {strides = array<i32>} : memref<2x128x32xf32, #tpu.memory_space<vmem>>, vector<1x1x16xf32>,
          %swap3A_374 = vector.shape_cast %swap3A_373 : vector<1x1x16xf32> to vector<16xf32>
          %swap3A_375 = vector.shape_cast %mul3A_368 : vector<16xf32> to vector<1x1x16xf32>
          tpu.vector_store %arg10[%swap3A_370, %swap3A_371, %swap3A_372], %swap3A_375 {strides = array<i32>} : memref<2x128x32xf32, #tpu.memory_space<vmem>>, vector<1x1x16xf32>,
          %broadcast_in_dim3A_376 = arith.constant 7 : i32
          %broadcast_in_dim3A_377 = vector.broadcast %broadcast_in_dim3A_376 : i32 to vector<16x1xi32>
          %gather3A_378 = vector.shape_cast %broadcast_in_dim3A_377 : vector<16x1xi32> to vector<16xi32>
          %gather3A_379 = tpu.dynamic_gather %get3A_125[%gather3A_378] in [0] : vector<16xf32>, vector<16xi32> -> vector<16xf32>
          %mul3A_380 = arith.constant 16 : i32
          %mul3A_381 = arith.muli %scan3A_119, %mul3A_380 : i32
          %add3A_382 = arith.constant 7 : i32
          %add3A_383 = arith.addi %mul3A_381, %add3A_382 : i32
          %get3A_384 = arith.constant 1 : i32
          %get3A_385 = arith.index_cast %get3A_384 : i32 to index
          %get3A_386 = arith.index_cast %add3A_383 : i32 to index
          %get3A_387 = arith.constant 0 : index
          %get3A_388 = tpu.vector_load %arg10[%get3A_385, %get3A_386, %get3A_387] {strides = array<i32>} : memref<2x128x32xf32, #tpu.memory_space<vmem>>, vector<1x1x16xf32>,
          %get3A_389 = vector.shape_cast %get3A_388 : vector<1x1x16xf32> to vector<16xf32>
          %mul3A_390 = arith.mulf %get3A_389, %gather3A_379 : vector<16xf32>
          %swap3A_391 = arith.constant 1 : i32
          %swap3A_392 = arith.index_cast %swap3A_391 : i32 to index
          %swap3A_393 = arith.index_cast %add3A_383 : i32 to index
          %swap3A_394 = arith.constant 0 : index
          %swap3A_395 = tpu.vector_load %arg10[%swap3A_392, %swap3A_393, %swap3A_394] {strides = array<i32>} : memref<2x128x32xf32, #tpu.memory_space<vmem>>, vector<1x1x16xf32>,
          %swap3A_396 = vector.shape_cast %swap3A_395 : vector<1x1x16xf32> to vector<16xf32>
          %swap3A_397 = vector.shape_cast %mul3A_390 : vector<16xf32> to vector<1x1x16xf32>
          tpu.vector_store %arg10[%swap3A_392, %swap3A_393, %swap3A_394], %swap3A_397 {strides = array<i32>} : memref<2x128x32xf32, #tpu.memory_space<vmem>>, vector<1x1x16xf32>,
          %get3A_398 = arith.constant 1 : i32
          %get3A_399 = arith.index_cast %get3A_398 : i32 to index
          %get3A_400 = arith.index_cast %add3A_383 : i32 to index
          %get3A_401 = arith.constant 16 : index
          %get3A_402 = tpu.vector_load %arg10[%get3A_399, %get3A_400, %get3A_401] {strides = array<i32>} : memref<2x128x32xf32, #tpu.memory_space<vmem>>, vector<1x1x16xf32>,
          %get3A_403 = vector.shape_cast %get3A_402 : vector<1x1x16xf32> to vector<16xf32>
          %mul3A_404 = arith.mulf %get3A_403, %gather3A_379 : vector<16xf32>
          %swap3A_405 = arith.constant 1 : i32
          %swap3A_406 = arith.index_cast %swap3A_405 : i32 to index
          %swap3A_407 = arith.index_cast %add3A_383 : i32 to index
          %swap3A_408 = arith.constant 16 : index
          %swap3A_409 = tpu.vector_load %arg10[%swap3A_406, %swap3A_407, %swap3A_408] {strides = array<i32>} : memref<2x128x32xf32, #tpu.memory_space<vmem>>, vector<1x1x16xf32>,
          %swap3A_410 = vector.shape_cast %swap3A_409 : vector<1x1x16xf32> to vector<16xf32>
          %swap3A_411 = vector.shape_cast %mul3A_404 : vector<16xf32> to vector<1x1x16xf32>
          tpu.vector_store %arg10[%swap3A_406, %swap3A_407, %swap3A_408], %swap3A_411 {strides = array<i32>} : memref<2x128x32xf32, #tpu.memory_space<vmem>>, vector<1x1x16xf32>,
          %broadcast_in_dim3A_412 = arith.constant 8 : i32
          %broadcast_in_dim3A_413 = vector.broadcast %broadcast_in_dim3A_412 : i32 to vector<16x1xi32>
          %gather3A_414 = vector.shape_cast %broadcast_in_dim3A_413 : vector<16x1xi32> to vector<16xi32>
          %gather3A_415 = tpu.dynamic_gather %get3A_125[%gather3A_414] in [0] : vector<16xf32>, vector<16xi32> -> vector<16xf32>
          %mul3A_416 = arith.constant 16 : i32
          %mul3A_417 = arith.muli %scan3A_119, %mul3A_416 : i32
          %add3A_418 = arith.constant 8 : i32
          %add3A_419 = arith.addi %mul3A_417, %add3A_418 : i32
          %get3A_420 = arith.constant 1 : i32
          %get3A_421 = arith.index_cast %get3A_420 : i32 to index
          %get3A_422 = arith.index_cast %add3A_419 : i32 to index
          %get3A_423 = arith.constant 0 : index
          %get3A_424 = tpu.vector_load %arg10[%get3A_421, %get3A_422, %get3A_423] {strides = array<i32>} : memref<2x128x32xf32, #tpu.memory_space<vmem>>, vector<1x1x16xf32>,
          %get3A_425 = vector.shape_cast %get3A_424 : vector<1x1x16xf32> to vector<16xf32>
          %mul3A_426 = arith.mulf %get3A_425, %gather3A_415 : vector<16xf32>
          %swap3A_427 = arith.constant 1 : i32
          %swap3A_428 = arith.index_cast %swap3A_427 : i32 to index
          %swap3A_429 = arith.index_cast %add3A_419 : i32 to index
          %swap3A_430 = arith.constant 0 : index
          %swap3A_431 = tpu.vector_load %arg10[%swap3A_428, %swap3A_429, %swap3A_430] {strides = array<i32>} : memref<2x128x32xf32, #tpu.memory_space<vmem>>, vector<1x1x16xf32>,
          %swap3A_432 = vector.shape_cast %swap3A_431 : vector<1x1x16xf32> to vector<16xf32>
          %swap3A_433 = vector.shape_cast %mul3A_426 : vector<16xf32> to vector<1x1x16xf32>
          tpu.vector_store %arg10[%swap3A_428, %swap3A_429, %swap3A_430], %swap3A_433 {strides = array<i32>} : memref<2x128x32xf32, #tpu.memory_space<vmem>>, vector<1x1x16xf32>,
          %get3A_434 = arith.constant 1 : i32
          %get3A_435 = arith.index_cast %get3A_434 : i32 to index
          %get3A_436 = arith.index_cast %add3A_419 : i32 to index
          %get3A_437 = arith.constant 16 : index
          %get3A_438 = tpu.vector_load %arg10[%get3A_435, %get3A_436, %get3A_437] {strides = array<i32>} : memref<2x128x32xf32, #tpu.memory_space<vmem>>, vector<1x1x16xf32>,
          %get3A_439 = vector.shape_cast %get3A_438 : vector<1x1x16xf32> to vector<16xf32>
          %mul3A_440 = arith.mulf %get3A_439, %gather3A_415 : vector<16xf32>
          %swap3A_441 = arith.constant 1 : i32
          %swap3A_442 = arith.index_cast %swap3A_441 : i32 to index
          %swap3A_443 = arith.index_cast %add3A_419 : i32 to index
          %swap3A_444 = arith.constant 16 : index
          %swap3A_445 = tpu.vector_load %arg10[%swap3A_442, %swap3A_443, %swap3A_444] {strides = array<i32>} : memref<2x128x32xf32, #tpu.memory_space<vmem>>, vector<1x1x16xf32>,
          %swap3A_446 = vector.shape_cast %swap3A_445 : vector<1x1x16xf32> to vector<16xf32>
          %swap3A_447 = vector.shape_cast %mul3A_440 : vector<16xf32> to vector<1x1x16xf32>
          tpu.vector_store %arg10[%swap3A_442, %swap3A_443, %swap3A_444], %swap3A_447 {strides = array<i32>} : memref<2x128x32xf32, #tpu.memory_space<vmem>>, vector<1x1x16xf32>,
          %broadcast_in_dim3A_448 = arith.constant 9 : i32
          %broadcast_in_dim3A_449 = vector.broadcast %broadcast_in_dim3A_448 : i32 to vector<16x1xi32>
          %gather3A_450 = vector.shape_cast %broadcast_in_dim3A_449 : vector<16x1xi32> to vector<16xi32>
          %gather3A_451 = tpu.dynamic_gather %get3A_125[%gather3A_450] in [0] : vector<16xf32>, vector<16xi32> -> vector<16xf32>
          %mul3A_452 = arith.constant 16 : i32
          %mul3A_453 = arith.muli %scan3A_119, %mul3A_452 : i32
          %add3A_454 = arith.constant 9 : i32
          %add3A_455 = arith.addi %mul3A_453, %add3A_454 : i32
          %get3A_456 = arith.constant 1 : i32
          %get3A_457 = arith.index_cast %get3A_456 : i32 to index
          %get3A_458 = arith.index_cast %add3A_455 : i32 to index
          %get3A_459 = arith.constant 0 : index
          %get3A_460 = tpu.vector_load %arg10[%get3A_457, %get3A_458, %get3A_459] {strides = array<i32>} : memref<2x128x32xf32, #tpu.memory_space<vmem>>, vector<1x1x16xf32>,
          %get3A_461 = vector.shape_cast %get3A_460 : vector<1x1x16xf32> to vector<16xf32>
          %mul3A_462 = arith.mulf %get3A_461, %gather3A_451 : vector<16xf32>
          %swap3A_463 = arith.constant 1 : i32
          %swap3A_464 = arith.index_cast %swap3A_463 : i32 to index
          %swap3A_465 = arith.index_cast %add3A_455 : i32 to index
          %swap3A_466 = arith.constant 0 : index
          %swap3A_467 = tpu.vector_load %arg10[%swap3A_464, %swap3A_465, %swap3A_466] {strides = array<i32>} : memref<2x128x32xf32, #tpu.memory_space<vmem>>, vector<1x1x16xf32>,
          %swap3A_468 = vector.shape_cast %swap3A_467 : vector<1x1x16xf32> to vector<16xf32>
          %swap3A_469 = vector.shape_cast %mul3A_462 : vector<16xf32> to vector<1x1x16xf32>
          tpu.vector_store %arg10[%swap3A_464, %swap3A_465, %swap3A_466], %swap3A_469 {strides = array<i32>} : memref<2x128x32xf32, #tpu.memory_space<vmem>>, vector<1x1x16xf32>,
          %get3A_470 = arith.constant 1 : i32
          %get3A_471 = arith.index_cast %get3A_470 : i32 to index
          %get3A_472 = arith.index_cast %add3A_455 : i32 to index
          %get3A_473 = arith.constant 16 : index
          %get3A_474 = tpu.vector_load %arg10[%get3A_471, %get3A_472, %get3A_473] {strides = array<i32>} : memref<2x128x32xf32, #tpu.memory_space<vmem>>, vector<1x1x16xf32>,
          %get3A_475 = vector.shape_cast %get3A_474 : vector<1x1x16xf32> to vector<16xf32>
          %mul3A_476 = arith.mulf %get3A_475, %gather3A_451 : vector<16xf32>
          %swap3A_477 = arith.constant 1 : i32
          %swap3A_478 = arith.index_cast %swap3A_477 : i32 to index
          %swap3A_479 = arith.index_cast %add3A_455 : i32 to index
          %swap3A_480 = arith.constant 16 : index
          %swap3A_481 = tpu.vector_load %arg10[%swap3A_478, %swap3A_479, %swap3A_480] {strides = array<i32>} : memref<2x128x32xf32, #tpu.memory_space<vmem>>, vector<1x1x16xf32>,
          %swap3A_482 = vector.shape_cast %swap3A_481 : vector<1x1x16xf32> to vector<16xf32>
          %swap3A_483 = vector.shape_cast %mul3A_476 : vector<16xf32> to vector<1x1x16xf32>
          tpu.vector_store %arg10[%swap3A_478, %swap3A_479, %swap3A_480], %swap3A_483 {strides = array<i32>} : memref<2x128x32xf32, #tpu.memory_space<vmem>>, vector<1x1x16xf32>,
          %broadcast_in_dim3A_484 = arith.constant 10 : i32
          %broadcast_in_dim3A_485 = vector.broadcast %broadcast_in_dim3A_484 : i32 to vector<16x1xi32>
          %gather3A_486 = vector.shape_cast %broadcast_in_dim3A_485 : vector<16x1xi32> to vector<16xi32>
          %gather3A_487 = tpu.dynamic_gather %get3A_125[%gather3A_486] in [0] : vector<16xf32>, vector<16xi32> -> vector<16xf32>
          %mul3A_488 = arith.constant 16 : i32
          %mul3A_489 = arith.muli %scan3A_119, %mul3A_488 : i32
          %add3A_490 = arith.constant 10 : i32
          %add3A_491 = arith.addi %mul3A_489, %add3A_490 : i32
          %get3A_492 = arith.constant 1 : i32
          %get3A_493 = arith.index_cast %get3A_492 : i32 to index
          %get3A_494 = arith.index_cast %add3A_491 : i32 to index
          %get3A_495 = arith.constant 0 : index
          %get3A_496 = tpu.vector_load %arg10[%get3A_493, %get3A_494, %get3A_495] {strides = array<i32>} : memref<2x128x32xf32, #tpu.memory_space<vmem>>, vector<1x1x16xf32>,
          %get3A_497 = vector.shape_cast %get3A_496 : vector<1x1x16xf32> to vector<16xf32>
          %mul3A_498 = arith.mulf %get3A_497, %gather3A_487 : vector<16xf32>
          %swap3A_499 = arith.constant 1 : i32
          %swap3A_500 = arith.index_cast %swap3A_499 : i32 to index
          %swap3A_501 = arith.index_cast %add3A_491 : i32 to index
          %swap3A_502 = arith.constant 0 : index
          %swap3A_503 = tpu.vector_load %arg10[%swap3A_500, %swap3A_501, %swap3A_502] {strides = array<i32>} : memref<2x128x32xf32, #tpu.memory_space<vmem>>, vector<1x1x16xf32>,
          %swap3A_504 = vector.shape_cast %swap3A_503 : vector<1x1x16xf32> to vector<16xf32>
          %swap3A_505 = vector.shape_cast %mul3A_498 : vector<16xf32> to vector<1x1x16xf32>
          tpu.vector_store %arg10[%swap3A_500, %swap3A_501, %swap3A_502], %swap3A_505 {strides = array<i32>} : memref<2x128x32xf32, #tpu.memory_space<vmem>>, vector<1x1x16xf32>,
          %get3A_506 = arith.constant 1 : i32
          %get3A_507 = arith.index_cast %get3A_506 : i32 to index
          %get3A_508 = arith.index_cast %add3A_491 : i32 to index
          %get3A_509 = arith.constant 16 : index
          %get3A_510 = tpu.vector_load %arg10[%get3A_507, %get3A_508, %get3A_509] {strides = array<i32>} : memref<2x128x32xf32, #tpu.memory_space<vmem>>, vector<1x1x16xf32>,
          %get3A_511 = vector.shape_cast %get3A_510 : vector<1x1x16xf32> to vector<16xf32>
          %mul3A_512 = arith.mulf %get3A_511, %gather3A_487 : vector<16xf32>
          %swap3A_513 = arith.constant 1 : i32
          %swap3A_514 = arith.index_cast %swap3A_513 : i32 to index
          %swap3A_515 = arith.index_cast %add3A_491 : i32 to index
          %swap3A_516 = arith.constant 16 : index
          %swap3A_517 = tpu.vector_load %arg10[%swap3A_514, %swap3A_515, %swap3A_516] {strides = array<i32>} : memref<2x128x32xf32, #tpu.memory_space<vmem>>, vector<1x1x16xf32>,
          %swap3A_518 = vector.shape_cast %swap3A_517 : vector<1x1x16xf32> to vector<16xf32>
          %swap3A_519 = vector.shape_cast %mul3A_512 : vector<16xf32> to vector<1x1x16xf32>
          tpu.vector_store %arg10[%swap3A_514, %swap3A_515, %swap3A_516], %swap3A_519 {strides = array<i32>} : memref<2x128x32xf32, #tpu.memory_space<vmem>>, vector<1x1x16xf32>,
          %broadcast_in_dim3A_520 = arith.constant 11 : i32
          %broadcast_in_dim3A_521 = vector.broadcast %broadcast_in_dim3A_520 : i32 to vector<16x1xi32>
          %gather3A_522 = vector.shape_cast %broadcast_in_dim3A_521 : vector<16x1xi32> to vector<16xi32>
          %gather3A_523 = tpu.dynamic_gather %get3A_125[%gather3A_522] in [0] : vector<16xf32>, vector<16xi32> -> vector<16xf32>
          %mul3A_524 = arith.constant 16 : i32
          %mul3A_525 = arith.muli %scan3A_119, %mul3A_524 : i32
          %add3A_526 = arith.constant 11 : i32
          %add3A_527 = arith.addi %mul3A_525, %add3A_526 : i32
          %get3A_528 = arith.constant 1 : i32
          %get3A_529 = arith.index_cast %get3A_528 : i32 to index
          %get3A_530 = arith.index_cast %add3A_527 : i32 to index
          %get3A_531 = arith.constant 0 : index
          %get3A_532 = tpu.vector_load %arg10[%get3A_529, %get3A_530, %get3A_531] {strides = array<i32>} : memref<2x128x32xf32, #tpu.memory_space<vmem>>, vector<1x1x16xf32>,
          %get3A_533 = vector.shape_cast %get3A_532 : vector<1x1x16xf32> to vector<16xf32>
          %mul3A_534 = arith.mulf %get3A_533, %gather3A_523 : vector<16xf32>
          %swap3A_535 = arith.constant 1 : i32
          %swap3A_536 = arith.index_cast %swap3A_535 : i32 to index
          %swap3A_537 = arith.index_cast %add3A_527 : i32 to index
          %swap3A_538 = arith.constant 0 : index
          %swap3A_539 = tpu.vector_load %arg10[%swap3A_536, %swap3A_537, %swap3A_538] {strides = array<i32>} : memref<2x128x32xf32, #tpu.memory_space<vmem>>, vector<1x1x16xf32>,
          %swap3A_540 = vector.shape_cast %swap3A_539 : vector<1x1x16xf32> to vector<16xf32>
          %swap3A_541 = vector.shape_cast %mul3A_534 : vector<16xf32> to vector<1x1x16xf32>
          tpu.vector_store %arg10[%swap3A_536, %swap3A_537, %swap3A_538], %swap3A_541 {strides = array<i32>} : memref<2x128x32xf32, #tpu.memory_space<vmem>>, vector<1x1x16xf32>,
          %get3A_542 = arith.constant 1 : i32
          %get3A_543 = arith.index_cast %get3A_542 : i32 to index
          %get3A_544 = arith.index_cast %add3A_527 : i32 to index
          %get3A_545 = arith.constant 16 : index
          %get3A_546 = tpu.vector_load %arg10[%get3A_543, %get3A_544, %get3A_545] {strides = array<i32>} : memref<2x128x32xf32, #tpu.memory_space<vmem>>, vector<1x1x16xf32>,
          %get3A_547 = vector.shape_cast %get3A_546 : vector<1x1x16xf32> to vector<16xf32>
          %mul3A_548 = arith.mulf %get3A_547, %gather3A_523 : vector<16xf32>
          %swap3A_549 = arith.constant 1 : i32
          %swap3A_550 = arith.index_cast %swap3A_549 : i32 to index
          %swap3A_551 = arith.index_cast %add3A_527 : i32 to index
          %swap3A_552 = arith.constant 16 : index
          %swap3A_553 = tpu.vector_load %arg10[%swap3A_550, %swap3A_551, %swap3A_552] {strides = array<i32>} : memref<2x128x32xf32, #tpu.memory_space<vmem>>, vector<1x1x16xf32>,
          %swap3A_554 = vector.shape_cast %swap3A_553 : vector<1x1x16xf32> to vector<16xf32>
          %swap3A_555 = vector.shape_cast %mul3A_548 : vector<16xf32> to vector<1x1x16xf32>
          tpu.vector_store %arg10[%swap3A_550, %swap3A_551, %swap3A_552], %swap3A_555 {strides = array<i32>} : memref<2x128x32xf32, #tpu.memory_space<vmem>>, vector<1x1x16xf32>,
          %broadcast_in_dim3A_556 = arith.constant 12 : i32
          %broadcast_in_dim3A_557 = vector.broadcast %broadcast_in_dim3A_556 : i32 to vector<16x1xi32>
          %gather3A_558 = vector.shape_cast %broadcast_in_dim3A_557 : vector<16x1xi32> to vector<16xi32>
          %gather3A_559 = tpu.dynamic_gather %get3A_125[%gather3A_558] in [0] : vector<16xf32>, vector<16xi32> -> vector<16xf32>
          %mul3A_560 = arith.constant 16 : i32
          %mul3A_561 = arith.muli %scan3A_119, %mul3A_560 : i32
          %add3A_562 = arith.constant 12 : i32
          %add3A_563 = arith.addi %mul3A_561, %add3A_562 : i32
          %get3A_564 = arith.constant 1 : i32
          %get3A_565 = arith.index_cast %get3A_564 : i32 to index
          %get3A_566 = arith.index_cast %add3A_563 : i32 to index
          %get3A_567 = arith.constant 0 : index
          %get3A_568 = tpu.vector_load %arg10[%get3A_565, %get3A_566, %get3A_567] {strides = array<i32>} : memref<2x128x32xf32, #tpu.memory_space<vmem>>, vector<1x1x16xf32>,
          %get3A_569 = vector.shape_cast %get3A_568 : vector<1x1x16xf32> to vector<16xf32>
          %mul3A_570 = arith.mulf %get3A_569, %gather3A_559 : vector<16xf32>
          %swap3A_571 = arith.constant 1 : i32
          %swap3A_572 = arith.index_cast %swap3A_571 : i32 to index
          %swap3A_573 = arith.index_cast %add3A_563 : i32 to index
          %swap3A_574 = arith.constant 0 : index
          %swap3A_575 = tpu.vector_load %arg10[%swap3A_572, %swap3A_573, %swap3A_574] {strides = array<i32>} : memref<2x128x32xf32, #tpu.memory_space<vmem>>, vector<1x1x16xf32>,
          %swap3A_576 = vector.shape_cast %swap3A_575 : vector<1x1x16xf32> to vector<16xf32>
          %swap3A_577 = vector.shape_cast %mul3A_570 : vector<16xf32> to vector<1x1x16xf32>
          tpu.vector_store %arg10[%swap3A_572, %swap3A_573, %swap3A_574], %swap3A_577 {strides = array<i32>} : memref<2x128x32xf32, #tpu.memory_space<vmem>>, vector<1x1x16xf32>,
          %get3A_578 = arith.constant 1 : i32
          %get3A_579 = arith.index_cast %get3A_578 : i32 to index
          %get3A_580 = arith.index_cast %add3A_563 : i32 to index
          %get3A_581 = arith.constant 16 : index
          %get3A_582 = tpu.vector_load %arg10[%get3A_579, %get3A_580, %get3A_581] {strides = array<i32>} : memref<2x128x32xf32, #tpu.memory_space<vmem>>, vector<1x1x16xf32>,
          %get3A_583 = vector.shape_cast %get3A_582 : vector<1x1x16xf32> to vector<16xf32>
          %mul3A_584 = arith.mulf %get3A_583, %gather3A_559 : vector<16xf32>
          %swap3A_585 = arith.constant 1 : i32
          %swap3A_586 = arith.index_cast %swap3A_585 : i32 to index
          %swap3A_587 = arith.index_cast %add3A_563 : i32 to index
          %swap3A_588 = arith.constant 16 : index
          %swap3A_589 = tpu.vector_load %arg10[%swap3A_586, %swap3A_587, %swap3A_588] {strides = array<i32>} : memref<2x128x32xf32, #tpu.memory_space<vmem>>, vector<1x1x16xf32>,
          %swap3A_590 = vector.shape_cast %swap3A_589 : vector<1x1x16xf32> to vector<16xf32>
          %swap3A_591 = vector.shape_cast %mul3A_584 : vector<16xf32> to vector<1x1x16xf32>
          tpu.vector_store %arg10[%swap3A_586, %swap3A_587, %swap3A_588], %swap3A_591 {strides = array<i32>} : memref<2x128x32xf32, #tpu.memory_space<vmem>>, vector<1x1x16xf32>,
          %broadcast_in_dim3A_592 = arith.constant 13 : i32
          %broadcast_in_dim3A_593 = vector.broadcast %broadcast_in_dim3A_592 : i32 to vector<16x1xi32>
          %gather3A_594 = vector.shape_cast %broadcast_in_dim3A_593 : vector<16x1xi32> to vector<16xi32>
          %gather3A_595 = tpu.dynamic_gather %get3A_125[%gather3A_594] in [0] : vector<16xf32>, vector<16xi32> -> vector<16xf32>
          %mul3A_596 = arith.constant 16 : i32
          %mul3A_597 = arith.muli %scan3A_119, %mul3A_596 : i32
          %add3A_598 = arith.constant 13 : i32
          %add3A_599 = arith.addi %mul3A_597, %add3A_598 : i32
          %get3A_600 = arith.constant 1 : i32
          %get3A_601 = arith.index_cast %get3A_600 : i32 to index
          %get3A_602 = arith.index_cast %add3A_599 : i32 to index
          %get3A_603 = arith.constant 0 : index
          %get3A_604 = tpu.vector_load %arg10[%get3A_601, %get3A_602, %get3A_603] {strides = array<i32>} : memref<2x128x32xf32, #tpu.memory_space<vmem>>, vector<1x1x16xf32>,
          %get3A_605 = vector.shape_cast %get3A_604 : vector<1x1x16xf32> to vector<16xf32>
          %mul3A_606 = arith.mulf %get3A_605, %gather3A_595 : vector<16xf32>
          %swap3A_607 = arith.constant 1 : i32
          %swap3A_608 = arith.index_cast %swap3A_607 : i32 to index
          %swap3A_609 = arith.index_cast %add3A_599 : i32 to index
          %swap3A_610 = arith.constant 0 : index
          %swap3A_611 = tpu.vector_load %arg10[%swap3A_608, %swap3A_609, %swap3A_610] {strides = array<i32>} : memref<2x128x32xf32, #tpu.memory_space<vmem>>, vector<1x1x16xf32>,
          %swap3A_612 = vector.shape_cast %swap3A_611 : vector<1x1x16xf32> to vector<16xf32>
          %swap3A_613 = vector.shape_cast %mul3A_606 : vector<16xf32> to vector<1x1x16xf32>
          tpu.vector_store %arg10[%swap3A_608, %swap3A_609, %swap3A_610], %swap3A_613 {strides = array<i32>} : memref<2x128x32xf32, #tpu.memory_space<vmem>>, vector<1x1x16xf32>,
          %get3A_614 = arith.constant 1 : i32
          %get3A_615 = arith.index_cast %get3A_614 : i32 to index
          %get3A_616 = arith.index_cast %add3A_599 : i32 to index
          %get3A_617 = arith.constant 16 : index
          %get3A_618 = tpu.vector_load %arg10[%get3A_615, %get3A_616, %get3A_617] {strides = array<i32>} : memref<2x128x32xf32, #tpu.memory_space<vmem>>, vector<1x1x16xf32>,
          %get3A_619 = vector.shape_cast %get3A_618 : vector<1x1x16xf32> to vector<16xf32>
          %mul3A_620 = arith.mulf %get3A_619, %gather3A_595 : vector<16xf32>
          %swap3A_621 = arith.constant 1 : i32
          %swap3A_622 = arith.index_cast %swap3A_621 : i32 to index
          %swap3A_623 = arith.index_cast %add3A_599 : i32 to index
          %swap3A_624 = arith.constant 16 : index
          %swap3A_625 = tpu.vector_load %arg10[%swap3A_622, %swap3A_623, %swap3A_624] {strides = array<i32>} : memref<2x128x32xf32, #tpu.memory_space<vmem>>, vector<1x1x16xf32>,
          %swap3A_626 = vector.shape_cast %swap3A_625 : vector<1x1x16xf32> to vector<16xf32>
          %swap3A_627 = vector.shape_cast %mul3A_620 : vector<16xf32> to vector<1x1x16xf32>
          tpu.vector_store %arg10[%swap3A_622, %swap3A_623, %swap3A_624], %swap3A_627 {strides = array<i32>} : memref<2x128x32xf32, #tpu.memory_space<vmem>>, vector<1x1x16xf32>,
          %broadcast_in_dim3A_628 = arith.constant 14 : i32
          %broadcast_in_dim3A_629 = vector.broadcast %broadcast_in_dim3A_628 : i32 to vector<16x1xi32>
          %gather3A_630 = vector.shape_cast %broadcast_in_dim3A_629 : vector<16x1xi32> to vector<16xi32>
          %gather3A_631 = tpu.dynamic_gather %get3A_125[%gather3A_630] in [0] : vector<16xf32>, vector<16xi32> -> vector<16xf32>
          %mul3A_632 = arith.constant 16 : i32
          %mul3A_633 = arith.muli %scan3A_119, %mul3A_632 : i32
          %add3A_634 = arith.constant 14 : i32
          %add3A_635 = arith.addi %mul3A_633, %add3A_634 : i32
          %get3A_636 = arith.constant 1 : i32
          %get3A_637 = arith.index_cast %get3A_636 : i32 to index
          %get3A_638 = arith.index_cast %add3A_635 : i32 to index
          %get3A_639 = arith.constant 0 : index
          %get3A_640 = tpu.vector_load %arg10[%get3A_637, %get3A_638, %get3A_639] {strides = array<i32>} : memref<2x128x32xf32, #tpu.memory_space<vmem>>, vector<1x1x16xf32>,
          %get3A_641 = vector.shape_cast %get3A_640 : vector<1x1x16xf32> to vector<16xf32>
          %mul3A_642 = arith.mulf %get3A_641, %gather3A_631 : vector<16xf32>
          %swap3A_643 = arith.constant 1 : i32
          %swap3A_644 = arith.index_cast %swap3A_643 : i32 to index
          %swap3A_645 = arith.index_cast %add3A_635 : i32 to index
          %swap3A_646 = arith.constant 0 : index
          %swap3A_647 = tpu.vector_load %arg10[%swap3A_644, %swap3A_645, %swap3A_646] {strides = array<i32>} : memref<2x128x32xf32, #tpu.memory_space<vmem>>, vector<1x1x16xf32>,
          %swap3A_648 = vector.shape_cast %swap3A_647 : vector<1x1x16xf32> to vector<16xf32>
          %swap3A_649 = vector.shape_cast %mul3A_642 : vector<16xf32> to vector<1x1x16xf32>
          tpu.vector_store %arg10[%swap3A_644, %swap3A_645, %swap3A_646], %swap3A_649 {strides = array<i32>} : memref<2x128x32xf32, #tpu.memory_space<vmem>>, vector<1x1x16xf32>,
          %get3A_650 = arith.constant 1 : i32
          %get3A_651 = arith.index_cast %get3A_650 : i32 to index
          %get3A_652 = arith.index_cast %add3A_635 : i32 to index
          %get3A_653 = arith.constant 16 : index
          %get3A_654 = tpu.vector_load %arg10[%get3A_651, %get3A_652, %get3A_653] {strides = array<i32>} : memref<2x128x32xf32, #tpu.memory_space<vmem>>, vector<1x1x16xf32>,
          %get3A_655 = vector.shape_cast %get3A_654 : vector<1x1x16xf32> to vector<16xf32>
          %mul3A_656 = arith.mulf %get3A_655, %gather3A_631 : vector<16xf32>
          %swap3A_657 = arith.constant 1 : i32
          %swap3A_658 = arith.index_cast %swap3A_657 : i32 to index
          %swap3A_659 = arith.index_cast %add3A_635 : i32 to index
          %swap3A_660 = arith.constant 16 : index
          %swap3A_661 = tpu.vector_load %arg10[%swap3A_658, %swap3A_659, %swap3A_660] {strides = array<i32>} : memref<2x128x32xf32, #tpu.memory_space<vmem>>, vector<1x1x16xf32>,
          %swap3A_662 = vector.shape_cast %swap3A_661 : vector<1x1x16xf32> to vector<16xf32>
          %swap3A_663 = vector.shape_cast %mul3A_656 : vector<16xf32> to vector<1x1x16xf32>
          tpu.vector_store %arg10[%swap3A_658, %swap3A_659, %swap3A_660], %swap3A_663 {strides = array<i32>} : memref<2x128x32xf32, #tpu.memory_space<vmem>>, vector<1x1x16xf32>,
          %broadcast_in_dim3A_664 = arith.constant 15 : i32
          %broadcast_in_dim3A_665 = vector.broadcast %broadcast_in_dim3A_664 : i32 to vector<16x1xi32>
          %gather3A_666 = vector.shape_cast %broadcast_in_dim3A_665 : vector<16x1xi32> to vector<16xi32>
          %gather3A_667 = tpu.dynamic_gather %get3A_125[%gather3A_666] in [0] : vector<16xf32>, vector<16xi32> -> vector<16xf32>
          %mul3A_668 = arith.constant 16 : i32
          %mul3A_669 = arith.muli %scan3A_119, %mul3A_668 : i32
          %add3A_670 = arith.constant 15 : i32
          %add3A_671 = arith.addi %mul3A_669, %add3A_670 : i32
          %get3A_672 = arith.constant 1 : i32
          %get3A_673 = arith.index_cast %get3A_672 : i32 to index
          %get3A_674 = arith.index_cast %add3A_671 : i32 to index
          %get3A_675 = arith.constant 0 : index
          %get3A_676 = tpu.vector_load %arg10[%get3A_673, %get3A_674, %get3A_675] {strides = array<i32>} : memref<2x128x32xf32, #tpu.memory_space<vmem>>, vector<1x1x16xf32>,
          %get3A_677 = vector.shape_cast %get3A_676 : vector<1x1x16xf32> to vector<16xf32>
          %mul3A_678 = arith.mulf %get3A_677, %gather3A_667 : vector<16xf32>
          %swap3A_679 = arith.constant 1 : i32
          %swap3A_680 = arith.index_cast %swap3A_679 : i32 to index
          %swap3A_681 = arith.index_cast %add3A_671 : i32 to index
          %swap3A_682 = arith.constant 0 : index
          %swap3A_683 = tpu.vector_load %arg10[%swap3A_680, %swap3A_681, %swap3A_682] {strides = array<i32>} : memref<2x128x32xf32, #tpu.memory_space<vmem>>, vector<1x1x16xf32>,
          %swap3A_684 = vector.shape_cast %swap3A_683 : vector<1x1x16xf32> to vector<16xf32>
          %swap3A_685 = vector.shape_cast %mul3A_678 : vector<16xf32> to vector<1x1x16xf32>
          tpu.vector_store %arg10[%swap3A_680, %swap3A_681, %swap3A_682], %swap3A_685 {strides = array<i32>} : memref<2x128x32xf32, #tpu.memory_space<vmem>>, vector<1x1x16xf32>,
          %get3A_686 = arith.constant 1 : i32
          %get3A_687 = arith.index_cast %get3A_686 : i32 to index
          %get3A_688 = arith.index_cast %add3A_671 : i32 to index
          %get3A_689 = arith.constant 16 : index
          %get3A_690 = tpu.vector_load %arg10[%get3A_687, %get3A_688, %get3A_689] {strides = array<i32>} : memref<2x128x32xf32, #tpu.memory_space<vmem>>, vector<1x1x16xf32>,
          %get3A_691 = vector.shape_cast %get3A_690 : vector<1x1x16xf32> to vector<16xf32>
          %mul3A_692 = arith.mulf %get3A_691, %gather3A_667 : vector<16xf32>
          %swap3A_693 = arith.constant 1 : i32
          %swap3A_694 = arith.index_cast %swap3A_693 : i32 to index
          %swap3A_695 = arith.index_cast %add3A_671 : i32 to index
          %swap3A_696 = arith.constant 16 : index
          %swap3A_697 = tpu.vector_load %arg10[%swap3A_694, %swap3A_695, %swap3A_696] {strides = array<i32>} : memref<2x128x32xf32, #tpu.memory_space<vmem>>, vector<1x1x16xf32>,
          %swap3A_698 = vector.shape_cast %swap3A_697 : vector<1x1x16xf32> to vector<16xf32>
          %swap3A_699 = vector.shape_cast %mul3A_692 : vector<16xf32> to vector<1x1x16xf32>
          tpu.vector_store %arg10[%swap3A_694, %swap3A_695, %swap3A_696], %swap3A_699 {strides = array<i32>} : memref<2x128x32xf32, #tpu.memory_space<vmem>>, vector<1x1x16xf32>,
          %scan3A_700 = arith.constant 0 : i32
          scf.yield %scan3A_700 : i32
        }
        %scan3A_116 = arith.constant 8 : i32
        %run_scoped3A_117 = arith.constant 1 : i32
        "tpu.region"() ({
          %run_scoped3A_119 = tpu.sem_alloc : memref<!tpu.dma_semaphore, #tpu.memory_space<semaphore_mem>>
          %dma_start3A_120 = arith.constant 0 : i32
          %dma_start3A_121 = arith.constant 0 : i32
          %dma_start3A_122 = tpu.memref_slice %arg10[%run_scoped3A_117, %dma_start3A_120, %dma_start3A_121] : memref<2x128x32xf32, #tpu.memory_space<vmem>> -> memref<1x128x32xf32, #tpu.memory_space<vmem>>
          %dma_start3A_123 = tpu.memref_squeeze %dma_start3A_122 : memref<1x128x32xf32, #tpu.memory_space<vmem>> -> memref<128x32xf32, #tpu.memory_space<vmem>>
          %dma_start3A_124 = arith.constant 0 : i32
          %dma_start3A_125 = tpu.memref_slice %arg9[%add3A_91, %dma_start3A_124] : memref<20x128xi32, #tpu.memory_space<vmem>> -> memref<1x128xi32, #tpu.memory_space<vmem>>
          %dma_start3A_126 = tpu.memref_squeeze %dma_start3A_125 : memref<1x128xi32, #tpu.memory_space<vmem>> -> memref<128xi32, #tpu.memory_space<vmem>>
          %dma_start3A_127 = arith.constant 0 : i32
          %dma_start3A_128 = arith.constant 0 : i32
          %dma_start3A_129 = tpu.memref_slice %arg12[%dma_start3A_127, %dma_start3A_128] : memref<16384x32xf32, #tpu.memory_space<vmem_shared>> -> memref<16384x32xf32, #tpu.memory_space<vmem_shared>>
          tpu.enqueue_indirect_dma source(%dma_start3A_123 : memref<128x32xf32, #tpu.memory_space<vmem>>) target(%dma_start3A_129 : memref<16384x32xf32, #tpu.memory_space<vmem_shared>>) offsets(%dma_start3A_126 : memref<128xi32, #tpu.memory_space<vmem>>) semaphore(%run_scoped3A_119 : memref<!tpu.dma_semaphore, #tpu.memory_space<semaphore_mem>>) {add = true}
          %dma_wait3A_130 = arith.constant 0 : i32
          %dma_wait3A_131 = arith.constant 0 : i32
          %dma_wait3A_132 = tpu.memref_slice %arg10[%run_scoped3A_117, %dma_wait3A_130, %dma_wait3A_131] : memref<2x128x32xf32, #tpu.memory_space<vmem>> -> memref<1x128x32xf32, #tpu.memory_space<vmem>>
          %dma_wait3A_133 = tpu.memref_squeeze %dma_wait3A_132 : memref<1x128x32xf32, #tpu.memory_space<vmem>> -> memref<128x32xf32, #tpu.memory_space<vmem>>
          %dma_wait3A_134 = arith.constant 0 : i32
          %dma_wait3A_135 = tpu.memref_slice %arg9[%add3A_91, %dma_wait3A_134] : memref<20x128xi32, #tpu.memory_space<vmem>> -> memref<1x128xi32, #tpu.memory_space<vmem>>
          %dma_wait3A_136 = tpu.memref_squeeze %dma_wait3A_135 : memref<1x128xi32, #tpu.memory_space<vmem>> -> memref<128xi32, #tpu.memory_space<vmem>>
          %dma_wait3A_137 = arith.constant 0 : i32
          %dma_wait3A_138 = arith.constant 0 : i32
          %dma_wait3A_139 = tpu.memref_slice %arg12[%dma_wait3A_137, %dma_wait3A_138] : memref<16384x32xf32, #tpu.memory_space<vmem_shared>> -> memref<16384x32xf32, #tpu.memory_space<vmem_shared>>
          tpu.wait_indirect_dma semaphore(%run_scoped3A_119 : memref<!tpu.dma_semaphore, #tpu.memory_space<semaphore_mem>>) src(%dma_wait3A_133 : memref<128x32xf32, #tpu.memory_space<vmem>>) dst(%dma_wait3A_139 : memref<16384x32xf32, #tpu.memory_space<vmem_shared>>)
          tpu.yield
        }) : () -> ()
        %scan3A_118 = arith.constant 0 : i32
        scf.yield %scan3A_118 : i32
      }
      %scan3A_60 = arith.constant 10 : i32
      %scan3A_61 = arith.constant 0 : i32
      scf.yield %scan3A_61 : i32
    }
    %scan3A_20 = arith.constant 20 : i32
    %barrier3A_21 = arith.constant 0 : index
    tpu.barrier barrier_id(%barrier3A_21)
    %scan3A_22 = arith.constant 0 : i32
    %scan3A_23 = arith.constant 0 : i32
    %scan3A_24 = arith.constant 8 : i32
    %scan3A_25 = arith.addi %scan3A_23, %scan3A_24 : i32
    %scan3A_26 = arith.constant 1 : i32
    %scan3A_27 = scf.for %scan3A_29 = %scan3A_23 to %scan3A_25 step %scan3A_26 iter_args(%scan3A_30 = %scan3A_22) -> (i32)  : i32 {
      %mul3A = arith.constant 1024 : i32
      %mul3A_31 = arith.muli %arg1, %mul3A : i32
      %mul3A_32 = arith.constant 128 : i32
      %mul3A_33 = arith.muli %scan3A_29, %mul3A_32 : i32
      %add3A = arith.addi %mul3A_31, %mul3A_33 : i32
      "tpu.region"() ({
        %run_scoped3A = tpu.sem_alloc : memref<!tpu.dma_semaphore, #tpu.memory_space<semaphore_mem>>
        %dma_start3A = arith.constant 0 : i32
        %dma_start3A_40 = arith.constant 0 : i32
        %dma_start3A_41 = tpu.memref_slice %arg11[%dma_start3A, %dma_start3A_40] : memref<128x32xf32, #tpu.memory_space<vmem>> -> memref<128x32xf32, #tpu.memory_space<vmem>>
        %dma_start3A_42 = arith.constant 0 : i32
        %dma_start3A_43 = tpu.memref_slice %arg12[%add3A, %dma_start3A_42] : memref<16384x32xf32, #tpu.memory_space<vmem_shared>> -> memref<128x32xf32, #tpu.memory_space<vmem_shared>>
        %dma_start3A_44 = arith.constant 0 : i32
        %dma_start3A_45 = arith.constant 0 : i32
        %dma_start3A_46 = tpu.memref_slice %arg11[%dma_start3A_44, %dma_start3A_45] : memref<128x32xf32, #tpu.memory_space<vmem>> -> memref<128x32xf32, #tpu.memory_space<vmem>>
        %dma_start3A_47 = arith.constant 0 : i32
        %dma_start3A_48 = tpu.memref_slice %arg12[%add3A, %dma_start3A_47] : memref<16384x32xf32, #tpu.memory_space<vmem_shared>> -> memref<128x32xf32, #tpu.memory_space<vmem_shared>>
        tpu.enqueue_dma source(%dma_start3A_48 : memref<128x32xf32, #tpu.memory_space<vmem_shared>>) target(%dma_start3A_46 : memref<128x32xf32, #tpu.memory_space<vmem>>) target_semaphore(%run_scoped3A : memref<!tpu.dma_semaphore, #tpu.memory_space<semaphore_mem>>)
        %dma_wait3A = arith.constant 0 : i32
        %dma_wait3A_49 = arith.constant 0 : i32
        %dma_wait3A_50 = tpu.memref_slice %arg11[%dma_wait3A, %dma_wait3A_49] : memref<128x32xf32, #tpu.memory_space<vmem>> -> memref<128x32xf32, #tpu.memory_space<vmem>>
        %dma_wait3A_51 = arith.constant 0 : i32
        %dma_wait3A_52 = tpu.memref_slice %arg12[%add3A, %dma_wait3A_51] : memref<16384x32xf32, #tpu.memory_space<vmem_shared>> -> memref<128x32xf32, #tpu.memory_space<vmem_shared>>
        %dma_wait3A_53 = arith.constant 0 : i32
        %dma_wait3A_54 = arith.constant 0 : i32
        %dma_wait3A_55 = tpu.memref_slice %arg11[%dma_wait3A_53, %dma_wait3A_54] : memref<128x32xf32, #tpu.memory_space<vmem>> -> memref<128x32xf32, #tpu.memory_space<vmem>>
        %dma_wait3A_56 = arith.constant 0 : i32
        %dma_wait3A_57 = tpu.memref_slice %arg12[%add3A, %dma_wait3A_56] : memref<16384x32xf32, #tpu.memory_space<vmem_shared>> -> memref<128x32xf32, #tpu.memory_space<vmem_shared>>
        tpu.wait_dma2 semaphore(%run_scoped3A : memref<!tpu.dma_semaphore, #tpu.memory_space<semaphore_mem>>) src(%dma_wait3A_57 : memref<128x32xf32, #tpu.memory_space<vmem_shared>>) dst(%dma_wait3A_55 : memref<128x32xf32, #tpu.memory_space<vmem>>)
        tpu.yield
      }) : () -> ()
      %mul3A_34 = arith.constant 1024 : i32
      %mul3A_35 = arith.muli %arg1, %mul3A_34 : i32
      %mul3A_36 = arith.constant 128 : i32
      %mul3A_37 = arith.muli %scan3A_29, %mul3A_36 : i32
      %add3A_38 = arith.addi %mul3A_35, %mul3A_37 : i32
      "tpu.region"() ({
        %run_scoped3A = tpu.sem_alloc : memref<!tpu.dma_semaphore, #tpu.memory_space<semaphore_mem>>
        %dma_start3A = arith.constant 0 : i32
        %dma_start3A_40 = arith.constant 0 : i32
        %dma_start3A_41 = tpu.memref_slice %arg11[%dma_start3A, %dma_start3A_40] : memref<128x32xf32, #tpu.memory_space<vmem>> -> memref<128x32xf32, #tpu.memory_space<vmem>>
        %dma_start3A_42 = arith.constant 0 : i32
        %dma_start3A_43 = tpu.memref_slice %arg6[%arg0, %add3A_38, %dma_start3A_42] : memref<2x16384x32xf32, #tpu.memory_space<hbm>> -> memref<1x128x32xf32, #tpu.memory_space<hbm>>
        %dma_start3A_44 = tpu.memref_squeeze %dma_start3A_43 : memref<1x128x32xf32, #tpu.memory_space<hbm>> -> memref<128x32xf32, #tpu.memory_space<hbm>>
        %dma_start3A_45 = arith.constant 0 : i32
        %dma_start3A_46 = tpu.memref_slice %arg6[%arg0, %add3A_38, %dma_start3A_45] : memref<2x16384x32xf32, #tpu.memory_space<hbm>> -> memref<1x128x32xf32, #tpu.memory_space<hbm>>
        %dma_start3A_47 = tpu.memref_squeeze %dma_start3A_46 : memref<1x128x32xf32, #tpu.memory_space<hbm>> -> memref<128x32xf32, #tpu.memory_space<hbm>>
        %dma_start3A_48 = arith.constant 0 : i32
        %dma_start3A_49 = arith.constant 0 : i32
        %dma_start3A_50 = tpu.memref_slice %arg11[%dma_start3A_48, %dma_start3A_49] : memref<128x32xf32, #tpu.memory_space<vmem>> -> memref<128x32xf32, #tpu.memory_space<vmem>>
        tpu.enqueue_dma source(%dma_start3A_50 : memref<128x32xf32, #tpu.memory_space<vmem>>) target(%dma_start3A_47 : memref<128x32xf32, #tpu.memory_space<hbm>>) target_semaphore(%run_scoped3A : memref<!tpu.dma_semaphore, #tpu.memory_space<semaphore_mem>>)
        %dma_wait3A = arith.constant 0 : i32
        %dma_wait3A_51 = arith.constant 0 : i32
        %dma_wait3A_52 = tpu.memref_slice %arg11[%dma_wait3A, %dma_wait3A_51] : memref<128x32xf32, #tpu.memory_space<vmem>> -> memref<128x32xf32, #tpu.memory_space<vmem>>
        %dma_wait3A_53 = arith.constant 0 : i32
        %dma_wait3A_54 = tpu.memref_slice %arg6[%arg0, %add3A_38, %dma_wait3A_53] : memref<2x16384x32xf32, #tpu.memory_space<hbm>> -> memref<1x128x32xf32, #tpu.memory_space<hbm>>
        %dma_wait3A_55 = tpu.memref_squeeze %dma_wait3A_54 : memref<1x128x32xf32, #tpu.memory_space<hbm>> -> memref<128x32xf32, #tpu.memory_space<hbm>>
        %dma_wait3A_56 = arith.constant 0 : i32
        %dma_wait3A_57 = tpu.memref_slice %arg6[%arg0, %add3A_38, %dma_wait3A_56] : memref<2x16384x32xf32, #tpu.memory_space<hbm>> -> memref<1x128x32xf32, #tpu.memory_space<hbm>>
        %dma_wait3A_58 = tpu.memref_squeeze %dma_wait3A_57 : memref<1x128x32xf32, #tpu.memory_space<hbm>> -> memref<128x32xf32, #tpu.memory_space<hbm>>
        %dma_wait3A_59 = arith.constant 0 : i32
        %dma_wait3A_60 = arith.constant 0 : i32
        %dma_wait3A_61 = tpu.memref_slice %arg11[%dma_wait3A_59, %dma_wait3A_60] : memref<128x32xf32, #tpu.memory_space<vmem>> -> memref<128x32xf32, #tpu.memory_space<vmem>>
        tpu.wait_dma2 semaphore(%run_scoped3A : memref<!tpu.dma_semaphore, #tpu.memory_space<semaphore_mem>>) src(%dma_wait3A_61 : memref<128x32xf32, #tpu.memory_space<vmem>>) dst(%dma_wait3A_58 : memref<128x32xf32, #tpu.memory_space<hbm>>)
        tpu.yield
      }) : () -> ()
      %scan3A_39 = arith.constant 0 : i32
      scf.yield %scan3A_39 : i32
    }
    %scan3A_28 = arith.constant 8 : i32
    return
  }
}

</mosaic_0001>

<sc_bundles>
// kernel: kernel.4.cloned.1.call-start
scs
__scs_entry_jumppad:
0x0: {  	(pc) =	sbr.rel $0x88, $3  }
0x1: {  	(tag) =	ssettag $0x0;
	lr =	simm.s32 $0x1  }
0x2: {  	[smem:$0x3F9A] =	sst lr;
	_ =	strace $0xD0000000  }
0x3: {  	_ = 	snop  }
0x4: {  	_ = 	snop  }
0x5: {  	_ = 	snop  }
0x6: {  	_ = 	snop  }
0x7: {  	_ = 	snop  }
__scs_overlays_trampoline_lowered:
0x8: {  	[smem:$0x3FA9] =	sst s0  }
0x9: {  	[smem:$0x3FAA] =	sst s1  }
0xa: {  	[smem:$0x3FAB] =	sst s2  }
0xb: {  	[smem:$0x3FAC] =	sst s3  }
0xc: {  	[smem:$0x3FAD] =	sst s4  }
0xd: {  	[smem:$0x3FAE] =	sst s5  }
0xe: {  	[smem:$0x3FAF] =	sst s6  }
0xf: {  	[smem:$0x3FB0] =	sst s7  }
0x10: {  	[smem:$0x3FB1] =	sst s8  }
0x11: {  	[smem:$0x3FB2] =	sst s9;
	s0 =	simm.s32 @!p0 $0x0  }
0x12: {  	s1 =	sld [smem:$0x3F98];
	s0 =	simm.s32 @p0 $0x1  }
0x13: {  	[smem:$0x3FB3] =	sst s0;
	s0 =	simm.s32 @!p1 $0x0  }
0x14: {  	s2 =	sld [smem:$0x3F97];
	s0 =	simm.s32 @p1 $0x1  }
0x15: {  	[smem:$0x3FB4] =	sst s0;
	s0 =	simm.s32 @!p2 $0x0  }
0x16: {  	s3 =	sld [smem:$0x3FDB];
	s0 =	simm.s32 @p2 $0x1  }
0x17: {  	s4 =	simm.s32 $0x1BF5;
	[smem:$0x3FB6] =	sst s0  }
0x18: {  	s0 =	sld [smem:$0x3F99];
	_ =	swait.ge [sflag:s4], $0x0  }
0x19: {  	s7 =	sld [smem:$0x3F9A]  }
0x1a: {  	s8 =	sadd.s32 $0xFFFFE003, lr  }
0x1b: {  	s9 =	sadd.s32 $0xFFFFFEF7, lr;
	s5 =	simm.s32 $0xFFFFFFFF;
	p2 =	slt.u32 s8, $0xFFFFF086  }
0x1c: {  	p1 =	slt.u32 s9, $0xF7A;
	s5 =	simm.s32 @!p2 $0x0  }
0x1d: {  	s5 =	simm.s32 @p1 $0x1;
	p0 =	seq.s32 s7, s2  }
0x1e: {  	s7 =	smul.u32 @!p0 $0xF7A, s2;
	p2 =	seq.s32 @!p0 s5, $0x0  }
0x1f: {  	s9 =	smul.u32 $0xF7A, s1;
	s8 =	simm.s32 @!p0 $0x1BF5;
	p2 =	por !p2, p0  }
0x20: {  	[sflag:s8] =	ssyncset.s32 @!p0 $0xFFFFF086;
	s6 =	sadd.s32 @!p0 s3, s7;
	s7 =	simm.s32 @!p0 $0x108  }
0x21: {  	s3 =	sadd.s32 s3, s9;
	s6 =	sadd.s32 @!p0 $0x88, s6;
	s7 =	simm.s32 @p2 $0x1082  }
0x22: {  	[simem:s7], [sflag:s8] =	dma.local @!p0 [hbm:s6], $0xF7A  }
0x23: {  	s9 =	sor.u32 $0xD0000000, s2;
	s6 =	simm.s32 $0x108;
	_ =	swait.ge @!p0 [sflag:s8], $0x0  }
0x24: {  	s3 =	sadd.s32 $0x88, s3;
	s6 =	simm.s32 @!p1 $0x1082;
	[sflag:s4] =	ssyncset.s32 $0xFFFFF086  }
0x25: {  	[simem:s6], [sflag:s4] =	dma.local [hbm:s3], $0xF7A  }
0x26: {  	[smem:$0x3F9A] =	sst s1;
	(tag) =	ssettag s2;
	_ =	strace s9  }
0x27: {  	s1 =	sld [smem:$0x3FAA]  }
0x28: {  	s2 =	sld [smem:$0x3FAB]  }
0x29: {  	s4 =	sld [smem:$0x3FAD]  }
0x2a: {  	p0 =	seq.s32 s5, $0x0;
	s5 =	sld [smem:$0x3FAE]  }
0x2b: {  	s6 =	sld [smem:$0x3FAF]  }
0x2c: {  	s7 =	sld [smem:$0x3FB0]  }
0x2d: {  	s3 =	simm.s32 $0x108;
	s8 =	sld [smem:$0x3FB1]  }
0x2e: {  	s3 =	simm.s32 @!p0 $0x1082;
	s9 =	sld [smem:$0x3FB2]  }
0x2f: {  	lr =	sadd.s32 s0, s3;
	s0 =	sld [smem:$0x3FA9]  }
0x30: {  	s3 =	sld [smem:$0x3FAC]  }
0x31: {  	[smem:$0x3FB5] =	sst s10  }
0x32: {  	s10 =	sld [smem:$0x3FB3];
	_ =	sdelay $0x3  }
0x33: {  	p0 =	seq.s32 s10, $0x1;
	s10 =	sld [smem:$0x3FB5];
	_ =	sdelay $0x3  }
0x34: {  	[smem:$0x3FB5] =	sst s10  }
0x35: {  	s10 =	sld [smem:$0x3FB4];
	_ =	sdelay $0x3  }
0x36: {  	p1 =	seq.s32 s10, $0x1;
	s10 =	sld [smem:$0x3FB5];
	_ =	sdelay $0x3  }
0x37: {  	[smem:$0x3FB5] =	sst s10  }
0x38: {  	s10 =	sld [smem:$0x3FB6]  }
0x39: {  	_ = 	snop;
	(pc) =	sbr.ind lr, $3  }
0x3a: {  	_ = 	snop  }
0x3b: {  	_ = 	snop  }
0x3c: {  	p2 =	seq.s32 s10, $0x1;
	s10 =	sld [smem:$0x3FB5]  }
0x3d: {  	_ =	shalt  }
0x3e: {  	_ =	shalt  }
0x3f: {  	_ =	shalt  }
0x40: {  	_ =	shalt  }
0x41: {  	_ =	shalt  }
0x42: {  	_ =	shalt  }
0x43: {  	_ =	shalt  }
0x44: {  	_ =	shalt  }
0x45: {  	_ =	shalt  }
0x46: {  	_ =	shalt  }
0x47: {  	_ =	shalt  }
0x48: {  	_ =	shalt  }
0x49: {  	_ =	shalt  }
0x4a: {  	_ =	shalt  }
0x4b: {  	_ =	shalt  }
0x4c: {  	_ =	shalt  }
0x4d: {  	_ =	shalt  }
0x4e: {  	_ =	shalt  }
0x4f: {  	_ =	shalt  }
0x50: {  	_ =	shalt  }
0x51: {  	_ =	shalt  }
0x52: {  	_ =	shalt  }
0x53: {  	_ =	shalt  }
0x54: {  	_ =	shalt  }
0x55: {  	_ =	shalt  }
0x56: {  	_ =	shalt  }
0x57: {  	_ =	shalt  }
0x58: {  	_ =	shalt  }
0x59: {  	_ =	shalt  }
0x5a: {  	_ =	shalt  }
0x5b: {  	_ =	shalt  }
0x5c: {  	_ =	shalt  }
0x5d: {  	_ =	shalt  }
0x5e: {  	_ =	shalt  }
0x5f: {  	_ =	shalt  }
0x60: {  	_ =	shalt  }
0x61: {  	_ =	shalt  }
0x62: {  	_ =	shalt  }
0x63: {  	_ =	shalt  }
0x64: {  	_ =	shalt  }
0x65: {  	_ =	shalt  }
0x66: {  	_ =	shalt  }
0x67: {  	_ =	shalt  }
0x68: {  	_ =	shalt  }
0x69: {  	_ =	shalt  }
0x6a: {  	_ =	shalt  }
0x6b: {  	_ =	shalt  }
0x6c: {  	_ =	shalt  }
0x6d: {  	_ =	shalt  }
0x6e: {  	_ =	shalt  }
0x6f: {  	_ =	shalt  }
0x70: {  	_ =	shalt  }
0x71: {  	_ =	shalt  }
0x72: {  	_ =	shalt  }
0x73: {  	_ =	shalt  }
0x74: {  	_ =	shalt  }
0x75: {  	_ =	shalt  }
0x76: {  	_ =	shalt  }
0x77: {  	_ =	shalt  }
0x78: {  	_ =	shalt  }
0x79: {  	_ =	shalt  }
0x7a: {  	_ =	shalt  }
0x7b: {  	_ =	shalt  }
0x7c: {  	_ =	shalt  }
0x7d: {  	_ =	shalt  }
0x7e: {  	_ =	shalt  }
0x7f: {  	_ =	shalt  }
0x80: {  	_ =	shalt  }
0x81: {  	_ =	shalt  }
0x82: {  	_ =	shalt  }
0x83: {  	_ =	shalt  }
0x84: {  	_ =	shalt  }
0x85: {  	_ =	shalt  }
0x86: {  	_ =	shalt  }
0x87: {  	_ =	shalt  }
.Lfunc_end0:
.L_simem_size_0:
called_computation_lowered:
.L_overlay_start_0:
0x88: {  	s2 =	sld [smem:$0x3FD9]  }
0x89: {  	s3 =	sld [smem:$0x3FFE];
	_ =	sdelay $0x1  }
0x8a: {  	s1 =	srdreg.scid  }
0x8b: {  	s0 =	sand.u32 $0x1, s1  }
0x8c: {  	s17 =	sshll.u32 s0, $0xA;
	s2 =	sadd.s32 s3, s2  }
0x8d: {  	s2 =	sadd.s32 s2, s17  }
0x8e: {  	[smem:$0x3FC1] =	sst s2  }
0x8f: {  	_ = 	snop  }
0x90: {  	s2 =	sld [smem:$0x3FC7]  }
0x91: {  	s18 =	sld [smem:$0x3FC6]  }
0x92: {  	s4 =	sld [smem:$0x3FC5];
	(tm) =	ssettm $0x1  }
0x93: {  	s5 =	sld [smem:$0x3FFB];
	_ =	sdelay $0x3  }
0x94: {  	_ =	strace s5  }
0x95: {  	s5 =	sld [smem:$0x3FFC];
	_ =	sdelay $0x3  }
0x96: {  	_ =	strace s5  }
0x97: {  	s5 =	sld [smem:$0x3FFD];
	_ =	sdelay $0x3  }
0x98: {  	_ =	strace s5  }
0x99: {  	_ =	strace $0x8FFFFFFF  }
0x9a: {  	s19 =	sld [smem:$0x3FDB];
	_ =	sdelay $0x1  }
0x9b: {  	s6 =	simm.s32 $_scs_section_size  }
0x9c: {  	s7 =	simm.s32 $_size__tile_overlayer_lowered;
	s8 =	simm.s32 $_tile_overlayer_lowered  }
0x9d: {  	s22 =	simm.s32 $0x1BFF;
	s21 =	sshll.u32 s8, $0x1;
	s5 =	sadd.s32 s6, s19  }
0x9e: {  	s9 =	simm.s32 $0x0;
	s20 =	sshll.u32 s7, $0x1;
	s7 =	sadd.s32 s21, s5  }
0x9f: {  	[timem:s9], [sflag:s22] =	dma.local [hbm:s7], s20  }
0xa0: {  	_ =	swait.ge [sflag:s22], s20  }
0xa1: {  	s6 =	ssub.s32 $0x0, s20;
	[sflag:s22] =	ssyncset.done $0x0  }
0xa2: {  	[sflag:s22] =	ssyncadd.s32 s6;
	_ =	sdelay $0x1  }
0xa3: {  	s23 =	simm.s32 $0x1B8B  }
0xa4: {  	_ =	swait.ge [sflag:s23], $0x1  }
0xa5: {  	[sflag:s23] =	ssyncset.done $0x0  }
0xa6: {  	s25 =	simm.s32 $0x1B8E;
	s24 =	sld [smem:$0x3FFE];
	[sflag:s23] =	ssyncadd.s32 $0xFFFFFFFF  }
0xa7: {  	s26 =	simm.s32 $execute0_lowered;
	[smem:$0x3FD2] =	sst s25  }
0xa8: {  	s7 =	sshll.u32 s26, $0x1;
	_ =	strace $0x80000046;
	[dreg:$0x1] =	wrdreg $0xFFFFFFFF  }
0xa9: {  	s28 =	simm.s32 $_size_execute0_lowered;
	s5 =	sadd.s32 s5, s7;
	[dreg:$0x0] =	wrdreg $0x0  }
0xaa: {  	s7 =	sshll.u32 s28, $0x1;
	[dreg:$0x2] =	wrdreg s5  }
0xab: {  	[dreg:$0x3] =	wrdreg s7  }
0xac: {  	[dreg:$0x4] =	wrdreg $0xC0  }
0xad: {  	_ =	task [dreg:s9], $0x5FFFF  }
0xae: {  	[dreg:$0x1] =	wrdreg $0xFFFFFFFF  }
0xaf: {  	[dreg:$0x0] =	wrdreg $0x60  }
0xb0: {  	[dreg:$0x2] =	wrdreg s2  }
0xb1: {  	[dreg:$0x3] =	wrdreg s18  }
0xb2: {  	[dreg:$0x4] =	wrdreg s4  }
0xb3: {  	[dreg:$0x5] =	wrdreg s24  }
0xb4: {  	[dreg:$0x6] =	wrdreg $0x4E000  }
0xb5: {  	[dreg:$0x7] =	wrdreg $0x9  }
0xb6: {  	_ =	task.clear_ibuf [dreg:s9], $0x8FFFF;
	_ =	strace $0x90000046  }
0xb7: {  	s29 =	simm.s32 $0x9;
	_ =	strace $0x80000048  }
0xb8: {  	_ =	swait.ge [sflag:s29], $0x1  }
0xb9: {  	[sflag:s29] =	ssyncadd.s32 $0xFFFFFFFF  }
0xba: {  	_ =	strace $0x90000048  }
0xbb: {  	_ =	sfence  }
0xbc: {  	s30 =	sld [smem:$0x0];
	_ =	sdelay $0x2  }
0xbd: {  	s31 =	sshll.u32 s1, $0xD;
	s1 =	sshrl.u32 s1, $0x2  }
0xbe: {  	s3 =	sand.u32 $0x4000, s31;
	s1 =	sadd.s32 s1, s30  }
0xbf: {  	s0 =	sor.u32 s3, s0;
	s1 =	sshll.u32 s1, $0x11  }
0xc0: {  	s0 =	sor.u32 s1, s0  }
0xc1: {  	s0 =	sadd.s32 $0x8F2B, s0  }
0xc2: {  	[sflag:s0] =	ssyncadd.remote.s32 $0x1  }
0xc3: {  	_ =	sfence.sel $0xFFFF  }
0xc4: {  	[dreg:$0x0] =	wrdreg $0xFFFFFFFF;
	(pc) =	sbr.abs _section_cstart, $3  }
0xc5: {  	[dreg:$0x1] =	wrdreg $0xFFFFFFFF  }
0xc6: {  	_ =	task.clear_ibuf [dreg:s9], $0x2FFFF;
	_ =	strace $0x9FFFFFFF  }
0xc7: {  	(tm) =	ssettm $0x7FFFFFFF  }
tec
execute0_lowered:
.L_overlay_start_1:
0x0: {  	(tag) =	ssettag $0x1  }
0x1: {  	s1 =	rddreg [dreg:$0x0]  }
0x2: {  	s2 =	rddreg [dreg:$0x1]  }
0x3: {  	s3 =	rddreg [dreg:$0x2]  }
0x4: {  	s0 =	rddreg [dreg:$0x3]  }
0x5: {  	s5 =	rddreg [dreg:$0x4]  }
0x6: {  	s4 =	srdreg.scid;
	s21 =	stileid.u32  }
0x7: {  	s4 =	sand.u32 $0x1, s4;
	s6 =	sadd.s32 $0x800, s0;
	s8 =	sshll.u32 s21, $0xF  }
0x8: {  	s7 =	ssub.s32 $0x2, s4;
	s10 =	sshll.u32 s4, $0x13;
	s11 =	sor.u32 $0x1000, s8  }
0x9: {  	s13 =	sor.u32 $0x2000, s8;
	s14 =	sor.u32 $0x3000, s8;
	s17 =	sor.u32 $0x4000, s8  }
0xa: {  	s18 =	sor.u32 $0x5000, s8;
	s19 =	sor.u32 $0x6000, s8;
	s20 =	sor.u32 $0x7000, s8  }
0xb: {  	s9 =	sshrl.u32 s7, $0x1;
	s22 =	sor.u32 s10, s8;
	s12 =	sor.u32 s10, s11  }
0xc: {  	s24 =	sor.u32 s10, s13;
	s7 =	ssub.s32 s7, s9;
	s9 =	sshrl.u32 s22, $0x3  }
0xd: {  	s25 =	sor.u32 s10, s14;
	s26 =	sor.u32 s10, s17;
	s9 =	sadd.s32 s6, s9  }
0xe: {  	s30 =	sor.u32 s10, s18;
	[dreg:$0x6] =	wrdreg s9;
	s9 =	sshrl.u32 s24, $0x3  }
0xf: {  	s31 =	sor.u32 s10, s19;
	s12 =	sshrl.u32 s12, $0x3;
	s9 =	sadd.s32 s6, s9  }
0x10: {  	s23 =	sadd.s32 s6, s12;
	[dreg:$0x8] =	wrdreg s9;
	s9 =	sshrl.u32 s25, $0x3  }
0x11: {  	s12 =	sshrl.u32 s26, $0x3;
	[dreg:$0x7] =	wrdreg s23;
	s9 =	sadd.s32 s6, s9  }
0x12: {  	s29 =	sadd.s32 s6, s12;
	[dreg:$0x9] =	wrdreg s9;
	s9 =	sshrl.u32 s30, $0x3  }
0x13: {  	s10 =	sor.u32 s10, s20;
	[dreg:$0xa] =	wrdreg s29;
	s9 =	sadd.s32 s6, s9  }
0x14: {  	s12 =	simm.s32 $0x0;
	[dreg:$0xb] =	wrdreg s9;
	s9 =	sshrl.u32 s31, $0x3  }
0x15: {  	s10 =	sshrl.u32 s10, $0x3;
	[smem:$0x7FF] =	sst s12;
	s9 =	sadd.s32 s6, s9  }
0x16: {  	s6 =	sadd.s32 s6, s10;
	[dreg:$0xc] =	wrdreg s9  }
0x17: {  	[dreg:$0xd] =	wrdreg s6;
	s6 =	smax.u32 s7, $0x1  }
0x18: {  	s7 =	sadd.s32 s11, s5;
	_ =	strace $0x80000047;
	[dreg:$0xe] =	wrdreg s6  }
0x19: {  	s16 =	sadd.s32 s8, s5;
	s8 =	sadd.s32 s13, s5;
	[dreg:$0xf] =	wrdreg s7  }
0x1a: {  	s9 =	sadd.s32 s14, s5;
	[dreg:$0x10] =	wrdreg s8  }
0x1b: {  	s10 =	sadd.s32 s17, s5;
	[dreg:$0x11] =	wrdreg s9  }
0x1c: {  	s11 =	sadd.s32 s18, s5;
	[dreg:$0x12] =	wrdreg s10  }
0x1d: {  	s13 =	sadd.s32 s19, s5;
	[dreg:$0x13] =	wrdreg s11  }
0x1e: {  	s14 =	sadd.s32 s20, s5;
	[dreg:$0x14] =	wrdreg s13  }
0x1f: {  	s17 =	sadd.s32 $0x800, s16;
	[dreg:$0x15] =	wrdreg s14  }
0x20: {  	s18 =	sadd.s32 $0x1000, s16;
	[dreg:$0x16] =	wrdreg s17  }
0x21: {  	s19 =	sadd.s32 $0x1800, s16;
	[dreg:$0x17] =	wrdreg s18  }
0x22: {  	s20 =	sadd.s32 $0x2000, s16;
	[dreg:$0x18] =	wrdreg s19  }
0x23: {  	s25 =	smul.u32 $0xC800, s21;
	s21 =	sadd.s32 $0x2800, s16;
	[dreg:$0x19] =	wrdreg s20  }
0x24: {  	s22 =	sadd.s32 $0x3000, s16;
	[dreg:$0x1a] =	wrdreg s21  }
0x25: {  	s23 =	sadd.s32 $0x3800, s16;
	[dreg:$0x1b] =	wrdreg s22  }
0x26: {  	s24 =	sadd.s32 $0x4000, s16;
	[dreg:$0x1c] =	wrdreg s23  }
0x27: {  	s26 =	sadd.s32 $0x4800, s16;
	[dreg:$0x1d] =	wrdreg s24  }
0x28: {  	s29 =	sadd.s32 $0x5000, s16;
	[dreg:$0x1e] =	wrdreg s26  }
0x29: {  	s30 =	sadd.s32 $0x5800, s16;
	[dreg:$0x1f] =	wrdreg s29  }
0x2a: {  	v1 =	vimm.f32 $0.0e+00;
	v2 =	vimm.s32 $0x0;
	v3 =	vimm.s32 $0x1;
	s31 =	sadd.s32 $0x6000, s16;
	[smem:$0x7FC] =	sst s30  }
0x2b: {  	v4 =	vimm.s32 $0x2;
	v5 =	vimm.s32 $0x3;
	v6 =	vimm.s32 $0x4;
	s28 =	simm.s32 $0x0;
	s15 =	sadd.s32 $0xF42C00, s0;
	[smem:$0x7FD] =	sst s31  }
0x2c: {  	v7 =	vimm.s32 $0x5;
	v8 =	vimm.s32 $0x6;
	v9 =	vimm.s32 $0x7;
	s11 =	sadd.s32 $0x6800, s16;
	s13 =	sadd.s32 $0x7000, s16;
	s14 =	sadd.s32 $0x7800, s16  }
0x2d: {  	v10 =	vimm.s32 $0x8;
	v11 =	vimm.s32 $0x9;
	v12 =	vimm.s32 $0xA;
	s17 =	simm.s32 $0x3E00;
	s18 =	simm.s32 $0x2;
	s19 =	simm.s32 $0xA00  }
0x2e: {  	v13 =	vimm.s32 $0xB;
	v14 =	vimm.s32 $0xC;
	v15 =	vimm.s32 $0xD;
	s20 =	simm.s32 $0x1400;
	s21 =	simm.s32 $0x80;
	s22 =	simm.s32 $0x1E00  }
0x2f: {  	v16 =	vimm.s32 $0xE;
	v17 =	vimm.s32 $0xF;
	v0 =	vmov s4;
	s23 =	simm.s32 $0x1;
	s24 =	simm.s32 $0x2E00;
	s26 =	simm.s32 $0x0  }
.LBB2_1:
0x30: {  	s0 =	simm.s32 $0x80;
	s4 =	simm.s32 $0x0  }
.LBB2_2:
0x31: {  	p0 =	sne.s32 s0, $0x1F80;
	[tilespmem:s4+$0x3E00] =	vst v1;
	s6 =	smov.u32 s0;
	s0 =	sadd.s32 $0x80, s0  }
.Ltmp0:
0x32: {  	[tilespmem:s4+$0x3E10] =	vst v1;
	(pc) =	sbr.rel @p0 .LBB2_2-.Ltmp0, $2  }
0x33: {  	_ =	sdelay $0x2  }
0x34: {  	s4 =	sshra.s32 s6, $0x2  }
0x35: {  	[tilespmem:s4+$0x3E00] =	vst v1  }
0x36: {  	[tilespmem:s4+$0x3E10] =	vst v1  }
0x37: {  	[spmem:s16] =	stream.linear.scatter [tilespmem:s17], [sflag:$0x2], $0x800, $0x38;
	[tilespmem:$0xCE00] =	vst v63  }
0x38: {  	_ =	swait.ge [sflag:s18], $0x800  }
0x39: {  	[sflag:s18] =	ssyncset.done $0x0  }
0x3a: {  	s0 =	rddreg [dreg:$0x16];
	[sflag:s18] =	ssyncadd.s32 $0xFFFFF800  }
0x3b: {  	[spmem:s0] =	stream.linear.scatter [tilespmem:s17], [sflag:$0x2], $0x800, $0x38;
	[tilespmem:$0xCE00] =	vst v63  }
0x3c: {  	_ =	swait.ge [sflag:s18], $0x800  }
0x3d: {  	[sflag:s18] =	ssyncset.done $0x0  }
0x3e: {  	s10 =	rddreg [dreg:$0x17];
	[sflag:s18] =	ssyncadd.s32 $0xFFFFF800  }
0x3f: {  	[spmem:s10] =	stream.linear.scatter [tilespmem:s17], [sflag:$0x2], $0x800, $0x38;
	[tilespmem:$0xCE00] =	vst v63  }
0x40: {  	_ =	swait.ge [sflag:s18], $0x800  }
0x41: {  	[sflag:s18] =	ssyncset.done $0x0  }
0x42: {  	s30 =	rddreg [dreg:$0x18];
	[sflag:s18] =	ssyncadd.s32 $0xFFFFF800  }
0x43: {  	[spmem:s30] =	stream.linear.scatter [tilespmem:s17], [sflag:$0x2], $0x800, $0x38;
	[tilespmem:$0xCE00] =	vst v63  }
0x44: {  	_ =	swait.ge [sflag:s18], $0x800  }
0x45: {  	[sflag:s18] =	ssyncset.done $0x0  }
0x46: {  	s31 =	rddreg [dreg:$0x19];
	[sflag:s18] =	ssyncadd.s32 $0xFFFFF800  }
0x47: {  	[spmem:s31] =	stream.linear.scatter [tilespmem:s17], [sflag:$0x2], $0x800, $0x38;
	[tilespmem:$0xCE00] =	vst v63  }
0x48: {  	_ =	swait.ge [sflag:s18], $0x800  }
0x49: {  	[sflag:s18] =	ssyncset.done $0x0  }
0x4a: {  	s4 =	rddreg [dreg:$0x1a];
	[sflag:s18] =	ssyncadd.s32 $0xFFFFF800  }
0x4b: {  	[spmem:s4] =	stream.linear.scatter [tilespmem:s17], [sflag:$0x2], $0x800, $0x38;
	[tilespmem:$0xCE00] =	vst v63  }
0x4c: {  	_ =	swait.ge [sflag:s18], $0x800  }
0x4d: {  	[sflag:s18] =	ssyncset.done $0x0  }
0x4e: {  	s6 =	rddreg [dreg:$0x1b];
	[sflag:s18] =	ssyncadd.s32 $0xFFFFF800  }
0x4f: {  	[spmem:s6] =	stream.linear.scatter [tilespmem:s17], [sflag:$0x2], $0x800, $0x38;
	[tilespmem:$0xCE00] =	vst v63  }
0x50: {  	_ =	swait.ge [sflag:s18], $0x800  }
0x51: {  	[sflag:s18] =	ssyncset.done $0x0  }
0x52: {  	s7 =	rddreg [dreg:$0x1c];
	[sflag:s18] =	ssyncadd.s32 $0xFFFFF800  }
0x53: {  	[spmem:s7] =	stream.linear.scatter [tilespmem:s17], [sflag:$0x2], $0x800, $0x38;
	[tilespmem:$0xCE00] =	vst v63  }
0x54: {  	_ =	swait.ge [sflag:s18], $0x800  }
0x55: {  	[sflag:s18] =	ssyncset.done $0x0  }
0x56: {  	s8 =	rddreg [dreg:$0x1d];
	[sflag:s18] =	ssyncadd.s32 $0xFFFFF800  }
0x57: {  	[spmem:s8] =	stream.linear.scatter [tilespmem:s17], [sflag:$0x2], $0x800, $0x38;
	[tilespmem:$0xCE00] =	vst v63  }
0x58: {  	_ =	swait.ge [sflag:s18], $0x800  }
0x59: {  	[sflag:s18] =	ssyncset.done $0x0  }
0x5a: {  	s9 =	rddreg [dreg:$0x1e];
	[sflag:s18] =	ssyncadd.s32 $0xFFFFF800  }
0x5b: {  	[spmem:s9] =	stream.linear.scatter [tilespmem:s17], [sflag:$0x2], $0x800, $0x38;
	[tilespmem:$0xCE00] =	vst v63  }
0x5c: {  	_ =	swait.ge [sflag:s18], $0x800  }
0x5d: {  	[sflag:s18] =	ssyncset.done $0x0  }
0x5e: {  	s10 =	rddreg [dreg:$0x1f];
	[sflag:s18] =	ssyncadd.s32 $0xFFFFF800  }
0x5f: {  	[spmem:s10] =	stream.linear.scatter [tilespmem:s17], [sflag:$0x2], $0x800, $0x38;
	[tilespmem:$0xCE00] =	vst v63  }
0x60: {  	_ =	swait.ge [sflag:s18], $0x800  }
0x61: {  	s30 =	sld [smem:$0x7FC]  }
0x62: {  	[sflag:s18] =	ssyncset.done $0x0  }
0x63: {  	[sflag:s18] =	ssyncadd.s32 $0xFFFFF800  }
0x64: {  	[spmem:s30] =	stream.linear.scatter [tilespmem:s17], [sflag:$0x2], $0x800, $0x38;
	[tilespmem:$0xCE00] =	vst v63  }
0x65: {  	_ =	swait.ge [sflag:s18], $0x800  }
0x66: {  	s31 =	sld [smem:$0x7FD]  }
0x67: {  	[sflag:s18] =	ssyncset.done $0x0  }
0x68: {  	[sflag:s18] =	ssyncadd.s32 $0xFFFFF800  }
0x69: {  	[spmem:s31] =	stream.linear.scatter [tilespmem:s17], [sflag:$0x2], $0x800, $0x38;
	[tilespmem:$0xCE00] =	vst v63  }
0x6a: {  	_ =	swait.ge [sflag:s18], $0x800  }
0x6b: {  	[sflag:s18] =	ssyncset.done $0x0  }
0x6c: {  	[sflag:s18] =	ssyncadd.s32 $0xFFFFF800  }
0x6d: {  	[spmem:s11] =	stream.linear.scatter [tilespmem:s17], [sflag:$0x2], $0x800, $0x38;
	[tilespmem:$0xCE00] =	vst v63  }
0x6e: {  	_ =	swait.ge [sflag:s18], $0x800  }
0x6f: {  	[sflag:s18] =	ssyncset.done $0x0  }
0x70: {  	[sflag:s18] =	ssyncadd.s32 $0xFFFFF800  }
0x71: {  	[spmem:s13] =	stream.linear.scatter [tilespmem:s17], [sflag:$0x2], $0x800, $0x38;
	[tilespmem:$0xCE00] =	vst v63  }
0x72: {  	_ =	swait.ge [sflag:s18], $0x800  }
0x73: {  	[sflag:s18] =	ssyncset.done $0x0  }
0x74: {  	[sflag:s18] =	ssyncadd.s32 $0xFFFFF800  }
0x75: {  	[spmem:s14] =	stream.linear.scatter [tilespmem:s17], [sflag:$0x2], $0x800, $0x38;
	[tilespmem:$0xCE00] =	vst v63  }
0x76: {  	_ =	swait.ge [sflag:s18], $0x800  }
0x77: {  	[sflag:s18] =	ssyncset.done $0x0  }
0x78: {  	[sflag:s18] =	ssyncadd.s32 $0xFFFFF800  }
0x79: {  	s29 =	simm.s32 $0x0;
	[bflag:$0x0] =	sbarrier.arrive $0xFFFF  }
.LBB2_4:
0x7a: {  	s0 =	smul.u32 $0xA00, s29;
	_ =	sdelay $0x1  }
0x7b: {  	s0 =	sadd.s32 s25, s0  }
0x7c: {  	s0 =	sshrl.u32 s0, $0x3  }
0x7d: {  	s4 =	sadd.s32 s1, s0  }
0x7e: {  	[tilespmem:s28], [sflag:$0x2] =	stream.linear.gather [hbm4b:s4+s28], $0xA00, $0x38;
	[tilespmem:$0xCE00] =	vst v63  }
0x7f: {  	_ =	swait.ge [sflag:s18], $0xA00  }
0x80: {  	[sflag:s18] =	ssyncset.done $0x0  }
0x81: {  	s31 =	sadd.s32 s2, s0;
	[sflag:s18] =	ssyncadd.s32 $0xFFFFF600  }
0x82: {  	[tilespmem:s19], [sflag:$0x2] =	stream.linear.gather [hbm4b:s31+s28], $0xA00, $0x38;
	[tilespmem:$0xCE00] =	vst v63  }
0x83: {  	_ =	swait.ge [sflag:s18], $0xA00  }
0x84: {  	[sflag:s18] =	ssyncset.done $0x0  }
0x85: {  	s0 =	sadd.s32 s3, s0;
	[sflag:s18] =	ssyncadd.s32 $0xFFFFF600  }
0x86: {  	[tilespmem:s20], [sflag:$0x2] =	stream.linear.gather [hbm4b:s0+s28], $0xA00, $0x38;
	[tilespmem:$0xCE00] =	vst v63  }
0x87: {  	_ =	swait.ge [sflag:s18], $0xA00  }
0x88: {  	[sflag:s18] =	ssyncset.done $0x0  }
0x89: {  	s0 =	simm.s32 $0x0;
	[sflag:s18] =	ssyncadd.s32 $0xFFFFF600  }
0x8a: {  	v18 =	vld [tilespmem:s0+$0x0];
	_ =	sdelay $0x1  }
0x8b: {  	v19 =	vld [tilespmem:s0+$0xA00];
	_ =	sdelay $0x2  }
0x8c: {  	v20 =	vshll.u32 v18, $0x1  }
0x8d: {  	vm0 =	veq.s32 v18, $0x0;
	v20 =	vor.u32 v0, v20  }
0x8e: {  	s6 =	simm.s32 $0x10;
	s4 =	simm.s32 $0x80;
	v18 =	vsel vm0, $0x0, v19;
	[tilespmem:s0+$0x0] =	vst v20  }
.LBB2_5:
0x8f: {  	p0 =	sne.s32 s4, $0x27C0;
	v19 =	vld [tilespmem:s6+$0x0];
	[tilespmem:s0+$0xA00] =	vst v18;
	s0 =	smov.u32 s6  }
0x90: {  	v18 =	vld [tilespmem:s0+$0xA00];
	_ =	sdelay $0x1  }
.Ltmp1:
0x91: {  	(pc) =	sbr.rel @p0 .LBB2_5-.Ltmp1, $4  }
0x92: {  	_ = 	snop  }
0x93: {  	vm0 =	veq.s32 v19, $0x0;
	v19 =	vshll.u32 v19, $0x1  }
0x94: {  	v18 =	vsel vm0, $0x0, v18;
	v19 =	vor.u32 v0, v19  }
0x95: {  	s6 =	sshra.s32 s4, $0x2;
	s4 =	sadd.s32 $0x40, s4;
	[tilespmem:s0+$0x0] =	vst v19  }
0x96: {  	v19 =	vld [tilespmem:s6+$0x0]  }
0x97: {  	[tilespmem:s0+$0xA00] =	vst v18  }
0x98: {  	v18 =	vld [tilespmem:s6+$0xA00];
	_ =	sdelay $0x2  }
0x99: {  	v20 =	vshll.u32 v19, $0x1  }
0x9a: {  	vm0 =	veq.s32 v19, $0x0;
	v19 =	vor.u32 v0, v20  }
0x9b: {  	v18 =	vsel vm0, $0x0, v18;
	[tilespmem:s6+$0x0] =	vst v19  }
0x9c: {  	s30 =	simm.s32 $0x0;
	s31 =	simm.s32 $0xA00;
	s0 =	simm.s32 $0xA80;
	[tilespmem:s6+$0xA00] =	vst v18  }
0x9d: {  	[tilespmem:s22], [sflag:$0x1] =	stream.indirect.gather [hbm4b:s15+s21], $0x20, s30, s21, $0xb8;
	[tilespmem:$0xCE00] =	vst v63  }
.LBB2_7:
0x9e: {  	s6 =	sshll.u32 s30, $0xA;
	_ =	swait.ge [sflag:s23], $0x1000  }
0x9f: {  	[sflag:s23] =	ssyncset.done $0x0;
	s4 =	sor.u32 $0x200, s6  }
0xa0: {  	s7 =	simm.s32 $0x1F00;
	[sflag:s23] =	ssyncadd.s32 $0xFFFFF000;
	s4 =	sshrl.u32 s4, $0x2  }
0xa1: {  	[tilespmem:s24], [sflag:$0x1] =	stream.indirect.gather [hbm4b:s15+s21], $0x20, s4, s21, $0xb8;
	[tilespmem:$0xCE00] =	vst v63  }
0xa2: {  	v24 =	vld [tilespmem:s7+$0xFFFFFFA0]  }
0xa3: {  	v21 =	vld [tilespmem:s7+$0xFFFFFFF0]  }
0xa4: {  	v18 =	vld [tilespmem:s7+$0xFFFFFF60]  }
0xa5: {  	v25 =	vld [tilespmem:s7+$0xFFFFFFD0]  }
0xa6: {  	v22 =	vmov s31;
	v26 =	vld [tilespmem:s7+$0x80]  }
0xa7: {  	v29 =	vld [tilespmem:s7+$0xFFFFFF10]  }
0xa8: {  	v33 =	vld [tilespmem:s7+$0xE0]  }
0xa9: {  	v28 =	vld [tilespmem:s7+$0xFFFFFF40]  }
0xaa: {  	s8 =	simm.s32 $0x0;
	v20 =	vld [tilespmem:s7+$0xFFFFFF90]  }
0xab: {  	v19 =	vld.idx.msk [tilespmem:v22+s8+$0x0 ss:$0x1], $0xffff  }
0xac: {  	v27 =	vld [tilespmem:s7+$0xFFFFFFC0]  }
0xad: {  	v30 =	vld [tilespmem:s7+$0xFFFFFF00]  }
0xae: {  	v31 =	vld [tilespmem:s7+$0xD0]  }
0xaf: {  	v40 =	vld [tilespmem:s7+$0xC0]  }
0xb0: {  	v38 =	vld [tilespmem:s7+$0x90];
	v36 =	vperm.xlane v19, v2;
	v23 =	vperm.xlane v19, v17  }
0xb1: {  	v39 =	vld [tilespmem:s7+$0xFFFFFF50];
	v37 =	vperm.xlane v19, v4;
	v35 =	vperm.xlane v19, v16  }
0xb2: {  	v34 =	vld [tilespmem:s7+$0xB0];
	v32 =	vperm.xlane v19, v14;
	v42 =	vmul.f32 v30, v36  }
0xb3: {  	s9 =	simm.s32 $0x1F00;
	s8 =	simm.s32 $0x40;
	v30 =	vperm.xlane v19, v15;
	v41 =	vmul.f32 v28, v37;
	v28 =	vld [tilespmem:s7+$0x60]  }
.LBB2_8:
0xb4: {  	p0 =	sne.s32 s8, $0x1C0  }
0xb5: {  	[tilespmem:s7+$0xFFFFFF00] =	vst v42;
	v42 =	vld [tilespmem:s7+$0xFFFFFFB0];
	v40 =	vmul.f32 v40, v35;
	v33 =	vmul.f32 v33, v23;
	s9 =	sadd.s32 $0x200, s9;
	s10 =	smov.u32 s8;
	s8 =	sadd.s32 $0x40, s8  }
0xb6: {  	[tilespmem:s7+$0xFFFFFF40] =	vst v41;
	v41 =	vperm.xlane v19, v12;
	v38 =	vmul.f32 v38, v32;
	v43 =	vld [tilespmem:s7+$0xA0]  }
0xb7: {  	v29 =	vmul.f32 v29, v36;
	v36 =	vmul.f32 v39, v37;
	v37 =	vld [tilespmem:s7+$0x70];
	[tilespmem:s7+$0xE0] =	vst v33  }
0xb8: {  	v33 =	vperm.xlane v19, v7;
	v39 =	vld [tilespmem:s7+$0xFFFFFFE0];
	v34 =	vmul.f32 v34, v30;
	[tilespmem:s7+$0xC0] =	vst v40  }
0xb9: {  	v31 =	vmul.f32 v31, v35;
	[tilespmem:s7+$0xFFFFFF10] =	vst v29;
	v29 =	vperm.xlane v19, v8;
	v40 =	vld [tilespmem:s7+$0x40]  }
0xba: {  	v44 =	vperm.xlane v19, v13;
	v24 =	vmul.f32 v24, v33;
	v35 =	vld [tilespmem:s7+$0xFFFFFF20];
	[tilespmem:s7+$0x90] =	vst v38  }
0xbb: {  	[tilespmem:s7+$0xFFFFFF50] =	vst v36;
	v36 =	vperm.xlane v19, v11;
	v38 =	vld [tilespmem:s7+$0x20];
	v30 =	vmul.f32 v43, v30  }
0xbc: {  	v33 =	vmul.f32 v42, v33;
	v42 =	vld [tilespmem:s7+$0x50];
	v37 =	vmul.f32 v37, v44;
	[tilespmem:s7+$0xD0] =	vst v31  }
0xbd: {  	v26 =	vmul.f32 v26, v32;
	v31 =	vperm.xlane v19, v9;
	v43 =	vld [tilespmem:s7+$0x30];
	[tilespmem:s7+$0xA0] =	vst v30  }
0xbe: {  	v27 =	vmul.f32 v27, v29;
	v30 =	vperm.xlane v19, v5;
	v32 =	vld [tilespmem:s7+$0x0];
	[tilespmem:s7+$0x70] =	vst v37  }
0xbf: {  	v28 =	vmul.f32 v28, v44;
	v25 =	vmul.f32 v25, v29;
	v29 =	vld [tilespmem:s7+$0x10];
	[tilespmem:s7+$0x80] =	vst v26  }
0xc0: {  	v37 =	vperm.xlane v19, v10;
	v40 =	vmul.f32 v40, v41;
	v26 =	vld [tilespmem:s7+$0xFFFFFF30];
	[tilespmem:s7+$0xB0] =	vst v34  }
0xc1: {  	v34 =	vperm.xlane v19, v3;
	v44 =	vld [tilespmem:s7+$0xFFFFFF70];
	[tilespmem:s7+$0xFFFFFFD0] =	vst v25;
	v41 =	vmul.f32 v42, v41  }
0xc2: {  	v21 =	vmul.f32 v21, v31;
	v25 =	vmul.f32 v39, v31;
	[tilespmem:s7+$0xFFFFFFC0] =	vst v27;
	v27 =	vld [tilespmem:s7+$0xF0]  }
0xc3: {  	v39 =	vmul.f32 v43, v36;
	v31 =	vld [tilespmem:s7+$0xFFFFFF80];
	[tilespmem:s7+$0xFFFFFFA0] =	vst v24;
	v32 =	vmul.f32 v32, v37  }
0xc4: {  	v24 =	vld [tilespmem:s9+$0xFFFFFFA0];
	[tilespmem:s7+$0xFFFFFFF0] =	vst v21;
	v37 =	vmul.f32 v29, v37;
	v29 =	vmul.f32 v38, v36  }
0xc5: {  	v21 =	vmul.f32 v35, v34;
	v34 =	vmul.f32 v26, v34;
	[tilespmem:s7+$0x60] =	vst v28  }
0xc6: {  	v18 =	vmul.f32 v18, v30;
	v26 =	vmul.f32 v44, v30;
	[tilespmem:s7+$0xFFFFFFB0] =	vst v33  }
0xc7: {  	v19 =	vperm.xlane v19, v6;
	[tilespmem:s7+$0xFFFFFF20] =	vst v21;
	v21 =	vmul.f32 v27, v23  }
0xc8: {  	[tilespmem:s7+$0xFFFFFF60] =	vst v18  }
0xc9: {  	v23 =	vmul.f32 v31, v19;
	v18 =	vmul.f32 v20, v19;
	[tilespmem:s7+$0x40] =	vst v40  }
0xca: {  	[tilespmem:s7+$0xFFFFFFE0] =	vst v25  }
0xcb: {  	[tilespmem:s7+$0xF0] =	vst v21  }
0xcc: {  	[tilespmem:s7+$0xFFFFFF90] =	vst v18  }
0xcd: {  	[tilespmem:s7+$0xFFFFFF70] =	vst v26  }
0xce: {  	v21 =	vld [tilespmem:s9+$0xFFFFFFF0];
	[tilespmem:s7+$0x20] =	vst v29  }
0xcf: {  	v18 =	vld [tilespmem:s9+$0xFFFFFF60];
	[tilespmem:s7+$0x30] =	vst v39  }
0xd0: {  	v25 =	vld [tilespmem:s9+$0xFFFFFFD0];
	[tilespmem:s7+$0xFFFFFF80] =	vst v23  }
0xd1: {  	v26 =	vld [tilespmem:s9+$0x80];
	[tilespmem:s7+$0x50] =	vst v41  }
0xd2: {  	v29 =	vld [tilespmem:s9+$0xFFFFFF10];
	[tilespmem:s7+$0x0] =	vst v32  }
0xd3: {  	v33 =	vld [tilespmem:s9+$0xE0];
	[tilespmem:s7+$0xFFFFFF30] =	vst v34  }
0xd4: {  	s10 =	sshra.s32 s10, $0x2;
	v28 =	vld [tilespmem:s9+$0xFFFFFF40];
	[tilespmem:s7+$0x10] =	vst v37;
	s7 =	smov.u32 s9  }
0xd5: {  	v19 =	vld.idx.msk [tilespmem:v22+s10+$0x0 ss:$0x1], $0xffff  }
0xd6: {  	v20 =	vld [tilespmem:s9+$0xFFFFFF90]  }
0xd7: {  	v27 =	vld [tilespmem:s9+$0xFFFFFFC0]  }
0xd8: {  	v30 =	vld [tilespmem:s9+$0xFFFFFF00]  }
0xd9: {  	v31 =	vld [tilespmem:s9+$0xD0]  }
.Ltmp2:
0xda: {  	v40 =	vld [tilespmem:s9+$0xC0];
	(pc) =	sbr.rel @p0 .LBB2_8-.Ltmp2, $4  }
0xdb: {  	v36 =	vperm.xlane v19, v2;
	v23 =	vperm.xlane v19, v17;
	v38 =	vld [tilespmem:s9+$0x90]  }
0xdc: {  	v37 =	vperm.xlane v19, v4;
	v35 =	vperm.xlane v19, v16;
	v39 =	vld [tilespmem:s9+$0xFFFFFF50]  }
0xdd: {  	v42 =	vmul.f32 v30, v36;
	v30 =	vperm.xlane v19, v15;
	v34 =	vld [tilespmem:s9+$0xB0]  }
0xde: {  	v32 =	vperm.xlane v19, v14;
	v41 =	vmul.f32 v28, v37;
	v28 =	vld [tilespmem:s9+$0x60]  }
0xdf: {  	[tilespmem:s7+$0xFFFFFF00] =	vst v42;
	v22 =	vmul.f32 v33, v23  }
0xe0: {  	v50 =	vmul.f32 v40, v35;
	[tilespmem:s7+$0xFFFFFF40] =	vst v41  }
0xe1: {  	v29 =	vmul.f32 v29, v36;
	[tilespmem:s7+$0xE0] =	vst v22  }
0xe2: {  	v26 =	vmul.f32 v26, v32;
	[tilespmem:s7+$0xC0] =	vst v50  }
0xe3: {  	v22 =	vmul.f32 v38, v32;
	[tilespmem:s7+$0xFFFFFF10] =	vst v29  }
0xe4: {  	v51 =	vld [tilespmem:s7+$0xA0];
	v59 =	vperm.xlane v19, v7;
	v37 =	vmul.f32 v39, v37;
	[tilespmem:s7+$0x80] =	vst v26  }
0xe5: {  	v52 =	vld [tilespmem:s7+$0x70];
	v62 =	vperm.xlane v19, v5;
	v29 =	vmul.f32 v31, v35;
	[tilespmem:s7+$0x90] =	vst v22  }
0xe6: {  	v54 =	vperm.xlane v19, v13;
	v24 =	vmul.f32 v24, v59;
	[tilespmem:s7+$0xFFFFFF50] =	vst v37  }
0xe7: {  	v18 =	vmul.f32 v18, v62;
	[tilespmem:s7+$0xD0] =	vst v29  }
0xe8: {  	v53 =	vld [tilespmem:s7+$0xFFFFFFB0];
	v28 =	vmul.f32 v28, v54;
	[tilespmem:s7+$0xFFFFFFA0] =	vst v24  }
0xe9: {  	v63 =	vld [tilespmem:s7+$0xF0];
	[tilespmem:s7+$0xFFFFFF60] =	vst v18;
	v55 =	vmul.f32 v51, v30  }
0xea: {  	v26 =	vperm.xlane v19, v9;
	v36 =	vmul.f32 v52, v54;
	[tilespmem:s7+$0x60] =	vst v28  }
0xeb: {  	v30 =	vmul.f32 v34, v30;
	[tilespmem:s7+$0xA0] =	vst v55  }
0xec: {  	v31 =	vld [tilespmem:s7+$0xFFFFFF20];
	v21 =	vmul.f32 v21, v26;
	[tilespmem:s7+$0x70] =	vst v36  }
0xed: {  	v58 =	vld [tilespmem:s7+$0x20];
	v29 =	vperm.xlane v19, v8;
	v24 =	vmul.f32 v53, v59;
	[tilespmem:s7+$0xB0] =	vst v30  }
0xee: {  	v56 =	vld [tilespmem:s7+$0x40];
	v18 =	vmul.f32 v63, v23;
	[tilespmem:s7+$0xFFFFFFF0] =	vst v21  }
0xef: {  	v61 =	vperm.xlane v19, v3;
	v22 =	vld [tilespmem:s7+$0xFFFFFFE0];
	v25 =	vmul.f32 v25, v29;
	[tilespmem:s7+$0xFFFFFFB0] =	vst v24  }
0xf0: {  	v57 =	vld [tilespmem:s7+$0x50];
	v23 =	vperm.xlane v19, v11;
	v27 =	vmul.f32 v27, v29;
	[tilespmem:s7+$0xF0] =	vst v18  }
0xf1: {  	v21 =	vperm.xlane v19, v12;
	v31 =	vmul.f32 v31, v61;
	[tilespmem:s7+$0xFFFFFFD0] =	vst v25  }
0xf2: {  	v28 =	vld [tilespmem:s7+$0xFFFFFF30];
	v18 =	vmul.f32 v58, v23;
	[tilespmem:s7+$0xFFFFFFC0] =	vst v27  }
0xf3: {  	v30 =	vld [tilespmem:s7+$0xFFFFFF70];
	v24 =	vmul.f32 v56, v21;
	[tilespmem:s7+$0xFFFFFF20] =	vst v31  }
0xf4: {  	v60 =	vld [tilespmem:s7+$0x30];
	v22 =	vmul.f32 v22, v26;
	v26 =	vperm.xlane v19, v6;
	[tilespmem:s7+$0x20] =	vst v18  }
0xf5: {  	v27 =	vld [tilespmem:s7+$0x10];
	v18 =	vmul.f32 v57, v21;
	[tilespmem:s7+$0x40] =	vst v24  }
0xf6: {  	v25 =	vld [tilespmem:s7+$0xFFFFFF80];
	v20 =	vmul.f32 v20, v26;
	[tilespmem:s7+$0xFFFFFFE0] =	vst v22  }
0xf7: {  	v29 =	vld [tilespmem:s7+$0x0];
	v21 =	vmul.f32 v28, v61;
	[tilespmem:s7+$0x50] =	vst v18  }
0xf8: {  	v19 =	vperm.xlane v19, v10;
	v22 =	vmul.f32 v30, v62;
	[tilespmem:s7+$0xFFFFFF90] =	vst v20  }
0xf9: {  	v20 =	vmul.f32 v60, v23;
	[tilespmem:s7+$0xFFFFFF30] =	vst v21  }
0xfa: {  	v18 =	vmul.f32 v27, v19;
	[tilespmem:s7+$0xFFFFFF70] =	vst v22  }
0xfb: {  	v22 =	vmul.f32 v25, v26;
	[tilespmem:s7+$0x30] =	vst v20  }
0xfc: {  	v20 =	vmul.f32 v29, v19;
	[tilespmem:s7+$0x10] =	vst v18  }
0xfd: {  	s8 =	sshrl.u32 s6, $0x2;
	[tilespmem:s7+$0xFFFFFF80] =	vst v22  }
0xfe: {  	s9 =	sadd.s32 $0x1400, s8;
	[tilespmem:s7+$0x0] =	vst v20  }
0xff: {  	[spmem:s5] =	stream.indirect.scatter.add.f32 [tilespmem:s22], [sflag:$0x2], $0x20, s9, s21, $0xb8;
	[tilespmem:$0xCE00] =	vst v63  }
0x100: {  	_ =	swait.ge [sflag:s18], $0x1000  }
0x101: {  	[sflag:s18] =	ssyncset.done $0x0  }
0x102: {  	[sflag:s18] =	ssyncadd.s32 $0xFFFFF000  }
0x103: {  	p0 =	seq.s32 s30, $0x9;
	_ =	swait.ge [sflag:s23], $0x1000  }
0x104: {  	s6 =	sshrl.u32 @!p0 s6, $0x2;
	s8 =	simm.s32 @!p0 $0x1E00;
	[sflag:s23] =	ssyncset.done $0x0  }
0x105: {  	s6 =	sadd.s32 @!p0 $0x100, s6;
	s7 =	simm.s32 @!p0 $0x80;
	[sflag:s23] =	ssyncadd.s32 $0xFFFFF000  }
0x106: {  	[tilespmem:s8], [sflag:$0x1] =	stream.indirect.gather @!p0 [hbm4b:s15+s7], $0x20, s6, s7, $0xb8;
	[tilespmem:$0xCE00] =	vst v63  }
0x107: {  	s6 =	simm.s32 $0x2FF0  }
0x108: {  	v24 =	vld [tilespmem:s6+$0xFFFFFEB0]  }
0x109: {  	v29 =	vld [tilespmem:s6+$0xFFFFFFF0]  }
0x10a: {  	v18 =	vld [tilespmem:s6+$0xFFFFFE70]  }
0x10b: {  	v21 =	vmov s0;
	v22 =	vld [tilespmem:s6+$0xFFFFFF00]  }
0x10c: {  	v25 =	vld [tilespmem:s6+$0xFFFFFEE0]  }
0x10d: {  	v26 =	vld [tilespmem:s6+$0xFFFFFF90]  }
0x10e: {  	v30 =	vld [tilespmem:s6+$0xFFFFFE20]  }
0x10f: {  	s10 =	simm.s32 $0x0;
	v28 =	vld [tilespmem:s6+$0xFFFFFE50]  }
0x110: {  	v19 =	vld.idx.msk [tilespmem:v21+s10+$0x0 ss:$0x1], $0xffff  }
0x111: {  	v20 =	vld [tilespmem:s6+$0xFFFFFEA0]  }
0x112: {  	v27 =	vld [tilespmem:s6+$0xFFFFFED0]  }
0x113: {  	v31 =	vld [tilespmem:s6+$0xFFFFFE10]  }
0x114: {  	v32 =	vld [tilespmem:s6+$0xFFFFFFE0]  }
0x115: {  	v40 =	vld [tilespmem:s6+$0xFFFFFFD0]  }
0x116: {  	v38 =	vld [tilespmem:s6+$0xFFFFFFA0];
	v36 =	vperm.xlane v19, v2;
	v23 =	vperm.xlane v19, v17  }
0x117: {  	v39 =	vld [tilespmem:s6+$0xFFFFFE60];
	v37 =	vperm.xlane v19, v4;
	v35 =	vperm.xlane v19, v16  }
0x118: {  	v34 =	vld [tilespmem:s6+$0xFFFFFFC0];
	v33 =	vperm.xlane v19, v14;
	v42 =	vmul.f32 v31, v36  }
0x119: {  	s7 =	simm.s32 $0x40;
	s8 =	simm.s32 $0x2FF0;
	v31 =	vperm.xlane v19, v15;
	v41 =	vmul.f32 v28, v37;
	v28 =	vld [tilespmem:s6+$0xFFFFFF70]  }
.LBB2_10:
0x11a: {  	p0 =	sne.s32 s7, $0x1C0  }
0x11b: {  	[tilespmem:s6+$0xFFFFFE10] =	vst v42;
	v42 =	vld [tilespmem:s6+$0xFFFFFEC0];
	v40 =	vmul.f32 v40, v35;
	v29 =	vmul.f32 v29, v23;
	s8 =	sadd.s32 $0x200, s8;
	s9 =	smov.u32 s7;
	s7 =	sadd.s32 $0x40, s7  }
0x11c: {  	[tilespmem:s6+$0xFFFFFE50] =	vst v41;
	v41 =	vperm.xlane v19, v12;
	v38 =	vmul.f32 v38, v33;
	v43 =	vld [tilespmem:s6+$0xFFFFFFB0]  }
0x11d: {  	v30 =	vmul.f32 v30, v36;
	v36 =	vmul.f32 v39, v37;
	v37 =	vld [tilespmem:s6+$0xFFFFFF80];
	[tilespmem:s6+$0xFFFFFFF0] =	vst v29  }
0x11e: {  	v29 =	vperm.xlane v19, v7;
	v39 =	vld [tilespmem:s6+$0xFFFFFEF0];
	v34 =	vmul.f32 v34, v31;
	[tilespmem:s6+$0xFFFFFFD0] =	vst v40  }
0x11f: {  	v32 =	vmul.f32 v32, v35;
	[tilespmem:s6+$0xFFFFFE20] =	vst v30;
	v30 =	vperm.xlane v19, v8;
	v40 =	vld [tilespmem:s6+$0xFFFFFF50]  }
0x120: {  	v44 =	vperm.xlane v19, v13;
	v24 =	vmul.f32 v24, v29;
	v35 =	vld [tilespmem:s6+$0xFFFFFE30];
	[tilespmem:s6+$0xFFFFFFA0] =	vst v38  }
0x121: {  	[tilespmem:s6+$0xFFFFFE60] =	vst v36;
	v36 =	vperm.xlane v19, v11;
	v38 =	vld [tilespmem:s6+$0xFFFFFF30];
	v31 =	vmul.f32 v43, v31  }
0x122: {  	v29 =	vmul.f32 v42, v29;
	v42 =	vld [tilespmem:s6+$0xFFFFFF60];
	v37 =	vmul.f32 v37, v44;
	[tilespmem:s6+$0xFFFFFFE0] =	vst v32  }
0x123: {  	v26 =	vmul.f32 v26, v33;
	v32 =	vperm.xlane v19, v9;
	v43 =	vld [tilespmem:s6+$0xFFFFFF40];
	[tilespmem:s6+$0xFFFFFFB0] =	vst v31  }
0x124: {  	v27 =	vmul.f32 v27, v30;
	v31 =	vperm.xlane v19, v5;
	v33 =	vld [tilespmem:s6+$0xFFFFFF10];
	[tilespmem:s6+$0xFFFFFF80] =	vst v37  }
0x125: {  	v28 =	vmul.f32 v28, v44;
	v25 =	vmul.f32 v25, v30;
	v30 =	vld [tilespmem:s6+$0xFFFFFF20];
	[tilespmem:s6+$0xFFFFFF90] =	vst v26  }
0x126: {  	v37 =	vperm.xlane v19, v10;
	v40 =	vmul.f32 v40, v41;
	v26 =	vld [tilespmem:s6+$0xFFFFFE40];
	[tilespmem:s6+$0xFFFFFFC0] =	vst v34  }
0x127: {  	v34 =	vperm.xlane v19, v3;
	v44 =	vld [tilespmem:s6+$0xFFFFFE80];
	[tilespmem:s6+$0xFFFFFEE0] =	vst v25;
	v41 =	vmul.f32 v42, v41  }
0x128: {  	v22 =	vmul.f32 v22, v32;
	v25 =	vmul.f32 v39, v32;
	[tilespmem:s6+$0xFFFFFED0] =	vst v27;
	v27 =	vld [tilespmem:s6+$0x0]  }
0x129: {  	v39 =	vmul.f32 v43, v36;
	v32 =	vld [tilespmem:s6+$0xFFFFFE90];
	[tilespmem:s6+$0xFFFFFEB0] =	vst v24;
	v33 =	vmul.f32 v33, v37  }
0x12a: {  	v24 =	vld [tilespmem:s8+$0xFFFFFEB0];
	[tilespmem:s6+$0xFFFFFF00] =	vst v22;
	v37 =	vmul.f32 v30, v37;
	v22 =	vmul.f32 v38, v36  }
0x12b: {  	v30 =	vmul.f32 v35, v34;
	v34 =	vmul.f32 v26, v34;
	[tilespmem:s6+$0xFFFFFF70] =	vst v28  }
0x12c: {  	v18 =	vmul.f32 v18, v31;
	v26 =	vmul.f32 v44, v31;
	[tilespmem:s6+$0xFFFFFEC0] =	vst v29  }
0x12d: {  	v19 =	vperm.xlane v19, v6;
	[tilespmem:s6+$0xFFFFFE30] =	vst v30;
	v23 =	vmul.f32 v27, v23  }
0x12e: {  	[tilespmem:s6+$0xFFFFFE70] =	vst v18  }
0x12f: {  	v27 =	vmul.f32 v32, v19;
	v18 =	vmul.f32 v20, v19;
	[tilespmem:s6+$0xFFFFFF50] =	vst v40  }
0x130: {  	[tilespmem:s6+$0xFFFFFEF0] =	vst v25  }
0x131: {  	[tilespmem:s6+$0x0] =	vst v23  }
0x132: {  	[tilespmem:s6+$0xFFFFFEA0] =	vst v18  }
0x133: {  	[tilespmem:s6+$0xFFFFFE80] =	vst v26  }
0x134: {  	v29 =	vld [tilespmem:s8+$0xFFFFFFF0];
	[tilespmem:s6+$0xFFFFFF30] =	vst v22  }
0x135: {  	v18 =	vld [tilespmem:s8+$0xFFFFFE70];
	[tilespmem:s6+$0xFFFFFF40] =	vst v39  }
0x136: {  	v22 =	vld [tilespmem:s8+$0xFFFFFF00];
	[tilespmem:s6+$0xFFFFFE90] =	vst v27  }
0x137: {  	v25 =	vld [tilespmem:s8+$0xFFFFFEE0];
	[tilespmem:s6+$0xFFFFFF60] =	vst v41  }
0x138: {  	v26 =	vld [tilespmem:s8+$0xFFFFFF90];
	[tilespmem:s6+$0xFFFFFF10] =	vst v33  }
0x139: {  	v30 =	vld [tilespmem:s8+$0xFFFFFE20];
	[tilespmem:s6+$0xFFFFFE40] =	vst v34  }
0x13a: {  	s9 =	sshra.s32 s9, $0x2;
	v28 =	vld [tilespmem:s8+$0xFFFFFE50];
	[tilespmem:s6+$0xFFFFFF20] =	vst v37;
	s6 =	smov.u32 s8  }
0x13b: {  	v19 =	vld.idx.msk [tilespmem:v21+s9+$0x0 ss:$0x1], $0xffff  }
0x13c: {  	v20 =	vld [tilespmem:s8+$0xFFFFFEA0]  }
0x13d: {  	v27 =	vld [tilespmem:s8+$0xFFFFFED0]  }
0x13e: {  	v31 =	vld [tilespmem:s8+$0xFFFFFE10]  }
0x13f: {  	v32 =	vld [tilespmem:s8+$0xFFFFFFE0]  }
.Ltmp3:
0x140: {  	v40 =	vld [tilespmem:s8+$0xFFFFFFD0];
	(pc) =	sbr.rel @p0 .LBB2_10-.Ltmp3, $4  }
0x141: {  	v36 =	vperm.xlane v19, v2;
	v23 =	vperm.xlane v19, v17;
	v38 =	vld [tilespmem:s8+$0xFFFFFFA0]  }
0x142: {  	v37 =	vperm.xlane v19, v4;
	v35 =	vperm.xlane v19, v16;
	v39 =	vld [tilespmem:s8+$0xFFFFFE60]  }
0x143: {  	v42 =	vmul.f32 v31, v36;
	v31 =	vperm.xlane v19, v15;
	v34 =	vld [tilespmem:s8+$0xFFFFFFC0]  }
0x144: {  	v33 =	vperm.xlane v19, v14;
	v41 =	vmul.f32 v28, v37;
	v28 =	vld [tilespmem:s8+$0xFFFFFF70]  }
0x145: {  	[tilespmem:s6+$0xFFFFFE10] =	vst v42;
	v21 =	vmul.f32 v29, v23  }
0x146: {  	v51 =	vmul.f32 v40, v35;
	[tilespmem:s6+$0xFFFFFE50] =	vst v41  }
0x147: {  	v30 =	vmul.f32 v30, v36;
	[tilespmem:s6+$0xFFFFFFF0] =	vst v21  }
0x148: {  	v56 =	vmul.f32 v32, v35;
	[tilespmem:s6+$0xFFFFFFD0] =	vst v51  }
0x149: {  	v54 =	vmul.f32 v38, v33;
	[tilespmem:s6+$0xFFFFFE20] =	vst v30  }
0x14a: {  	v62 =	vperm.xlane v19, v8;
	v26 =	vmul.f32 v26, v33;
	[tilespmem:s6+$0xFFFFFFE0] =	vst v56  }
0x14b: {  	v37 =	vmul.f32 v39, v37;
	[tilespmem:s6+$0xFFFFFFA0] =	vst v54  }
0x14c: {  	v43 =	vperm.xlane v19, v7;
	v25 =	vmul.f32 v25, v62;
	[tilespmem:s6+$0xFFFFFF90] =	vst v26  }
0x14d: {  	v52 =	vld [tilespmem:s6+$0xFFFFFFB0];
	v45 =	vperm.xlane v19, v9;
	v27 =	vmul.f32 v27, v62;
	[tilespmem:s6+$0xFFFFFE60] =	vst v37  }
0x14e: {  	v53 =	vld [tilespmem:s6+$0xFFFFFF80];
	v24 =	vmul.f32 v24, v43;
	[tilespmem:s6+$0xFFFFFEE0] =	vst v25  }
0x14f: {  	v55 =	vld [tilespmem:s6+$0xFFFFFEC0];
	v58 =	vperm.xlane v19, v13;
	v22 =	vmul.f32 v22, v45;
	[tilespmem:s6+$0xFFFFFED0] =	vst v27  }
0x150: {  	v57 =	vld [tilespmem:s6+$0xFFFFFE30];
	v41 =	vmul.f32 v34, v31;
	[tilespmem:s6+$0xFFFFFEB0] =	vst v24  }
0x151: {  	v61 =	vld [tilespmem:s6+$0xFFFFFF50];
	v28 =	vmul.f32 v28, v58;
	[tilespmem:s6+$0xFFFFFF00] =	vst v22  }
0x152: {  	v59 =	vld [tilespmem:s6+$0xFFFFFEF0];
	v60 =	vmul.f32 v52, v31;
	[tilespmem:s6+$0xFFFFFFC0] =	vst v41  }
0x153: {  	v50 =	vperm.xlane v19, v3;
	v36 =	vmul.f32 v53, v58;
	[tilespmem:s6+$0xFFFFFF70] =	vst v28  }
0x154: {  	v54 =	vperm.xlane v19, v12;
	v51 =	vmul.f32 v55, v43;
	[tilespmem:s6+$0xFFFFFFB0] =	vst v60  }
0x155: {  	v47 =	vld [tilespmem:s6+$0xFFFFFE80];
	v32 =	vmul.f32 v57, v50;
	[tilespmem:s6+$0xFFFFFF80] =	vst v36  }
0x156: {  	v44 =	vld [tilespmem:s6+$0xFFFFFF40];
	v52 =	vperm.xlane v19, v5;
	v56 =	vmul.f32 v61, v54;
	[tilespmem:s6+$0xFFFFFEC0] =	vst v51  }
0x157: {  	v53 =	vld [tilespmem:s6+$0x0];
	v21 =	vmul.f32 v59, v45;
	v57 =	vperm.xlane v19, v6;
	[tilespmem:s6+$0xFFFFFE30] =	vst v32  }
0x158: {  	v48 =	vld [tilespmem:s6+$0xFFFFFE90];
	v18 =	vmul.f32 v18, v52;
	[tilespmem:s6+$0xFFFFFF50] =	vst v56  }
0x159: {  	v42 =	vld [tilespmem:s6+$0xFFFFFF30];
	v58 =	vperm.xlane v19, v11;
	v20 =	vmul.f32 v20, v57;
	[tilespmem:s6+$0xFFFFFEF0] =	vst v21  }
0x15a: {  	v46 =	vld [tilespmem:s6+$0xFFFFFF10];
	v59 =	vmul.f32 v47, v52;
	[tilespmem:s6+$0xFFFFFE70] =	vst v18  }
0x15b: {  	v63 =	vld [tilespmem:s6+$0xFFFFFF60];
	v60 =	vmul.f32 v44, v58;
	[tilespmem:s6+$0xFFFFFEA0] =	vst v20  }
0x15c: {  	v55 =	vld [tilespmem:s6+$0xFFFFFE40];
	[tilespmem:s6+$0xFFFFFE80] =	vst v59;
	v18 =	vmul.f32 v53, v23  }
0x15d: {  	v49 =	vld [tilespmem:s6+$0xFFFFFF20];
	v19 =	vperm.xlane v19, v10;
	v61 =	vmul.f32 v48, v57;
	[tilespmem:s6+$0xFFFFFF40] =	vst v60  }
0x15e: {  	[tilespmem:s6+$0x0] =	vst v18;
	v18 =	vmul.f32 v42, v58  }
0x15f: {  	v62 =	vmul.f32 v46, v19;
	[tilespmem:s6+$0xFFFFFE90] =	vst v61  }
0x160: {  	[tilespmem:s6+$0xFFFFFF30] =	vst v18;
	v18 =	vmul.f32 v63, v54  }
0x161: {  	[tilespmem:s6+$0xFFFFFF10] =	vst v62;
	v63 =	vmul.f32 v55, v50  }
0x162: {  	s30 =	sadd.s32 $0x1, s30;
	[tilespmem:s6+$0xFFFFFF60] =	vst v18;
	v18 =	vmul.f32 v49, v19  }
0x163: {  	p0 =	sne.s32 s30, $0xA;
	[tilespmem:s6+$0xFFFFFE40] =	vst v63  }
.Ltmp4:
0x164: {  	s4 =	sadd.s32 $0x1400, s4;
	[tilespmem:s6+$0xFFFFFF20] =	vst v18;
	(pc) =	sbr.rel @p0 .LBB2_7-.Ltmp4, $4  }
0x165: {  	[spmem:s5] =	stream.indirect.scatter.add.f32 [tilespmem:s24], [sflag:$0x2], $0x20, s4, s21, $0xb8;
	[tilespmem:$0xCE00] =	vst v63  }
0x166: {  	_ =	swait.ge [sflag:s18], $0x1000  }
0x167: {  	[sflag:s18] =	ssyncset.done $0x0  }
0x168: {  	s31 =	sadd.s32 $0x100, s31;
	s0 =	sadd.s32 $0x100, s0;
	[sflag:s18] =	ssyncadd.s32 $0xFFFFF000  }
0x169: {  	s29 =	sadd.s32 $0x1, s29  }
0x16a: {  	p0 =	sne.s32 s29, $0x14  }
.Ltmp5:
0x16b: {  	_ = 	snop;
	(pc) =	sbr.rel @p0 .LBB2_4-.Ltmp5, $1  }
0x16c: {  	_ =	sdelay $0x3  }
0x16d: {  	[bflag:$0x0] =	sbarrier.arrive $0xFFFF  }
0x16e: {  	[tilespmem:s17], [sflag:$0x2] =	stream.linear.gather [spmem:s16], $0x1000, $0x38;
	[tilespmem:$0xCE00] =	vst v63  }
0x16f: {  	_ =	swait.ge [sflag:s18], $0x1000  }
0x170: {  	[sflag:s18] =	ssyncset.done $0x0  }
0x171: {  	s0 =	rddreg [dreg:$0x6];
	[sflag:s18] =	ssyncadd.s32 $0xFFFFF000  }
0x172: {  	[hbm4b:s0+s12] =	stream.linear.scatter [tilespmem:s17], [sflag:$0x2], $0x1000, $0x38;
	[tilespmem:$0xCE00] =	vst v63  }
0x173: {  	_ =	swait.ge [sflag:s18], $0x1000  }
0x174: {  	[sflag:s18] =	ssyncset.done $0x0  }
0x175: {  	s8 =	rddreg [dreg:$0xf];
	[sflag:s18] =	ssyncadd.s32 $0xFFFFF000  }
0x176: {  	[tilespmem:s17], [sflag:$0x2] =	stream.linear.gather [spmem:s8], $0x1000, $0x38;
	[tilespmem:$0xCE00] =	vst v63  }
0x177: {  	_ =	swait.ge [sflag:s18], $0x1000  }
0x178: {  	[sflag:s18] =	ssyncset.done $0x0  }
0x179: {  	s9 =	rddreg [dreg:$0x7];
	[sflag:s18] =	ssyncadd.s32 $0xFFFFF000  }
0x17a: {  	[hbm4b:s9+s12] =	stream.linear.scatter [tilespmem:s17], [sflag:$0x2], $0x1000, $0x38;
	[tilespmem:$0xCE00] =	vst v63  }
0x17b: {  	_ =	swait.ge [sflag:s18], $0x1000  }
0x17c: {  	[sflag:s18] =	ssyncset.done $0x0  }
0x17d: {  	s10 =	rddreg [dreg:$0x10];
	[sflag:s18] =	ssyncadd.s32 $0xFFFFF000  }
0x17e: {  	[tilespmem:s17], [sflag:$0x2] =	stream.linear.gather [spmem:s10], $0x1000, $0x38;
	[tilespmem:$0xCE00] =	vst v63  }
0x17f: {  	_ =	swait.ge [sflag:s18], $0x1000  }
0x180: {  	[sflag:s18] =	ssyncset.done $0x0  }
0x181: {  	s29 =	rddreg [dreg:$0x8];
	[sflag:s18] =	ssyncadd.s32 $0xFFFFF000  }
0x182: {  	[hbm4b:s29+s12] =	stream.linear.scatter [tilespmem:s17], [sflag:$0x2], $0x1000, $0x38;
	[tilespmem:$0xCE00] =	vst v63  }
0x183: {  	_ =	swait.ge [sflag:s18], $0x1000  }
0x184: {  	[sflag:s18] =	ssyncset.done $0x0  }
0x185: {  	s30 =	rddreg [dreg:$0x11];
	[sflag:s18] =	ssyncadd.s32 $0xFFFFF000  }
0x186: {  	[tilespmem:s17], [sflag:$0x2] =	stream.linear.gather [spmem:s30], $0x1000, $0x38;
	[tilespmem:$0xCE00] =	vst v63  }
0x187: {  	_ =	swait.ge [sflag:s18], $0x1000  }
0x188: {  	[sflag:s18] =	ssyncset.done $0x0  }
0x189: {  	s31 =	rddreg [dreg:$0x9];
	[sflag:s18] =	ssyncadd.s32 $0xFFFFF000  }
0x18a: {  	[hbm4b:s31+s12] =	stream.linear.scatter [tilespmem:s17], [sflag:$0x2], $0x1000, $0x38;
	[tilespmem:$0xCE00] =	vst v63  }
0x18b: {  	_ =	swait.ge [sflag:s18], $0x1000  }
0x18c: {  	[sflag:s18] =	ssyncset.done $0x0  }
0x18d: {  	s4 =	rddreg [dreg:$0x12];
	[sflag:s18] =	ssyncadd.s32 $0xFFFFF000  }
0x18e: {  	[tilespmem:s17], [sflag:$0x2] =	stream.linear.gather [spmem:s4], $0x1000, $0x38;
	[tilespmem:$0xCE00] =	vst v63  }
0x18f: {  	_ =	swait.ge [sflag:s18], $0x1000  }
0x190: {  	[sflag:s18] =	ssyncset.done $0x0  }
0x191: {  	s6 =	rddreg [dreg:$0xa];
	[sflag:s18] =	ssyncadd.s32 $0xFFFFF000  }
0x192: {  	[hbm4b:s6+s12] =	stream.linear.scatter [tilespmem:s17], [sflag:$0x2], $0x1000, $0x38;
	[tilespmem:$0xCE00] =	vst v63  }
0x193: {  	_ =	swait.ge [sflag:s18], $0x1000  }
0x194: {  	[sflag:s18] =	ssyncset.done $0x0  }
0x195: {  	s7 =	rddreg [dreg:$0x13];
	[sflag:s18] =	ssyncadd.s32 $0xFFFFF000  }
0x196: {  	[tilespmem:s17], [sflag:$0x2] =	stream.linear.gather [spmem:s7], $0x1000, $0x38;
	[tilespmem:$0xCE00] =	vst v63  }
0x197: {  	_ =	swait.ge [sflag:s18], $0x1000  }
0x198: {  	[sflag:s18] =	ssyncset.done $0x0  }
0x199: {  	s8 =	rddreg [dreg:$0xb];
	[sflag:s18] =	ssyncadd.s32 $0xFFFFF000  }
0x19a: {  	[hbm4b:s8+s12] =	stream.linear.scatter [tilespmem:s17], [sflag:$0x2], $0x1000, $0x38;
	[tilespmem:$0xCE00] =	vst v63  }
0x19b: {  	_ =	swait.ge [sflag:s18], $0x1000  }
0x19c: {  	[sflag:s18] =	ssyncset.done $0x0  }
0x19d: {  	s9 =	rddreg [dreg:$0x14];
	[sflag:s18] =	ssyncadd.s32 $0xFFFFF000  }
0x19e: {  	[tilespmem:s17], [sflag:$0x2] =	stream.linear.gather [spmem:s9], $0x1000, $0x38;
	[tilespmem:$0xCE00] =	vst v63  }
0x19f: {  	_ =	swait.ge [sflag:s18], $0x1000  }
0x1a0: {  	[sflag:s18] =	ssyncset.done $0x0  }
0x1a1: {  	s10 =	rddreg [dreg:$0xc];
	[sflag:s18] =	ssyncadd.s32 $0xFFFFF000  }
0x1a2: {  	[hbm4b:s10+s12] =	stream.linear.scatter [tilespmem:s17], [sflag:$0x2], $0x1000, $0x38;
	[tilespmem:$0xCE00] =	vst v63  }
0x1a3: {  	_ =	swait.ge [sflag:s18], $0x1000  }
0x1a4: {  	[sflag:s18] =	ssyncset.done $0x0  }
0x1a5: {  	s29 =	rddreg [dreg:$0x15];
	[sflag:s18] =	ssyncadd.s32 $0xFFFFF000  }
0x1a6: {  	[tilespmem:s17], [sflag:$0x2] =	stream.linear.gather [spmem:s29], $0x1000, $0x38;
	[tilespmem:$0xCE00] =	vst v63  }
0x1a7: {  	_ =	swait.ge [sflag:s18], $0x1000  }
0x1a8: {  	[sflag:s18] =	ssyncset.done $0x0  }
0x1a9: {  	s30 =	rddreg [dreg:$0xd];
	[sflag:s18] =	ssyncadd.s32 $0xFFFFF000  }
0x1aa: {  	[hbm4b:s30+s12] =	stream.linear.scatter [tilespmem:s17], [sflag:$0x2], $0x1000, $0x38;
	[tilespmem:$0xCE00] =	vst v63  }
0x1ab: {  	_ =	swait.ge [sflag:s18], $0x1000  }
0x1ac: {  	s26 =	sadd.s32 $0x1, s26;
	s31 =	rddreg [dreg:$0xe]  }
0x1ad: {  	p0 =	sne.s32 s26, s31  }
.Ltmp6:
0x1ae: {  	_ = 	snop;
	(pc) =	sbr.rel @p0 .LBB2_1-.Ltmp6, $3  }
0x1af: {  	_ =	sdelay $0x1  }
0x1b0: {  	[sflag:s18] =	ssyncset.done $0x0  }
0x1b1: {  	[sflag:s18] =	ssyncadd.s32 $0xFFFFF000  }
0x1b2: {  	_ =	sfence.sel $0x180000  }
0x1b3: {  	[bflag:$0x0] =	sbarrier.arrive $0xFFFF  }
0x1b4: {  	_ =	strace $0x90000047  }
0x1b5: {  	s0 =	stileid.u32;
	[bflag:$0x2] =	sbarrier.arrive $0xFFFF  }
0x1b6: {  	p0 =	sne.s32 s0, $0x0;
	s0 =	rddreg [dreg:$0x5]  }
0x1b7: {  	s0 =	sadd.s32 @!p0 $0x100000, s0  }
0x1b8: {  	[sflag:s0] =	ssyncadd.tile.s32 @!p0 $0x1;
	_ =	shalt  }
.Lfunc_end2:
_tile_overlayer_lowered:
.L_overlay_start_2:
0x1b9: {  	(tag) =	ssettag $0x2  }
0x1ba: {  	s0 =	rddreg [dreg:$0x0];
	s2 =	stileid.u32  }
0x1bb: {  	s1 =	rddreg [dreg:$0x1];
	p0 =	sne.s32 s2, $0x0  }
0x1bc: {  	s3 =	rddreg [dreg:$0x2];
	[bflag:$0x3] =	sbarrier.arrive $0xFFFF;
	s2 =	simm.s32 @!p0 $0x1C02  }
0x1bd: {  	[timem:s3], [sflag:s2] =	dma.local @!p0 [hbm:s0], s1  }
0x1be: {  	s0 =	simm.s32 @!p0 $0x2  }
0x1bf: {  	_ =	swait.ge @!p0 [sflag:s0], s1  }
0x1c0: {  	s1 =	ssub.s32 @!p0 $0x0, s1;
	[sflag:s0] =	ssyncset.done @!p0 $0x0  }
0x1c1: {  	[sflag:s0] =	ssyncadd.s32 @!p0 s1  }
0x1c2: {  	[bflag:$0x3] =	sbarrier.arrive $0xFFFF  }
0x1c3: {  	_ =	shalt  }

// kernel: kernel.7.cloned.1.call-start
scs
__scs_entry_jumppad:
0x0: {  	(pc) =	sbr.rel $0x88, $3  }
0x1: {  	(tag) =	ssettag $0x0;
	lr =	simm.s32 $0x1  }
0x2: {  	[smem:$0x3F9A] =	sst lr;
	_ =	strace $0xD0000000  }
0x3: {  	_ = 	snop  }
0x4: {  	_ = 	snop  }
0x5: {  	_ = 	snop  }
0x6: {  	_ = 	snop  }
0x7: {  	_ = 	snop  }
__scs_overlays_trampoline_lowered:
0x8: {  	[smem:$0x3FA9] =	sst s0  }
0x9: {  	[smem:$0x3FAA] =	sst s1  }
0xa: {  	[smem:$0x3FAB] =	sst s2  }
0xb: {  	[smem:$0x3FAC] =	sst s3  }
0xc: {  	[smem:$0x3FAD] =	sst s4  }
0xd: {  	[smem:$0x3FAE] =	sst s5  }
0xe: {  	[smem:$0x3FAF] =	sst s6  }
0xf: {  	[smem:$0x3FB0] =	sst s7  }
0x10: {  	[smem:$0x3FB1] =	sst s8  }
0x11: {  	[smem:$0x3FB2] =	sst s9;
	s0 =	simm.s32 @!p0 $0x0  }
0x12: {  	s1 =	sld [smem:$0x3F98];
	s0 =	simm.s32 @p0 $0x1  }
0x13: {  	[smem:$0x3FB3] =	sst s0;
	s0 =	simm.s32 @!p1 $0x0  }
0x14: {  	s2 =	sld [smem:$0x3F97];
	s0 =	simm.s32 @p1 $0x1  }
0x15: {  	[smem:$0x3FB4] =	sst s0;
	s0 =	simm.s32 @!p2 $0x0  }
0x16: {  	s3 =	sld [smem:$0x3FDB];
	s0 =	simm.s32 @p2 $0x1  }
0x17: {  	s4 =	simm.s32 $0x1BF5;
	[smem:$0x3FB6] =	sst s0  }
0x18: {  	s0 =	sld [smem:$0x3F99];
	_ =	swait.ge [sflag:s4], $0x0  }
0x19: {  	s7 =	sld [smem:$0x3F9A]  }
0x1a: {  	s8 =	sadd.s32 $0xFFFFE003, lr  }
0x1b: {  	s9 =	sadd.s32 $0xFFFFFEF7, lr;
	s5 =	simm.s32 $0xFFFFFFFF;
	p2 =	slt.u32 s8, $0xFFFFF086  }
0x1c: {  	p1 =	slt.u32 s9, $0xF7A;
	s5 =	simm.s32 @!p2 $0x0  }
0x1d: {  	s5 =	simm.s32 @p1 $0x1;
	p0 =	seq.s32 s7, s2  }
0x1e: {  	s7 =	smul.u32 @!p0 $0xF7A, s2;
	p2 =	seq.s32 @!p0 s5, $0x0  }
0x1f: {  	s9 =	smul.u32 $0xF7A, s1;
	s8 =	simm.s32 @!p0 $0x1BF5;
	p2 =	por !p2, p0  }
0x20: {  	[sflag:s8] =	ssyncset.s32 @!p0 $0xFFFFF086;
	s6 =	sadd.s32 @!p0 s3, s7;
	s7 =	simm.s32 @!p0 $0x108  }
0x21: {  	s3 =	sadd.s32 s3, s9;
	s6 =	sadd.s32 @!p0 $0x88, s6;
	s7 =	simm.s32 @p2 $0x1082  }
0x22: {  	[simem:s7], [sflag:s8] =	dma.local @!p0 [hbm:s6], $0xF7A  }
0x23: {  	s9 =	sor.u32 $0xD0000000, s2;
	s6 =	simm.s32 $0x108;
	_ =	swait.ge @!p0 [sflag:s8], $0x0  }
0x24: {  	s3 =	sadd.s32 $0x88, s3;
	s6 =	simm.s32 @!p1 $0x1082;
	[sflag:s4] =	ssyncset.s32 $0xFFFFF086  }
0x25: {  	[simem:s6], [sflag:s4] =	dma.local [hbm:s3], $0xF7A  }
0x26: {  	[smem:$0x3F9A] =	sst s1;
	(tag) =	ssettag s2;
	_ =	strace s9  }
0x27: {  	s1 =	sld [smem:$0x3FAA]  }
0x28: {  	s2 =	sld [smem:$0x3FAB]  }
0x29: {  	s4 =	sld [smem:$0x3FAD]  }
0x2a: {  	p0 =	seq.s32 s5, $0x0;
	s5 =	sld [smem:$0x3FAE]  }
0x2b: {  	s6 =	sld [smem:$0x3FAF]  }
0x2c: {  	s7 =	sld [smem:$0x3FB0]  }
0x2d: {  	s3 =	simm.s32 $0x108;
	s8 =	sld [smem:$0x3FB1]  }
0x2e: {  	s3 =	simm.s32 @!p0 $0x1082;
	s9 =	sld [smem:$0x3FB2]  }
0x2f: {  	lr =	sadd.s32 s0, s3;
	s0 =	sld [smem:$0x3FA9]  }
0x30: {  	s3 =	sld [smem:$0x3FAC]  }
0x31: {  	[smem:$0x3FB5] =	sst s10  }
0x32: {  	s10 =	sld [smem:$0x3FB3];
	_ =	sdelay $0x3  }
0x33: {  	p0 =	seq.s32 s10, $0x1;
	s10 =	sld [smem:$0x3FB5];
	_ =	sdelay $0x3  }
0x34: {  	[smem:$0x3FB5] =	sst s10  }
0x35: {  	s10 =	sld [smem:$0x3FB4];
	_ =	sdelay $0x3  }
0x36: {  	p1 =	seq.s32 s10, $0x1;
	s10 =	sld [smem:$0x3FB5];
	_ =	sdelay $0x3  }
0x37: {  	[smem:$0x3FB5] =	sst s10  }
0x38: {  	s10 =	sld [smem:$0x3FB6]  }
0x39: {  	_ = 	snop;
	(pc) =	sbr.ind lr, $3  }
0x3a: {  	_ = 	snop  }
0x3b: {  	_ = 	snop  }
0x3c: {  	p2 =	seq.s32 s10, $0x1;
	s10 =	sld [smem:$0x3FB5]  }
0x3d: {  	_ =	shalt  }
0x3e: {  	_ =	shalt  }
0x3f: {  	_ =	shalt  }
0x40: {  	_ =	shalt  }
0x41: {  	_ =	shalt  }
0x42: {  	_ =	shalt  }
0x43: {  	_ =	shalt  }
0x44: {  	_ =	shalt  }
0x45: {  	_ =	shalt  }
0x46: {  	_ =	shalt  }
0x47: {  	_ =	shalt  }
0x48: {  	_ =	shalt  }
0x49: {  	_ =	shalt  }
0x4a: {  	_ =	shalt  }
0x4b: {  	_ =	shalt  }
0x4c: {  	_ =	shalt  }
0x4d: {  	_ =	shalt  }
0x4e: {  	_ =	shalt  }
0x4f: {  	_ =	shalt  }
0x50: {  	_ =	shalt  }
0x51: {  	_ =	shalt  }
0x52: {  	_ =	shalt  }
0x53: {  	_ =	shalt  }
0x54: {  	_ =	shalt  }
0x55: {  	_ =	shalt  }
0x56: {  	_ =	shalt  }
0x57: {  	_ =	shalt  }
0x58: {  	_ =	shalt  }
0x59: {  	_ =	shalt  }
0x5a: {  	_ =	shalt  }
0x5b: {  	_ =	shalt  }
0x5c: {  	_ =	shalt  }
0x5d: {  	_ =	shalt  }
0x5e: {  	_ =	shalt  }
0x5f: {  	_ =	shalt  }
0x60: {  	_ =	shalt  }
0x61: {  	_ =	shalt  }
0x62: {  	_ =	shalt  }
0x63: {  	_ =	shalt  }
0x64: {  	_ =	shalt  }
0x65: {  	_ =	shalt  }
0x66: {  	_ =	shalt  }
0x67: {  	_ =	shalt  }
0x68: {  	_ =	shalt  }
0x69: {  	_ =	shalt  }
0x6a: {  	_ =	shalt  }
0x6b: {  	_ =	shalt  }
0x6c: {  	_ =	shalt  }
0x6d: {  	_ =	shalt  }
0x6e: {  	_ =	shalt  }
0x6f: {  	_ =	shalt  }
0x70: {  	_ =	shalt  }
0x71: {  	_ =	shalt  }
0x72: {  	_ =	shalt  }
0x73: {  	_ =	shalt  }
0x74: {  	_ =	shalt  }
0x75: {  	_ =	shalt  }
0x76: {  	_ =	shalt  }
0x77: {  	_ =	shalt  }
0x78: {  	_ =	shalt  }
0x79: {  	_ =	shalt  }
0x7a: {  	_ =	shalt  }
0x7b: {  	_ =	shalt  }
0x7c: {  	_ =	shalt  }
0x7d: {  	_ =	shalt  }
0x7e: {  	_ =	shalt  }
0x7f: {  	_ =	shalt  }
0x80: {  	_ =	shalt  }
0x81: {  	_ =	shalt  }
0x82: {  	_ =	shalt  }
0x83: {  	_ =	shalt  }
0x84: {  	_ =	shalt  }
0x85: {  	_ =	shalt  }
0x86: {  	_ =	shalt  }
0x87: {  	_ =	shalt  }
.Lfunc_end0:
.L_simem_size_0:
called_computation.1_lowered:
.L_overlay_start_0:
0x88: {  	s2 =	sld [smem:$0x3FD9]  }
0x89: {  	s3 =	sld [smem:$0x3FFE];
	_ =	sdelay $0x1  }
0x8a: {  	s1 =	srdreg.scid  }
0x8b: {  	s0 =	sand.u32 $0x1, s1  }
0x8c: {  	s17 =	sshll.u32 s0, $0xA;
	s2 =	sadd.s32 s3, s2  }
0x8d: {  	s2 =	sadd.s32 s2, s17  }
0x8e: {  	[smem:$0x3FC1] =	sst s2  }
0x8f: {  	_ = 	snop  }
0x90: {  	s2 =	sld [smem:$0x3FC9]  }
0x91: {  	s18 =	sld [smem:$0x3FC8]  }
0x92: {  	s4 =	sld [smem:$0x3FD0];
	(tm) =	ssettm $0x1  }
0x93: {  	s5 =	sld [smem:$0x3FFB];
	_ =	sdelay $0x3  }
0x94: {  	_ =	strace s5  }
0x95: {  	s5 =	sld [smem:$0x3FFC];
	_ =	sdelay $0x3  }
0x96: {  	_ =	strace s5  }
0x97: {  	s5 =	sld [smem:$0x3FFD];
	_ =	sdelay $0x3  }
0x98: {  	_ =	strace s5  }
0x99: {  	_ =	strace $0x8FFFFFFF  }
0x9a: {  	s19 =	sld [smem:$0x3FDB];
	_ =	sdelay $0x1  }
0x9b: {  	s6 =	simm.s32 $_scs_section_size  }
0x9c: {  	s7 =	simm.s32 $_size__tile_overlayer_lowered;
	s8 =	simm.s32 $_tile_overlayer_lowered  }
0x9d: {  	s22 =	simm.s32 $0x1BFF;
	s21 =	sshll.u32 s8, $0x1;
	s5 =	sadd.s32 s6, s19  }
0x9e: {  	s9 =	simm.s32 $0x0;
	s20 =	sshll.u32 s7, $0x1;
	s7 =	sadd.s32 s21, s5  }
0x9f: {  	[timem:s9], [sflag:s22] =	dma.local [hbm:s7], s20  }
0xa0: {  	_ =	swait.ge [sflag:s22], s20  }
0xa1: {  	s6 =	ssub.s32 $0x0, s20;
	[sflag:s22] =	ssyncset.done $0x0  }
0xa2: {  	[sflag:s22] =	ssyncadd.s32 s6;
	_ =	sdelay $0x1  }
0xa3: {  	s23 =	simm.s32 $0x1B8B  }
0xa4: {  	_ =	swait.ge [sflag:s23], $0x1  }
0xa5: {  	[sflag:s23] =	ssyncset.done $0x0  }
0xa6: {  	s25 =	simm.s32 $0x1B8E;
	s24 =	sld [smem:$0x3FFE];
	[sflag:s23] =	ssyncadd.s32 $0xFFFFFFFF  }
0xa7: {  	s26 =	simm.s32 $execute0_lowered;
	[smem:$0x3FD2] =	sst s25  }
0xa8: {  	s7 =	sshll.u32 s26, $0x1;
	_ =	strace $0x80000049;
	[dreg:$0x1] =	wrdreg $0xFFFFFFFF  }
0xa9: {  	s28 =	simm.s32 $_size_execute0_lowered;
	s5 =	sadd.s32 s5, s7;
	[dreg:$0x0] =	wrdreg $0x0  }
0xaa: {  	s7 =	sshll.u32 s28, $0x1;
	[dreg:$0x2] =	wrdreg s5  }
0xab: {  	[dreg:$0x3] =	wrdreg s7  }
0xac: {  	[dreg:$0x4] =	wrdreg $0xC0  }
0xad: {  	_ =	task [dreg:s9], $0x5FFFF  }
0xae: {  	[dreg:$0x1] =	wrdreg $0xFFFFFFFF  }
0xaf: {  	[dreg:$0x0] =	wrdreg $0x60  }
0xb0: {  	[dreg:$0x2] =	wrdreg s2  }
0xb1: {  	[dreg:$0x3] =	wrdreg s18  }
0xb2: {  	[dreg:$0x4] =	wrdreg s24  }
0xb3: {  	[dreg:$0x5] =	wrdreg s4  }
0xb4: {  	[dreg:$0x6] =	wrdreg $0x2C000  }
0xb5: {  	[dreg:$0x7] =	wrdreg $0x9  }
0xb6: {  	_ =	task.clear_ibuf [dreg:s9], $0x8FFFF;
	_ =	strace $0x90000049  }
0xb7: {  	s29 =	simm.s32 $0x9;
	_ =	strace $0x8000004B  }
0xb8: {  	_ =	swait.ge [sflag:s29], $0x1  }
0xb9: {  	[sflag:s29] =	ssyncadd.s32 $0xFFFFFFFF  }
0xba: {  	_ =	strace $0x9000004B  }
0xbb: {  	_ =	sfence  }
0xbc: {  	s30 =	sld [smem:$0x0];
	_ =	sdelay $0x2  }
0xbd: {  	s31 =	sshll.u32 s1, $0xD;
	s1 =	sshrl.u32 s1, $0x2  }
0xbe: {  	s3 =	sand.u32 $0x4000, s31;
	s1 =	sadd.s32 s1, s30  }
0xbf: {  	s0 =	sor.u32 s3, s0;
	s1 =	sshll.u32 s1, $0x11  }
0xc0: {  	s0 =	sor.u32 s1, s0  }
0xc1: {  	s0 =	sadd.s32 $0x8F2B, s0  }
0xc2: {  	[sflag:s0] =	ssyncadd.remote.s32 $0x1  }
0xc3: {  	_ =	sfence.sel $0xFFFF  }
0xc4: {  	[dreg:$0x0] =	wrdreg $0xFFFFFFFF;
	(pc) =	sbr.abs _section_cstart, $3  }
0xc5: {  	[dreg:$0x1] =	wrdreg $0xFFFFFFFF  }
0xc6: {  	_ =	task.clear_ibuf [dreg:s9], $0x2FFFF;
	_ =	strace $0x9FFFFFFF  }
0xc7: {  	(tm) =	ssettm $0x7FFFFFFF  }
tec
execute0_lowered:
.L_overlay_start_1:
0x0: {  	(tag) =	ssettag $0x1  }
0x1: {  	s6 =	rddreg [dreg:$0x0]  }
0x2: {  	s7 =	rddreg [dreg:$0x1]  }
0x3: {  	s5 =	rddreg [dreg:$0x2]  }
0x4: {  	s8 =	rddreg [dreg:$0x3]  }
0x5: {  	s1 =	rddreg [dreg:$0x4]  }
0x6: {  	s0 =	rddreg [dreg:$0x5]  }
0x7: {  	s3 =	simm.s32 $0x0;
	s4 =	srdreg.scid;
	s2 =	stileid.u32  }
0x8: {  	s14 =	simm.s32 $0x80;
	s15 =	simm.s32 $0x1;
	s16 =	simm.s32 $0xC00  }
0x9: {  	s17 =	simm.s32 $0x20;
	s18 =	simm.s32 $0x40;
	[smem:$0x7FF] =	sst s3  }
0xa: {  	s9 =	sand.u32 $0x1, s4;
	s4 =	sadd.s32 $0x20800, s5;
	s10 =	sshll.u32 s2, $0xC  }
0xb: {  	v1 =	vimm.f32 $0.0e+00;
	s12 =	sshll.u32 s2, $0xB;
	s30 =	sshll.u32 s2, $0x7;
	s31 =	sshll.u32 s2, $0x9  }
0xc: {  	v2 =	vimm.f32 $1.000000000e+00;
	v3 =	vimm.s32 $0x0;
	v4 =	vimm.s32 $0x1;
	_ =	strace $0x8000004A;
	s11 =	ssub.s32 $0x2, s9;
	s10 =	sadd.s32 s10, s5  }
0xd: {  	v5 =	vimm.s32 $0x2;
	v6 =	vimm.s32 $0x3;
	v7 =	vimm.s32 $0x4;
	s5 =	sadd.s32 s12, s1;
	s6 =	sadd.s32 s6, s30;
	s13 =	sshll.u32 s9, $0x10  }
0xe: {  	v8 =	vimm.s32 $0x5;
	v9 =	vimm.s32 $0x6;
	v0 =	vmov s9;
	s9 =	sshll.u32 s9, $0x2;
	s7 =	sadd.s32 s7, s30;
	s12 =	simm.s32 $0x2  }
0xf: {  	v10 =	vimm.s32 $0x7;
	v11 =	vimm.s32 $0x8;
	v12 =	vimm.s32 $0x9;
	s29 =	sshrl.u32 s11, $0x1;
	s10 =	sadd.s32 s13, s10;
	s9 =	sadd.s32 s8, s9  }
0x10: {  	v13 =	vimm.s32 $0xA;
	v14 =	vimm.s32 $0xB;
	v15 =	vimm.s32 $0xC;
	s13 =	simm.s32 $0x400;
	s11 =	ssub.s32 s11, s29;
	s8 =	sadd.s32 $0x800, s10  }
0x11: {  	v16 =	vimm.s32 $0xD;
	v17 =	vimm.s32 $0xE;
	v18 =	vimm.s32 $0xF;
	s9 =	sadd.s32 s31, s9;
	s10 =	smax.u32 s11, $0x1;
	s11 =	simm.s32 $0x1C00  }
.LBB2_1:
0x12: {  	s19 =	simm.s32 $0x80;
	s20 =	simm.s32 $0x0  }
.LBB2_2:
0x13: {  	p0 =	sne.s32 s19, $0x1F80;
	[tilespmem:s20+$0x1C00] =	vst v1;
	s21 =	smov.u32 s19;
	s19 =	sadd.s32 $0x80, s19  }
.Ltmp0:
0x14: {  	[tilespmem:s20+$0x1C10] =	vst v1;
	(pc) =	sbr.rel @p0 .LBB2_2-.Ltmp0, $2  }
0x15: {  	_ =	sdelay $0x2  }
0x16: {  	s20 =	sshra.s32 s21, $0x2  }
0x17: {  	[tilespmem:s20+$0x1C00] =	vst v1  }
0x18: {  	[tilespmem:s20+$0x1C10] =	vst v1  }
0x19: {  	[spmem:s5] =	stream.linear.scatter [tilespmem:s11], [sflag:$0x2], $0x800, $0x38;
	[tilespmem:$0x3400] =	vst v63  }
0x1a: {  	_ =	swait.ge [sflag:s12], $0x800  }
0x1b: {  	[sflag:s12] =	ssyncset.done $0x0  }
0x1c: {  	[sflag:s12] =	ssyncadd.s32 $0xFFFFF800  }
0x1d: {  	s19 =	simm.s32 $0x0;
	[bflag:$0x0] =	sbarrier.arrive $0xFFFF  }
0x1e: {  	[tilespmem:s19], [sflag:$0x2] =	stream.linear.gather [hbm4b:s6+s19], $0x400, $0x38;
	[tilespmem:$0x3400] =	vst v63  }
0x1f: {  	_ =	swait.ge [sflag:s12], $0x400  }
0x20: {  	[sflag:s12] =	ssyncset.done $0x0  }
0x21: {  	[sflag:s12] =	ssyncadd.s32 $0xFFFFFC00  }
0x22: {  	[tilespmem:s13], [sflag:$0x2] =	stream.linear.gather [hbm4b:s7+s19], $0x400, $0x38;
	[tilespmem:$0x3400] =	vst v63  }
0x23: {  	_ =	swait.ge [sflag:s12], $0x400  }
0x24: {  	[sflag:s12] =	ssyncset.done $0x0  }
0x25: {  	s20 =	simm.s32 $0x0;
	[sflag:s12] =	ssyncadd.s32 $0xFFFFFC00  }
0x26: {  	v19 =	vld [tilespmem:s20+$0x0];
	_ =	sdelay $0x4  }
0x27: {  	v20 =	vshll.u32 v19, $0x1  }
0x28: {  	vm0 =	veq.s32 v19, $0x0;
	v20 =	vor.u32 v0, v20  }
0x29: {  	s22 =	simm.s32 $0x10;
	s21 =	simm.s32 $0x80;
	v19 =	vsel vm0, $0x0, v2;
	[tilespmem:s20+$0x0] =	vst v20  }
.LBB2_4:
0x2a: {  	p0 =	sne.s32 s21, $0xFC0;
	v20 =	vld [tilespmem:s22+$0x0];
	[tilespmem:s20+$0x800] =	vst v19;
	s20 =	smov.u32 s22;
	_ =	sdelay $0x2  }
.Ltmp1:
0x2b: {  	(pc) =	sbr.rel @p0 .LBB2_4-.Ltmp1, $4  }
0x2c: {  	_ = 	snop  }
0x2d: {  	vm0 =	veq.s32 v20, $0x0;
	v20 =	vshll.u32 v20, $0x1  }
0x2e: {  	v19 =	vsel vm0, $0x0, v2;
	v20 =	vor.u32 v0, v20  }
0x2f: {  	s22 =	sshra.s32 s21, $0x2;
	s21 =	sadd.s32 $0x40, s21;
	[tilespmem:s20+$0x0] =	vst v20  }
0x30: {  	v20 =	vld [tilespmem:s22+$0x0];
	_ =	sdelay $0x4  }
0x31: {  	v21 =	vshll.u32 v20, $0x1  }
0x32: {  	[tilespmem:s20+$0x800] =	vst v19;
	vm0 =	veq.s32 v20, $0x0;
	v19 =	vor.u32 v0, v21  }
0x33: {  	v20 =	vsel vm0, $0x0, v2;
	[tilespmem:s22+$0x0] =	vst v19  }
0x34: {  	s20 =	simm.s32 $0x800;
	[tilespmem:s22+$0x800] =	vst v20  }
.LBB2_6:
0x35: {  	s21 =	sshll.u32 s19, $0x7  }
0x36: {  	[tilespmem:s11], [sflag:$0x1] =	stream.indirect.gather [hbm4b:s4+s14], $0x20, s21, s14, $0xb8;
	[tilespmem:$0x3400] =	vst v63  }
0x37: {  	_ =	swait.ge [sflag:s15], $0x1000  }
0x38: {  	s22 =	sshll.u32 s19, $0x9;
	[sflag:s15] =	ssyncset.done $0x0  }
0x39: {  	s23 =	simm.s32 $0x0;
	s22 =	sadd.s32 s22, s8;
	[sflag:s15] =	ssyncadd.s32 $0xFFFFF000  }
0x3a: {  	[tilespmem:s16], [sflag:$0x2] =	stream.linear.gather [hbm4b:s22+s23], $0x1000, $0x38;
	[tilespmem:$0x3400] =	vst v63  }
0x3b: {  	_ =	swait.ge [sflag:s12], $0x1000  }
0x3c: {  	[sflag:s12] =	ssyncset.done $0x0  }
0x3d: {  	s22 =	simm.s32 $0x0;
	[sflag:s12] =	ssyncadd.s32 $0xFFFFF000  }
0x3e: {  	v28 =	vld [tilespmem:s22+$0xC00]  }
0x3f: {  	v29 =	vld [tilespmem:s22+$0xC10]  }
0x40: {  	v37 =	vld [tilespmem:s22+$0xC20]  }
0x41: {  	v35 =	vld [tilespmem:s22+$0xC30]  }
0x42: {  	v36 =	vld [tilespmem:s22+$0xC50]  }
0x43: {  	v33 =	vld [tilespmem:s22+$0xC70]  }
0x44: {  	v34 =	vld [tilespmem:s22+$0xC90]  }
0x45: {  	v32 =	vld [tilespmem:s22+$0xCB0]  }
0x46: {  	v31 =	vld [tilespmem:s22+$0xCD0]  }
0x47: {  	v30 =	vld [tilespmem:s22+$0xCF0]  }
0x48: {  	v26 =	vld [tilespmem:s22+$0xD10]  }
0x49: {  	v47 =	vld [tilespmem:s22+$0xD30]  }
0x4a: {  	v21 =	vld [tilespmem:s22+$0xD50]  }
0x4b: {  	v24 =	vld [tilespmem:s22+$0xD70]  }
0x4c: {  	v22 =	vld [tilespmem:s22+$0xD90]  }
0x4d: {  	v25 =	vld [tilespmem:s22+$0xDB0]  }
0x4e: {  	v19 =	vld [tilespmem:s22+$0xDD0]  }
0x4f: {  	v23 =	vld [tilespmem:s22+$0xDF0]  }
0x50: {  	v27 =	vld [tilespmem:s22+$0x1DF0]  }
0x51: {  	v20 =	vld [tilespmem:s22+$0x1DD0]  }
0x52: {  	v45 =	vld [tilespmem:s22+$0x1DB0]  }
0x53: {  	v48 =	vld [tilespmem:s22+$0x1D90]  }
0x54: {  	v49 =	vld [tilespmem:s22+$0x1D70]  }
0x55: {  	v50 =	vld [tilespmem:s22+$0x1D50]  }
0x56: {  	v51 =	vld [tilespmem:s22+$0x1D30]  }
0x57: {  	v52 =	vld [tilespmem:s22+$0x1D10]  }
0x58: {  	v38 =	vld [tilespmem:s22+$0x1CF0]  }
0x59: {  	v39 =	vld [tilespmem:s22+$0x1CD0]  }
0x5a: {  	v40 =	vld [tilespmem:s22+$0x1CB0]  }
0x5b: {  	v41 =	vld [tilespmem:s22+$0x1C90]  }
0x5c: {  	v42 =	vld [tilespmem:s22+$0x1C70]  }
0x5d: {  	v43 =	vld [tilespmem:s22+$0x1C50]  }
0x5e: {  	v44 =	vld [tilespmem:s22+$0x1C30];
	v20 =	vmul.f32 v19, v20;
	v19 =	vmul.f32 v23, v27  }
0x5f: {  	v46 =	vld [tilespmem:s22+$0x1C20];
	v23 =	vmul.f32 v22, v48;
	v22 =	vmul.f32 v25, v45  }
0x60: {  	v45 =	vld [tilespmem:s22+$0x1C10];
	v25 =	vmul.f32 v21, v50;
	v24 =	vmul.f32 v24, v49  }
0x61: {  	s24 =	smov.u32 s20;
	s23 =	simm.s32 $0x800;
	v21 =	vld [tilespmem:s20+$0x0];
	v27 =	vmul.f32 v26, v52;
	v26 =	vmul.f32 v47, v51  }
.LBB2_7:
0x62: {  	p0 =	sne.s32 s23, $0x3800;
	v47 =	vld [tilespmem:s22+$0x1C00];
	v31 =	vmul.f32 v31, v39;
	v30 =	vmul.f32 v30, v38  }
0x63: {  	v34 =	vmul.f32 v34, v41;
	v32 =	vmul.f32 v32, v40;
	v38 =	vld [tilespmem:s22+$0xC40]  }
0x64: {  	v36 =	vmul.f32 v36, v43;
	v33 =	vmul.f32 v33, v42;
	v39 =	vld [tilespmem:s22+$0xC60]  }
0x65: {  	v35 =	vmul.f32 v35, v44;
	v37 =	vmul.f32 v37, v46;
	v40 =	vld [tilespmem:s22+$0x1C40]  }
0x66: {  	v29 =	vmul.f32 v29, v45;
	v41 =	vperm.xlane v21, v4;
	v42 =	vld [tilespmem:s22+$0x1C60]  }
0x67: {  	v43 =	vperm.xlane v21, v3;
	v28 =	vmul.f32 v28, v47;
	v44 =	vld [tilespmem:s22+$0xC80]  }
0x68: {  	v37 =	vmul.f32 v37, v41;
	v35 =	vmul.f32 v35, v41;
	v41 =	vld [tilespmem:s22+$0xCA0]  }
0x69: {  	v29 =	vmul.f32 v29, v43;
	v28 =	vmul.f32 v28, v43;
	v43 =	vld [tilespmem:s22+$0x1C80]  }
0x6a: {  	[tilespmem:s22+$0x1C20] =	vst v37;
	v37 =	vperm.xlane v21, v5;
	v38 =	vmul.f32 v38, v40;
	v40 =	vld [tilespmem:s22+$0x1CA0]  }
0x6b: {  	[tilespmem:s22+$0x1C00] =	vst v28;
	v28 =	vperm.xlane v21, v6;
	v39 =	vmul.f32 v39, v42;
	v42 =	vld [tilespmem:s22+$0xCC0]  }
0x6c: {  	[tilespmem:s22+$0x1C10] =	vst v29;
	v29 =	vmul.f32 v38, v37;
	v36 =	vmul.f32 v36, v37;
	v37 =	vld [tilespmem:s22+$0xCE0]  }
0x6d: {  	[tilespmem:s22+$0x1C30] =	vst v35;
	v35 =	vmul.f32 v39, v28;
	v28 =	vmul.f32 v33, v28;
	v33 =	vld [tilespmem:s22+$0x1CC0]  }
0x6e: {  	[tilespmem:s22+$0x1C40] =	vst v29;
	v29 =	vperm.xlane v21, v7;
	v38 =	vmul.f32 v44, v43;
	v39 =	vld [tilespmem:s22+$0x1CE0]  }
0x6f: {  	[tilespmem:s22+$0x1C50] =	vst v36;
	v36 =	vperm.xlane v21, v8;
	v40 =	vmul.f32 v41, v40;
	v41 =	vld [tilespmem:s22+$0xD00]  }
0x70: {  	[tilespmem:s22+$0x1C60] =	vst v35;
	v35 =	vmul.f32 v38, v29;
	v29 =	vmul.f32 v34, v29;
	v34 =	vld [tilespmem:s22+$0xD20]  }
0x71: {  	[tilespmem:s22+$0x1C70] =	vst v28;
	v28 =	vmul.f32 v40, v36;
	v32 =	vmul.f32 v32, v36;
	v36 =	vld [tilespmem:s22+$0x1D00]  }
0x72: {  	[tilespmem:s22+$0x1C80] =	vst v35;
	v35 =	vperm.xlane v21, v9;
	v33 =	vmul.f32 v42, v33;
	v38 =	vld [tilespmem:s22+$0x1D20]  }
0x73: {  	[tilespmem:s22+$0x1C90] =	vst v29;
	v29 =	vperm.xlane v21, v10;
	v37 =	vmul.f32 v37, v39;
	v39 =	vld [tilespmem:s22+$0xD40]  }
0x74: {  	[tilespmem:s22+$0x1CA0] =	vst v28;
	v28 =	vmul.f32 v33, v35;
	v31 =	vmul.f32 v31, v35;
	v33 =	vld [tilespmem:s22+$0xD60]  }
0x75: {  	[tilespmem:s22+$0x1CB0] =	vst v32;
	v32 =	vmul.f32 v37, v29;
	v29 =	vmul.f32 v30, v29;
	v30 =	vld [tilespmem:s22+$0x1D40]  }
0x76: {  	[tilespmem:s22+$0x1CC0] =	vst v28;
	v28 =	vperm.xlane v21, v11;
	v35 =	vmul.f32 v41, v36;
	v36 =	vld [tilespmem:s22+$0x1D60]  }
0x77: {  	[tilespmem:s22+$0x1CD0] =	vst v31;
	v31 =	vperm.xlane v21, v12;
	v34 =	vmul.f32 v34, v38;
	v37 =	vld [tilespmem:s22+$0xD80]  }
0x78: {  	[tilespmem:s22+$0x1CE0] =	vst v32;
	v32 =	vmul.f32 v35, v28;
	v27 =	vmul.f32 v27, v28;
	v35 =	vld [tilespmem:s22+$0xDA0]  }
0x79: {  	[tilespmem:s22+$0x1CF0] =	vst v29;
	v28 =	vmul.f32 v34, v31;
	v26 =	vmul.f32 v26, v31;
	v29 =	vld [tilespmem:s22+$0x1D80]  }
0x7a: {  	v31 =	vperm.xlane v21, v13;
	[tilespmem:s22+$0x1D00] =	vst v32;
	v30 =	vmul.f32 v39, v30;
	v32 =	vld [tilespmem:s22+$0x1DA0]  }
0x7b: {  	[tilespmem:s22+$0x1D10] =	vst v27;
	v27 =	vperm.xlane v21, v14;
	v33 =	vmul.f32 v33, v36;
	v34 =	vld [tilespmem:s22+$0xDC0]  }
0x7c: {  	v25 =	vmul.f32 v25, v31;
	[tilespmem:s22+$0x1D20] =	vst v28;
	v28 =	vmul.f32 v30, v31;
	v30 =	vld [tilespmem:s22+$0xDE0]  }
0x7d: {  	[tilespmem:s22+$0x1D30] =	vst v26;
	v26 =	vmul.f32 v33, v27;
	v24 =	vmul.f32 v24, v27;
	v27 =	vld [tilespmem:s22+$0x1DC0]  }
0x7e: {  	s25 =	sshra.s32 s23, $0x2;
	v31 =	vperm.xlane v21, v15;
	[tilespmem:s22+$0x1D40] =	vst v28;
	v33 =	vmul.f32 v37, v29;
	v38 =	vld [tilespmem:s22+$0x1DE0]  }
0x7f: {  	v28 =	vld [tilespmem:s25+$0xC00];
	[tilespmem:s22+$0x1D50] =	vst v25;
	v25 =	vperm.xlane v21, v16;
	v32 =	vmul.f32 v35, v32  }
0x80: {  	v23 =	vmul.f32 v23, v31;
	v29 =	vld [tilespmem:s25+$0xC10];
	[tilespmem:s22+$0x1D60] =	vst v26;
	v26 =	vmul.f32 v33, v31  }
0x81: {  	v37 =	vld [tilespmem:s25+$0xC20];
	[tilespmem:s22+$0x1D70] =	vst v24;
	v24 =	vmul.f32 v32, v25;
	v22 =	vmul.f32 v22, v25  }
0x82: {  	v25 =	vperm.xlane v21, v17;
	v35 =	vld [tilespmem:s25+$0xC30];
	[tilespmem:s22+$0x1D80] =	vst v26;
	v26 =	vmul.f32 v34, v27  }
0x83: {  	v21 =	vperm.xlane v21, v18;
	v36 =	vld [tilespmem:s25+$0xC50];
	[tilespmem:s22+$0x1D90] =	vst v23;
	v23 =	vmul.f32 v30, v38  }
0x84: {  	v20 =	vmul.f32 v20, v25;
	v33 =	vld [tilespmem:s25+$0xC70];
	[tilespmem:s22+$0x1DA0] =	vst v24;
	v24 =	vmul.f32 v26, v25  }
0x85: {  	v19 =	vmul.f32 v19, v21;
	v34 =	vld [tilespmem:s25+$0xC90];
	[tilespmem:s22+$0x1DB0] =	vst v22;
	v22 =	vmul.f32 v23, v21  }
0x86: {  	v32 =	vld [tilespmem:s25+$0xCB0];
	[tilespmem:s22+$0x1DC0] =	vst v24  }
0x87: {  	v31 =	vld [tilespmem:s25+$0xCD0];
	[tilespmem:s22+$0x1DD0] =	vst v20  }
0x88: {  	v30 =	vld [tilespmem:s25+$0xCF0];
	[tilespmem:s22+$0x1DE0] =	vst v22  }
0x89: {  	v26 =	vld [tilespmem:s25+$0xD10];
	[tilespmem:s22+$0x1DF0] =	vst v19;
	s22 =	smov.u32 s25  }
0x8a: {  	v47 =	vld [tilespmem:s22+$0xD30]  }
0x8b: {  	v21 =	vld [tilespmem:s22+$0xD50]  }
0x8c: {  	v24 =	vld [tilespmem:s22+$0xD70]  }
0x8d: {  	v22 =	vld [tilespmem:s22+$0xD90]  }
0x8e: {  	v25 =	vld [tilespmem:s22+$0xDB0]  }
0x8f: {  	v19 =	vld [tilespmem:s22+$0xDD0]  }
0x90: {  	v23 =	vld [tilespmem:s22+$0xDF0]  }
0x91: {  	v27 =	vld [tilespmem:s22+$0x1DF0]  }
0x92: {  	v20 =	vld [tilespmem:s22+$0x1DD0]  }
0x93: {  	v45 =	vld [tilespmem:s22+$0x1DB0]  }
0x94: {  	v48 =	vld [tilespmem:s22+$0x1D90]  }
0x95: {  	v49 =	vld [tilespmem:s22+$0x1D70]  }
0x96: {  	v50 =	vld [tilespmem:s22+$0x1D50]  }
0x97: {  	v51 =	vld [tilespmem:s22+$0x1D30]  }
0x98: {  	v52 =	vld [tilespmem:s22+$0x1D10]  }
0x99: {  	v38 =	vld [tilespmem:s22+$0x1CF0]  }
0x9a: {  	v39 =	vld [tilespmem:s22+$0x1CD0]  }
0x9b: {  	v40 =	vld [tilespmem:s22+$0x1CB0]  }
0x9c: {  	v41 =	vld [tilespmem:s22+$0x1C90]  }
0x9d: {  	v42 =	vld [tilespmem:s22+$0x1C70]  }
.Ltmp2:
0x9e: {  	v43 =	vld [tilespmem:s22+$0x1C50];
	(pc) =	sbr.rel @p0 .LBB2_7-.Ltmp2, $4  }
0x9f: {  	v20 =	vmul.f32 v19, v20;
	v19 =	vmul.f32 v23, v27;
	v44 =	vld [tilespmem:s22+$0x1C30]  }
0xa0: {  	v23 =	vmul.f32 v22, v48;
	v22 =	vmul.f32 v25, v45;
	v46 =	vld [tilespmem:s22+$0x1C20]  }
0xa1: {  	s24 =	sadd.s32 $0x10, s24;
	v24 =	vmul.f32 v24, v49;
	v25 =	vmul.f32 v21, v50;
	v45 =	vld [tilespmem:s22+$0x1C10]  }
0xa2: {  	s23 =	sadd.s32 $0x800, s23;
	v27 =	vmul.f32 v26, v52;
	v26 =	vmul.f32 v47, v51;
	v21 =	vld [tilespmem:s24+$0x0]  }
0xa3: {  	v36 =	vmul.f32 v36, v43  }
0xa4: {  	v33 =	vmul.f32 v33, v42;
	v34 =	vmul.f32 v34, v41  }
0xa5: {  	v47 =	vld [tilespmem:s22+$0x1C00];
	v32 =	vmul.f32 v32, v40;
	v31 =	vmul.f32 v31, v39  }
0xa6: {  	v48 =	vld [tilespmem:s22+$0xC40];
	v30 =	vmul.f32 v30, v38;
	v35 =	vmul.f32 v35, v44  }
0xa7: {  	v49 =	vld [tilespmem:s22+$0xC60];
	v37 =	vmul.f32 v37, v46;
	v63 =	vperm.xlane v21, v4  }
0xa8: {  	v50 =	vld [tilespmem:s22+$0x1C40];
	v29 =	vmul.f32 v29, v45;
	v52 =	vperm.xlane v21, v3  }
0xa9: {  	v51 =	vld [tilespmem:s22+$0x1C60];
	v60 =	vperm.xlane v21, v5;
	v37 =	vmul.f32 v37, v63  }
0xaa: {  	v53 =	vld [tilespmem:s22+$0xC80];
	v41 =	vperm.xlane v21, v11;
	v29 =	vmul.f32 v29, v52  }
0xab: {  	v54 =	vld [tilespmem:s22+$0x1C80];
	v44 =	vperm.xlane v21, v12;
	v58 =	vmul.f32 v35, v63;
	[tilespmem:s22+$0x1C20] =	vst v37  }
0xac: {  	v57 =	vld [tilespmem:s22+$0x1CA0];
	v28 =	vmul.f32 v28, v47;
	v36 =	vmul.f32 v36, v60;
	[tilespmem:s22+$0x1C10] =	vst v29  }
0xad: {  	v56 =	vld [tilespmem:s22+$0x1D00];
	v59 =	vmul.f32 v48, v50;
	v27 =	vmul.f32 v27, v41;
	[tilespmem:s22+$0x1C30] =	vst v58  }
0xae: {  	v40 =	vld [tilespmem:s22+$0xD80];
	v62 =	vmul.f32 v49, v51;
	v26 =	vmul.f32 v26, v44;
	[tilespmem:s22+$0x1C50] =	vst v36  }
0xaf: {  	v42 =	vld [tilespmem:s22+$0xDA0];
	v48 =	vperm.xlane v21, v6;
	v28 =	vmul.f32 v28, v52;
	[tilespmem:s22+$0x1D10] =	vst v27  }
0xb0: {  	v47 =	vld [tilespmem:s22+$0xCA0];
	v51 =	vperm.xlane v21, v7;
	v61 =	vmul.f32 v59, v60;
	[tilespmem:s22+$0x1D30] =	vst v26  }
0xb1: {  	v55 =	vperm.xlane v21, v8;
	v50 =	vld [tilespmem:s22+$0xD00];
	v43 =	vmul.f32 v62, v48;
	[tilespmem:s22+$0x1C00] =	vst v28  }
0xb2: {  	v45 =	vld [tilespmem:s22+$0x1D80];
	v52 =	vmul.f32 v53, v54;
	v34 =	vmul.f32 v34, v51;
	[tilespmem:s22+$0x1C40] =	vst v61  }
0xb3: {  	v35 =	vld [tilespmem:s22+$0xCC0];
	v59 =	vperm.xlane v21, v9;
	v28 =	vmul.f32 v33, v48;
	[tilespmem:s22+$0x1C60] =	vst v43  }
0xb4: {  	v63 =	vld [tilespmem:s22+$0x1CC0];
	v54 =	vmul.f32 v52, v51;
	[tilespmem:s22+$0x1C90] =	vst v34;
	v61 =	vperm.xlane v21, v10  }
0xb5: {  	v49 =	vld [tilespmem:s22+$0x1CE0];
	v31 =	vmul.f32 v31, v59;
	v37 =	vmul.f32 v47, v57;
	[tilespmem:s22+$0x1C70] =	vst v28  }
0xb6: {  	v29 =	vld [tilespmem:s22+$0xCE0];
	v33 =	vmul.f32 v50, v56;
	[tilespmem:s22+$0x1C80] =	vst v54;
	v28 =	vmul.f32 v32, v55  }
0xb7: {  	v62 =	vld [tilespmem:s22+$0x1D40];
	v50 =	vperm.xlane v21, v14;
	[tilespmem:s22+$0x1CD0] =	vst v31;
	v37 =	vmul.f32 v37, v55  }
0xb8: {  	v58 =	vld [tilespmem:s22+$0xD40];
	v56 =	vperm.xlane v21, v16;
	v33 =	vmul.f32 v33, v41;
	[tilespmem:s22+$0x1CB0] =	vst v28  }
0xb9: {  	v53 =	vld [tilespmem:s22+$0xD20];
	v35 =	vmul.f32 v35, v63;
	v24 =	vmul.f32 v24, v50;
	[tilespmem:s22+$0x1CA0] =	vst v37  }
0xba: {  	v48 =	vld [tilespmem:s22+$0xDC0];
	v54 =	vperm.xlane v21, v15;
	v22 =	vmul.f32 v22, v56;
	[tilespmem:s22+$0x1D00] =	vst v33  }
0xbb: {  	v52 =	vld [tilespmem:s22+$0x1DC0];
	v35 =	vmul.f32 v35, v59;
	v29 =	vmul.f32 v29, v49;
	[tilespmem:s22+$0x1D70] =	vst v24  }
0xbc: {  	v57 =	vld [tilespmem:s22+$0x1D20];
	v28 =	vmul.f32 v30, v61;
	v49 =	vperm.xlane v21, v13;
	[tilespmem:s22+$0x1DB0] =	vst v22  }
0xbd: {  	v60 =	vld [tilespmem:s22+$0xD60];
	v32 =	vmul.f32 v58, v62;
	v23 =	vmul.f32 v23, v54;
	[tilespmem:s22+$0x1CC0] =	vst v35  }
0xbe: {  	v63 =	vld [tilespmem:s22+$0x1D60];
	v30 =	vmul.f32 v40, v45;
	v29 =	vmul.f32 v29, v61;
	[tilespmem:s22+$0x1CF0] =	vst v28  }
0xbf: {  	v46 =	vld [tilespmem:s22+$0x1DA0];
	v59 =	vperm.xlane v21, v17;
	v32 =	vmul.f32 v32, v49;
	[tilespmem:s22+$0x1D90] =	vst v23  }
0xc0: {  	v51 =	vld [tilespmem:s22+$0xDE0];
	v26 =	vmul.f32 v48, v52;
	v25 =	vmul.f32 v25, v49;
	[tilespmem:s22+$0x1CE0] =	vst v29  }
0xc1: {  	v55 =	vld [tilespmem:s22+$0x1DE0];
	v36 =	vmul.f32 v53, v57;
	v57 =	vmul.f32 v30, v54;
	[tilespmem:s22+$0x1D40] =	vst v32  }
0xc2: {  	v20 =	vmul.f32 v20, v59;
	[tilespmem:s22+$0x1D50] =	vst v25  }
0xc3: {  	v34 =	vmul.f32 v60, v63;
	v62 =	vmul.f32 v26, v59;
	[tilespmem:s22+$0x1D80] =	vst v57  }
0xc4: {  	v60 =	vperm.xlane v21, v18;
	v47 =	vmul.f32 v36, v44;
	[tilespmem:s22+$0x1DD0] =	vst v20  }
0xc5: {  	v29 =	vmul.f32 v42, v46;
	v53 =	vmul.f32 v34, v50;
	[tilespmem:s22+$0x1DC0] =	vst v62  }
0xc6: {  	v61 =	vmul.f32 v51, v55;
	v19 =	vmul.f32 v19, v60;
	[tilespmem:s22+$0x1D20] =	vst v47  }
0xc7: {  	v58 =	vmul.f32 v29, v56;
	[tilespmem:s22+$0x1D60] =	vst v53  }
0xc8: {  	s19 =	sadd.s32 $0x1, s19;
	v63 =	vmul.f32 v61, v60;
	[tilespmem:s22+$0x1DF0] =	vst v19  }
0xc9: {  	p0 =	sne.s32 s19, $0x8;
	[tilespmem:s22+$0x1DA0] =	vst v58  }
.Ltmp3:
0xca: {  	s21 =	sadd.s32 $0x400, s21;
	[tilespmem:s22+$0x1DE0] =	vst v63;
	(pc) =	sbr.rel @p0 .LBB2_6-.Ltmp3, $4  }
0xcb: {  	[spmem:s1] =	stream.indirect.scatter.add.f32 [tilespmem:s11], [sflag:$0x2], $0x20, s21, s14, $0xb8;
	[tilespmem:$0x3400] =	vst v63  }
0xcc: {  	_ =	swait.ge [sflag:s12], $0x1000  }
0xcd: {  	[sflag:s12] =	ssyncset.done $0x0  }
0xce: {  	s20 =	sadd.s32 $0x80, s20;
	[sflag:s12] =	ssyncadd.s32 $0xFFFFF000  }
0xcf: {  	[bflag:$0x0] =	sbarrier.arrive $0xFFFF  }
0xd0: {  	[tilespmem:s11], [sflag:$0x2] =	stream.linear.gather [spmem:s5], $0x800, $0x38;
	[tilespmem:$0x3400] =	vst v63  }
0xd1: {  	s3 =	sadd.s32 $0x1, s3;
	_ =	swait.ge [sflag:s12], $0x800  }
0xd2: {  	p0 =	sne.s32 s3, s10;
	[sflag:s12] =	ssyncset.done $0x0  }
.Ltmp4:
0xd3: {  	[sflag:s12] =	ssyncadd.s32 $0xFFFFF800;
	(pc) =	sbr.rel @p0 .LBB2_1-.Ltmp4, $4  }
0xd4: {  	[hbm4b:s9+s17] =	stream.strided.scatter [tilespmem:s11], [sflag:$0x2], $0x800, s18, s17, $0x38;
	[tilespmem:$0x3400] =	vst v63  }
0xd5: {  	_ =	swait.ge [sflag:s12], $0x800  }
0xd6: {  	[sflag:s12] =	ssyncset.done $0x0  }
0xd7: {  	[sflag:s12] =	ssyncadd.s32 $0xFFFFF800  }
0xd8: {  	_ =	sfence.sel $0x180000  }
0xd9: {  	[bflag:$0x0] =	sbarrier.arrive $0xFFFF  }
0xda: {  	p0 =	sne.s32 s2, $0x0;
	_ =	strace $0x9000004A  }
0xdb: {  	s0 =	sadd.s32 @!p0 $0x100000, s0;
	[bflag:$0x2] =	sbarrier.arrive $0xFFFF  }
0xdc: {  	[sflag:s0] =	ssyncadd.tile.s32 @!p0 $0x1;
	_ =	shalt  }
.Lfunc_end2:
_tile_overlayer_lowered:
.L_overlay_start_2:
0xdd: {  	(tag) =	ssettag $0x2  }
0xde: {  	s0 =	rddreg [dreg:$0x0];
	s2 =	stileid.u32  }
0xdf: {  	s1 =	rddreg [dreg:$0x1];
	p0 =	sne.s32 s2, $0x0  }
0xe0: {  	s3 =	rddreg [dreg:$0x2];
	[bflag:$0x3] =	sbarrier.arrive $0xFFFF;
	s2 =	simm.s32 @!p0 $0x1C02  }
0xe1: {  	[timem:s3], [sflag:s2] =	dma.local @!p0 [hbm:s0], s1  }
0xe2: {  	s0 =	simm.s32 @!p0 $0x2  }
0xe3: {  	_ =	swait.ge @!p0 [sflag:s0], s1  }
0xe4: {  	s1 =	ssub.s32 @!p0 $0x0, s1;
	[sflag:s0] =	ssyncset.done @!p0 $0x0  }
0xe5: {  	[sflag:s0] =	ssyncadd.s32 @!p0 s1  }
0xe6: {  	[bflag:$0x3] =	sbarrier.arrive $0xFFFF  }
0xe7: {  	_ =	shalt  }

</sc_bundles>
